<compile_context>
chip_gen: v7x
topology: tpu7x:2x2x1
jax: 0.10.2.dev20260603
libtpu: 0.0.44.dev20260713+nightly
codegen_flags: <defaults>
</compile_context>

<pallas_src>
import functools

import jax
import jax.numpy as jnp
from jax import lax
from jax.experimental import pallas as pl
from jax.experimental.pallas import tpu as pltpu
from jax.experimental.pallas import tpu_sc as plsc

NUM_FACTORS = 32
VOCAB = 1000001
BATCH = 16384
H0, H1, H2 = 64, 32, 16

NC, NS = 2, 16
NW = NC * NS
BPW = BATCH // NW
CH = 64
NCH = BPW // CH

CBLK = 16384
QB = CBLK // 4
NBLK = pl.cdiv(VOCAB, CBLK)
NPACK = NBLK * QB
BLK = 2048


def _repack_body(*refs):
    in_refs, out_refs = refs[:4], refs[4:]
    for in_ref, out_ref in zip(in_refs, out_refs):
        x = in_ref[...]
        y = jnp.concatenate(
            [x[:, c * QB:(c + 1) * QB] for c in range(4)], axis=0)
        out_ref[...] = y.T


def _tc_repack4(t0, t1, t2, t3):
    return pl.pallas_call(
        _repack_body,
        grid=(NBLK,),
        in_specs=[pl.BlockSpec((NUM_FACTORS, CBLK), lambda i: (0, i))] * 4,
        out_specs=[pl.BlockSpec((QB, 4 * NUM_FACTORS), lambda i: (i, 0))] * 4,
        out_shape=[jax.ShapeDtypeStruct((NPACK, 4 * NUM_FACTORS),
                                        jnp.float32)] * 4,
    )(t0, t1, t2, t3)


def _sc_gather(gu, gi, Pp, Qp, Up, Vp):
    mesh = plsc.VectorSubcoreMesh(core_axis_name="c", subcore_axis_name="s")
    out_t = tuple(jax.ShapeDtypeStruct((BATCH, 4 * NUM_FACTORS), jnp.float32)
                  for _ in range(4))

    buf = lambda: pltpu.VMEM((2, CH, 4 * NUM_FACTORS), jnp.float32)

    @functools.partial(
        pl.kernel, mesh=mesh, out_type=out_t,
        scratch_types=[
            pltpu.VMEM((BPW,), jnp.int32),
            pltpu.VMEM((BPW,), jnp.int32),
            buf(), buf(), buf(), buf(),
            pltpu.SemaphoreType.DMA,
            pltpu.SemaphoreType.DMA,
        ],
    )
    def gather_kernel(gu_hbm, gi_hbm, p_hbm, q_hbm, u_hbm, v_hbm,
                      p_out, q_out, u_out, v_out,
                      uidx, iidx, pr, qr, ur, vr, sg, sw):
        wid = lax.axis_index("s") * NC + lax.axis_index("c")
        base = wid * BPW
        pltpu.sync_copy(gu_hbm.at[pl.ds(base, BPW)], uidx)
        pltpu.sync_copy(gi_hbm.at[pl.ds(base, BPW)], iidx)

        def fire(j):
            b = j % 2
            iu = uidx.at[pl.ds(j * CH, CH)]
            ii = iidx.at[pl.ds(j * CH, CH)]
            return [
                pltpu.async_copy(p_hbm.at[iu], pr.at[b], sg),
                pltpu.async_copy(u_hbm.at[iu], ur.at[b], sg),
                pltpu.async_copy(q_hbm.at[ii], qr.at[b], sg),
                pltpu.async_copy(v_hbm.at[ii], vr.at[b], sg),
            ]

        def drain(j):
            b = j % 2
            sl = pl.ds(base + j * CH, CH)
            return [
                pltpu.async_copy(pr.at[b], p_out.at[sl], sw),
                pltpu.async_copy(qr.at[b], q_out.at[sl], sw),
                pltpu.async_copy(ur.at[b], u_out.at[sl], sw),
                pltpu.async_copy(vr.at[b], v_out.at[sl], sw),
            ]

        gathers = {0: fire(0)}
        writes = {}
        for j in range(NCH):
            if j + 1 < NCH:
                if j - 1 >= 0:
                    for c in writes.pop(j - 1):
                        c.wait()
                gathers[j + 1] = fire(j + 1)
            for c in gathers.pop(j):
                c.wait()
            writes[j] = drain(j)
        for cs in writes.values():
            for c in cs:
                c.wait()

    return gather_kernel(gu, gi, Pp, Qp, Up, Vp)


def _extract(g, off_ref):
    out = jnp.zeros((g.shape[0], NUM_FACTORS), jnp.float32)
    for c in range(4):
        sel = off_ref == (c * NUM_FACTORS)
        out = jnp.where(sel, g[:, c * NUM_FACTORS:(c + 1) * NUM_FACTORS], out)
    return out


def _mlp_body(p_ref, q_ref, u_ref, v_ref, ou_ref, oi_ref,
              w0_ref, b0_ref, w1_ref, b1_ref, w2_ref, b2_ref, wp_ref,
              out_ref):
    hi = lax.Precision.HIGHEST
    ou = ou_ref[...]
    oi = oi_ref[...]
    p = _extract(p_ref[...], ou)
    q = _extract(q_ref[...], oi)
    u = _extract(u_ref[...], ou)
    v = _extract(v_ref[...], oi)
    gmf = p * q
    w0 = w0_ref[...]
    h = (jnp.dot(u, w0[:NUM_FACTORS], precision=hi)
         + jnp.dot(v, w0[NUM_FACTORS:], precision=hi) + b0_ref[...])
    h = jnp.maximum(h, 0.0)
    h = jnp.maximum(jnp.dot(h, w1_ref[...], precision=hi) + b1_ref[...], 0.0)
    h = jnp.maximum(jnp.dot(h, w2_ref[...], precision=hi) + b2_ref[...], 0.0)
    wp = wp_ref[...]
    out_ref[...] = (jnp.dot(gmf, wp[:NUM_FACTORS], precision=hi)
                    + jnp.dot(h, wp[NUM_FACTORS:], precision=hi))


def _mlp(gp, gq, gu, gv, ou, oi, W0, b0, W1, b1, W2, b2, Wp):
    n_blk = BATCH // BLK
    row_spec = lambda d: pl.BlockSpec((BLK, d), lambda i: (i, 0))
    full = lambda s: pl.BlockSpec(s, lambda i: (0, 0))
    return pl.pallas_call(
        _mlp_body,
        grid=(n_blk,),
        in_specs=[
            row_spec(4 * NUM_FACTORS), row_spec(4 * NUM_FACTORS),
            row_spec(4 * NUM_FACTORS), row_spec(4 * NUM_FACTORS),
            row_spec(1), row_spec(1),
            full((2 * NUM_FACTORS, H0)), full((1, H0)),
            full((H0, H1)), full((1, H1)),
            full((H1, H2)), full((1, H2)),
            full((H2 + NUM_FACTORS, 1)),
        ],
        out_specs=pl.BlockSpec((BLK, 1), lambda i: (i, 0)),
        out_shape=jax.ShapeDtypeStruct((BATCH, 1), jnp.float32),
    )(gp, gq, gu, gv, ou, oi, W0, b0.reshape(1, H0), W1, b1.reshape(1, H1),
      W2, b2.reshape(1, H2), Wp)


def kernel(user_id, item_id, P, Q, U, V, W0, b0, W1, b1, W2, b2, Wp):
    uid = user_id.astype(jnp.int32)
    iid = item_id.astype(jnp.int32)
    last_full = (NBLK - 1) * CBLK
    clamp_start = VOCAB - CBLK

    def packed_coords(idx):
        tail = idx >= last_full
        b = jnp.where(tail, NBLK - 1, idx // CBLK)
        r = jnp.where(tail, idx - clamp_start, idx % CBLK)
        g = b * QB + r % QB
        off = (r // QB) * NUM_FACTORS
        return g, off

    gu, ou = packed_coords(uid)
    gi, oi = packed_coords(iid)
    Pp, Qp, Up, Vp = _tc_repack4(P.T, Q.T, U.T, V.T)
    gp, gq, gub, gvb = _sc_gather(gu, gi, Pp, Qp, Up, Vp)
    return _mlp(gp, gq, gub, gvb, ou.reshape(BATCH, 1), oi.reshape(BATCH, 1),
                W0, b0, W1, b1, W2, b2, Wp)

# --- scband reference (transcript-rebuilt; emitter-appended) ---
"""Pipeline reference for scband-neu-mf-70428873719979 (READ-ONLY COPY).

The authoritative reference and input builder live on the scoring server;
editing this copy changes nothing except your own understanding.
"""

import jax, jax.numpy as jnp
import numpy as np

NUM_FACTORS = 32
NUM_USERS = 1000000
NUM_ITEMS = 1000000
HIDDENS = [64, 32, 16]
BATCH = 16384


def setup_inputs(seed: int = 0) -> dict:
    key = jax.random.key(seed)
    ks = jax.random.split(key, 16)
    user_id = jax.random.randint(ks[0], (BATCH,), 0, NUM_USERS, dtype=jnp.int64 if jax.config.jax_enable_x64 else jnp.int32)
    item_id = jax.random.randint(ks[1], (BATCH,), 0, NUM_ITEMS, dtype=jnp.int64 if jax.config.jax_enable_x64 else jnp.int32)
    P = jax.random.normal(ks[2], (NUM_USERS + 1, NUM_FACTORS), dtype=jnp.float32) * 0.01
    Q = jax.random.normal(ks[3], (NUM_ITEMS + 1, NUM_FACTORS), dtype=jnp.float32) * 0.01
    U = jax.random.normal(ks[4], (NUM_USERS + 1, NUM_FACTORS), dtype=jnp.float32) * 0.01
    V = jax.random.normal(ks[5], (NUM_ITEMS + 1, NUM_FACTORS), dtype=jnp.float32) * 0.01
    W0 = jax.random.normal(ks[6], (NUM_FACTORS * 2, HIDDENS[0]), dtype=jnp.float32) * 0.01
    b0 = jax.random.normal(ks[7], (HIDDENS[0],), dtype=jnp.float32) * 0.01
    W1 = jax.random.normal(ks[8], (HIDDENS[0], HIDDENS[1]), dtype=jnp.float32) * 0.01
    b1 = jax.random.normal(ks[9], (HIDDENS[1],), dtype=jnp.float32) * 0.01
    W2 = jax.random.normal(ks[10], (HIDDENS[1], HIDDENS[2]), dtype=jnp.float32) * 0.01
    b2 = jax.random.normal(ks[11], (HIDDENS[2],), dtype=jnp.float32) * 0.01
    Wp = jax.random.normal(ks[12], (HIDDENS[2] + NUM_FACTORS, 1), dtype=jnp.float32) * 0.01
    return {"user_id": user_id, "item_id": item_id, "P": P, "Q": Q, "U": U, "V": V,
            "W0": W0, "b0": b0, "W1": W1, "b1": b1, "W2": W2, "b2": b2, "Wp": Wp}


def reference(user_id, item_id, P, Q, U, V, W0, b0, W1, b1, W2, b2, Wp):
    p_mf = jnp.take(P, user_id, axis=0)
    q_mf = jnp.take(Q, item_id, axis=0)
    gmf = p_mf * q_mf
    p_mlp = jnp.take(U, user_id, axis=0)
    q_mlp = jnp.take(V, item_id, axis=0)
    h = jnp.concatenate((p_mlp, q_mlp), axis=1)
    h = jax.nn.relu(h @ W0 + b0)
    h = jax.nn.relu(h @ W1 + b1)
    h = jax.nn.relu(h @ W2 + b2)
    con_res = jnp.concatenate((gmf, h), axis=1)
    return con_res @ Wp

if __name__ == "__main__":
    import jax
    _d = setup_inputs()
    print(jax.jit(kernel)(*tuple(_d.values())))

</pallas_src>

<mosaic_0001>
#map = affine_map<(d0, d1) -> (0)>
#map1 = affine_map<(d0, d1) -> (0, 0)>
module attributes {stable_mosaic.version = 14 : i64} {
  func.func @gather_kernel(%arg0: i32, %arg1: i32, %arg2: memref<16384xi32, #tpu.memory_space<hbm>>, %arg3: memref<16384xi32, #tpu.memory_space<hbm>>, %arg4: memref<253952x128xf32, #tpu.memory_space<hbm>>, %arg5: memref<253952x128xf32, #tpu.memory_space<hbm>>, %arg6: memref<253952x128xf32, #tpu.memory_space<hbm>>, %arg7: memref<253952x128xf32, #tpu.memory_space<hbm>>, %arg8: memref<16384x128xf32, #tpu.memory_space<hbm>>, %arg9: memref<16384x128xf32, #tpu.memory_space<hbm>>, %arg10: memref<16384x128xf32, #tpu.memory_space<hbm>>, %arg11: memref<16384x128xf32, #tpu.memory_space<hbm>>, %arg12: memref<512xi32, #tpu.memory_space<vmem>>, %arg13: memref<512xi32, #tpu.memory_space<vmem>>, %arg14: memref<2x64x128xf32, #tpu.memory_space<vmem>>, %arg15: memref<2x64x128xf32, #tpu.memory_space<vmem>>, %arg16: memref<2x64x128xf32, #tpu.memory_space<vmem>>, %arg17: memref<2x64x128xf32, #tpu.memory_space<vmem>>, %arg18: memref<!tpu.dma_semaphore, #tpu.memory_space<semaphore_mem>>, %arg19: memref<!tpu.dma_semaphore, #tpu.memory_space<semaphore_mem>>) attributes {dimension_semantics = [#tpu.dimension_semantics<core_parallel>, #tpu.dimension_semantics<subcore_parallel>], iteration_bounds = array<i64: 2, 16>, scalar_prefetch = 0 : i64, scratch_operands = 8 : i64, tpu.core_type = #tpu.core_type<sc_vector_subcore>, window_params = [{transform_indices = #map}, {transform_indices = #map}, {transform_indices = #map1}, {transform_indices = #map1}, {transform_indices = #map1}, {transform_indices = #map1}, {transform_indices = #map1}, {transform_indices = #map1}, {transform_indices = #map1}, {transform_indices = #map1}]} {
    %mul3A = arith.constant 2 : i32
    %mul3A_0 = arith.muli %arg1, %mul3A : i32
    %add3A = arith.addi %mul3A_0, %arg0 : i32
    %mul3A_1 = arith.constant 512 : i32
    %mul3A_2 = arith.muli %add3A, %mul3A_1 : i32
    "tpu.region"() ({
      %run_scoped3A = tpu.sem_alloc : memref<!tpu.dma_semaphore, #tpu.memory_space<semaphore_mem>>
      %dma_start3A_1489 = tpu.memref_slice %arg2[%mul3A_2] : memref<16384xi32, #tpu.memory_space<hbm>> -> memref<512xi32, #tpu.memory_space<hbm>>
      %dma_start3A_1490 = tpu.memref_slice %arg2[%mul3A_2] : memref<16384xi32, #tpu.memory_space<hbm>> -> memref<512xi32, #tpu.memory_space<hbm>>
      tpu.enqueue_dma source(%dma_start3A_1490 : memref<512xi32, #tpu.memory_space<hbm>>) target(%arg12 : memref<512xi32, #tpu.memory_space<vmem>>) target_semaphore(%run_scoped3A : memref<!tpu.dma_semaphore, #tpu.memory_space<semaphore_mem>>)
      %dma_wait3A_1491 = tpu.memref_slice %arg2[%mul3A_2] : memref<16384xi32, #tpu.memory_space<hbm>> -> memref<512xi32, #tpu.memory_space<hbm>>
      %dma_wait3A_1492 = tpu.memref_slice %arg2[%mul3A_2] : memref<16384xi32, #tpu.memory_space<hbm>> -> memref<512xi32, #tpu.memory_space<hbm>>
      tpu.wait_dma2 semaphore(%run_scoped3A : memref<!tpu.dma_semaphore, #tpu.memory_space<semaphore_mem>>) src(%dma_wait3A_1492 : memref<512xi32, #tpu.memory_space<hbm>>) dst(%arg12 : memref<512xi32, #tpu.memory_space<vmem>>)
      tpu.yield
    }) : () -> ()
    "tpu.region"() ({
      %run_scoped3A = tpu.sem_alloc : memref<!tpu.dma_semaphore, #tpu.memory_space<semaphore_mem>>
      %dma_start3A_1489 = tpu.memref_slice %arg3[%mul3A_2] : memref<16384xi32, #tpu.memory_space<hbm>> -> memref<512xi32, #tpu.memory_space<hbm>>
      %dma_start3A_1490 = tpu.memref_slice %arg3[%mul3A_2] : memref<16384xi32, #tpu.memory_space<hbm>> -> memref<512xi32, #tpu.memory_space<hbm>>
      tpu.enqueue_dma source(%dma_start3A_1490 : memref<512xi32, #tpu.memory_space<hbm>>) target(%arg13 : memref<512xi32, #tpu.memory_space<vmem>>) target_semaphore(%run_scoped3A : memref<!tpu.dma_semaphore, #tpu.memory_space<semaphore_mem>>)
      %dma_wait3A_1491 = tpu.memref_slice %arg3[%mul3A_2] : memref<16384xi32, #tpu.memory_space<hbm>> -> memref<512xi32, #tpu.memory_space<hbm>>
      %dma_wait3A_1492 = tpu.memref_slice %arg3[%mul3A_2] : memref<16384xi32, #tpu.memory_space<hbm>> -> memref<512xi32, #tpu.memory_space<hbm>>
      tpu.wait_dma2 semaphore(%run_scoped3A : memref<!tpu.dma_semaphore, #tpu.memory_space<semaphore_mem>>) src(%dma_wait3A_1492 : memref<512xi32, #tpu.memory_space<hbm>>) dst(%arg13 : memref<512xi32, #tpu.memory_space<vmem>>)
      tpu.yield
    }) : () -> ()
    %dma_start3A = arith.constant 0 : i32
    %dma_start3A_3 = arith.constant 0 : i32
    %dma_start3A_4 = arith.constant 0 : i32
    %dma_start3A_5 = tpu.memref_slice %arg14[%dma_start3A, %dma_start3A_3, %dma_start3A_4] : memref<2x64x128xf32, #tpu.memory_space<vmem>> -> memref<1x64x128xf32, #tpu.memory_space<vmem>>
    %dma_start3A_6 = tpu.memref_squeeze %dma_start3A_5 : memref<1x64x128xf32, #tpu.memory_space<vmem>> -> memref<64x128xf32, #tpu.memory_space<vmem>>
    %dma_start3A_7 = arith.constant 0 : i32
    %dma_start3A_8 = tpu.memref_slice %arg12[%dma_start3A_7] : memref<512xi32, #tpu.memory_space<vmem>> -> memref<64xi32, #tpu.memory_space<vmem>>
    %dma_start3A_9 = arith.constant 0 : i32
    %dma_start3A_10 = arith.constant 0 : i32
    %dma_start3A_11 = tpu.memref_slice %arg4[%dma_start3A_9, %dma_start3A_10] : memref<253952x128xf32, #tpu.memory_space<hbm>> -> memref<253952x128xf32, #tpu.memory_space<hbm>>
    tpu.enqueue_indirect_dma source(%dma_start3A_11 : memref<253952x128xf32, #tpu.memory_space<hbm>>) target(%dma_start3A_6 : memref<64x128xf32, #tpu.memory_space<vmem>>) offsets(%dma_start3A_8 : memref<64xi32, #tpu.memory_space<vmem>>) semaphore(%arg18 : memref<!tpu.dma_semaphore, #tpu.memory_space<semaphore_mem>>)
    %dma_start3A_12 = arith.constant 0 : i32
    %dma_start3A_13 = arith.constant 0 : i32
    %dma_start3A_14 = arith.constant 0 : i32
    %dma_start3A_15 = tpu.memref_slice %arg16[%dma_start3A_12, %dma_start3A_13, %dma_start3A_14] : memref<2x64x128xf32, #tpu.memory_space<vmem>> -> memref<1x64x128xf32, #tpu.memory_space<vmem>>
    %dma_start3A_16 = tpu.memref_squeeze %dma_start3A_15 : memref<1x64x128xf32, #tpu.memory_space<vmem>> -> memref<64x128xf32, #tpu.memory_space<vmem>>
    %dma_start3A_17 = arith.constant 0 : i32
    %dma_start3A_18 = tpu.memref_slice %arg12[%dma_start3A_17] : memref<512xi32, #tpu.memory_space<vmem>> -> memref<64xi32, #tpu.memory_space<vmem>>
    %dma_start3A_19 = arith.constant 0 : i32
    %dma_start3A_20 = arith.constant 0 : i32
    %dma_start3A_21 = tpu.memref_slice %arg6[%dma_start3A_19, %dma_start3A_20] : memref<253952x128xf32, #tpu.memory_space<hbm>> -> memref<253952x128xf32, #tpu.memory_space<hbm>>
    tpu.enqueue_indirect_dma source(%dma_start3A_21 : memref<253952x128xf32, #tpu.memory_space<hbm>>) target(%dma_start3A_16 : memref<64x128xf32, #tpu.memory_space<vmem>>) offsets(%dma_start3A_18 : memref<64xi32, #tpu.memory_space<vmem>>) semaphore(%arg18 : memref<!tpu.dma_semaphore, #tpu.memory_space<semaphore_mem>>)
    %dma_start3A_22 = arith.constant 0 : i32
    %dma_start3A_23 = arith.constant 0 : i32
    %dma_start3A_24 = arith.constant 0 : i32
    %dma_start3A_25 = tpu.memref_slice %arg15[%dma_start3A_22, %dma_start3A_23, %dma_start3A_24] : memref<2x64x128xf32, #tpu.memory_space<vmem>> -> memref<1x64x128xf32, #tpu.memory_space<vmem>>
    %dma_start3A_26 = tpu.memref_squeeze %dma_start3A_25 : memref<1x64x128xf32, #tpu.memory_space<vmem>> -> memref<64x128xf32, #tpu.memory_space<vmem>>
    %dma_start3A_27 = arith.constant 0 : i32
    %dma_start3A_28 = tpu.memref_slice %arg13[%dma_start3A_27] : memref<512xi32, #tpu.memory_space<vmem>> -> memref<64xi32, #tpu.memory_space<vmem>>
    %dma_start3A_29 = arith.constant 0 : i32
    %dma_start3A_30 = arith.constant 0 : i32
    %dma_start3A_31 = tpu.memref_slice %arg5[%dma_start3A_29, %dma_start3A_30] : memref<253952x128xf32, #tpu.memory_space<hbm>> -> memref<253952x128xf32, #tpu.memory_space<hbm>>
    tpu.enqueue_indirect_dma source(%dma_start3A_31 : memref<253952x128xf32, #tpu.memory_space<hbm>>) target(%dma_start3A_26 : memref<64x128xf32, #tpu.memory_space<vmem>>) offsets(%dma_start3A_28 : memref<64xi32, #tpu.memory_space<vmem>>) semaphore(%arg18 : memref<!tpu.dma_semaphore, #tpu.memory_space<semaphore_mem>>)
    %dma_start3A_32 = arith.constant 0 : i32
    %dma_start3A_33 = arith.constant 0 : i32
    %dma_start3A_34 = arith.constant 0 : i32
    %dma_start3A_35 = tpu.memref_slice %arg17[%dma_start3A_32, %dma_start3A_33, %dma_start3A_34] : memref<2x64x128xf32, #tpu.memory_space<vmem>> -> memref<1x64x128xf32, #tpu.memory_space<vmem>>
    %dma_start3A_36 = tpu.memref_squeeze %dma_start3A_35 : memref<1x64x128xf32, #tpu.memory_space<vmem>> -> memref<64x128xf32, #tpu.memory_space<vmem>>
    %dma_start3A_37 = arith.constant 0 : i32
    %dma_start3A_38 = tpu.memref_slice %arg13[%dma_start3A_37] : memref<512xi32, #tpu.memory_space<vmem>> -> memref<64xi32, #tpu.memory_space<vmem>>
    %dma_start3A_39 = arith.constant 0 : i32
    %dma_start3A_40 = arith.constant 0 : i32
    %dma_start3A_41 = tpu.memref_slice %arg7[%dma_start3A_39, %dma_start3A_40] : memref<253952x128xf32, #tpu.memory_space<hbm>> -> memref<253952x128xf32, #tpu.memory_space<hbm>>
    tpu.enqueue_indirect_dma source(%dma_start3A_41 : memref<253952x128xf32, #tpu.memory_space<hbm>>) target(%dma_start3A_36 : memref<64x128xf32, #tpu.memory_space<vmem>>) offsets(%dma_start3A_38 : memref<64xi32, #tpu.memory_space<vmem>>) semaphore(%arg18 : memref<!tpu.dma_semaphore, #tpu.memory_space<semaphore_mem>>)
    %dma_start3A_42 = arith.constant 1 : i32
    %dma_start3A_43 = arith.constant 0 : i32
    %dma_start3A_44 = arith.constant 0 : i32
    %dma_start3A_45 = tpu.memref_slice %arg14[%dma_start3A_42, %dma_start3A_43, %dma_start3A_44] : memref<2x64x128xf32, #tpu.memory_space<vmem>> -> memref<1x64x128xf32, #tpu.memory_space<vmem>>
    %dma_start3A_46 = tpu.memref_squeeze %dma_start3A_45 : memref<1x64x128xf32, #tpu.memory_space<vmem>> -> memref<64x128xf32, #tpu.memory_space<vmem>>
    %dma_start3A_47 = arith.constant 64 : i32
    %dma_start3A_48 = tpu.memref_slice %arg12[%dma_start3A_47] : memref<512xi32, #tpu.memory_space<vmem>> -> memref<64xi32, #tpu.memory_space<vmem>>
    %dma_start3A_49 = arith.constant 0 : i32
    %dma_start3A_50 = arith.constant 0 : i32
    %dma_start3A_51 = tpu.memref_slice %arg4[%dma_start3A_49, %dma_start3A_50] : memref<253952x128xf32, #tpu.memory_space<hbm>> -> memref<253952x128xf32, #tpu.memory_space<hbm>>
    tpu.enqueue_indirect_dma source(%dma_start3A_51 : memref<253952x128xf32, #tpu.memory_space<hbm>>) target(%dma_start3A_46 : memref<64x128xf32, #tpu.memory_space<vmem>>) offsets(%dma_start3A_48 : memref<64xi32, #tpu.memory_space<vmem>>) semaphore(%arg18 : memref<!tpu.dma_semaphore, #tpu.memory_space<semaphore_mem>>)
    %dma_start3A_52 = arith.constant 1 : i32
    %dma_start3A_53 = arith.constant 0 : i32
    %dma_start3A_54 = arith.constant 0 : i32
    %dma_start3A_55 = tpu.memref_slice %arg16[%dma_start3A_52, %dma_start3A_53, %dma_start3A_54] : memref<2x64x128xf32, #tpu.memory_space<vmem>> -> memref<1x64x128xf32, #tpu.memory_space<vmem>>
    %dma_start3A_56 = tpu.memref_squeeze %dma_start3A_55 : memref<1x64x128xf32, #tpu.memory_space<vmem>> -> memref<64x128xf32, #tpu.memory_space<vmem>>
    %dma_start3A_57 = arith.constant 64 : i32
    %dma_start3A_58 = tpu.memref_slice %arg12[%dma_start3A_57] : memref<512xi32, #tpu.memory_space<vmem>> -> memref<64xi32, #tpu.memory_space<vmem>>
    %dma_start3A_59 = arith.constant 0 : i32
    %dma_start3A_60 = arith.constant 0 : i32
    %dma_start3A_61 = tpu.memref_slice %arg6[%dma_start3A_59, %dma_start3A_60] : memref<253952x128xf32, #tpu.memory_space<hbm>> -> memref<253952x128xf32, #tpu.memory_space<hbm>>
    tpu.enqueue_indirect_dma source(%dma_start3A_61 : memref<253952x128xf32, #tpu.memory_space<hbm>>) target(%dma_start3A_56 : memref<64x128xf32, #tpu.memory_space<vmem>>) offsets(%dma_start3A_58 : memref<64xi32, #tpu.memory_space<vmem>>) semaphore(%arg18 : memref<!tpu.dma_semaphore, #tpu.memory_space<semaphore_mem>>)
    %dma_start3A_62 = arith.constant 1 : i32
    %dma_start3A_63 = arith.constant 0 : i32
    %dma_start3A_64 = arith.constant 0 : i32
    %dma_start3A_65 = tpu.memref_slice %arg15[%dma_start3A_62, %dma_start3A_63, %dma_start3A_64] : memref<2x64x128xf32, #tpu.memory_space<vmem>> -> memref<1x64x128xf32, #tpu.memory_space<vmem>>
    %dma_start3A_66 = tpu.memref_squeeze %dma_start3A_65 : memref<1x64x128xf32, #tpu.memory_space<vmem>> -> memref<64x128xf32, #tpu.memory_space<vmem>>
    %dma_start3A_67 = arith.constant 64 : i32
    %dma_start3A_68 = tpu.memref_slice %arg13[%dma_start3A_67] : memref<512xi32, #tpu.memory_space<vmem>> -> memref<64xi32, #tpu.memory_space<vmem>>
    %dma_start3A_69 = arith.constant 0 : i32
    %dma_start3A_70 = arith.constant 0 : i32
    %dma_start3A_71 = tpu.memref_slice %arg5[%dma_start3A_69, %dma_start3A_70] : memref<253952x128xf32, #tpu.memory_space<hbm>> -> memref<253952x128xf32, #tpu.memory_space<hbm>>
    tpu.enqueue_indirect_dma source(%dma_start3A_71 : memref<253952x128xf32, #tpu.memory_space<hbm>>) target(%dma_start3A_66 : memref<64x128xf32, #tpu.memory_space<vmem>>) offsets(%dma_start3A_68 : memref<64xi32, #tpu.memory_space<vmem>>) semaphore(%arg18 : memref<!tpu.dma_semaphore, #tpu.memory_space<semaphore_mem>>)
    %dma_start3A_72 = arith.constant 1 : i32
    %dma_start3A_73 = arith.constant 0 : i32
    %dma_start3A_74 = arith.constant 0 : i32
    %dma_start3A_75 = tpu.memref_slice %arg17[%dma_start3A_72, %dma_start3A_73, %dma_start3A_74] : memref<2x64x128xf32, #tpu.memory_space<vmem>> -> memref<1x64x128xf32, #tpu.memory_space<vmem>>
    %dma_start3A_76 = tpu.memref_squeeze %dma_start3A_75 : memref<1x64x128xf32, #tpu.memory_space<vmem>> -> memref<64x128xf32, #tpu.memory_space<vmem>>
    %dma_start3A_77 = arith.constant 64 : i32
    %dma_start3A_78 = tpu.memref_slice %arg13[%dma_start3A_77] : memref<512xi32, #tpu.memory_space<vmem>> -> memref<64xi32, #tpu.memory_space<vmem>>
    %dma_start3A_79 = arith.constant 0 : i32
    %dma_start3A_80 = arith.constant 0 : i32
    %dma_start3A_81 = tpu.memref_slice %arg7[%dma_start3A_79, %dma_start3A_80] : memref<253952x128xf32, #tpu.memory_space<hbm>> -> memref<253952x128xf32, #tpu.memory_space<hbm>>
    tpu.enqueue_indirect_dma source(%dma_start3A_81 : memref<253952x128xf32, #tpu.memory_space<hbm>>) target(%dma_start3A_76 : memref<64x128xf32, #tpu.memory_space<vmem>>) offsets(%dma_start3A_78 : memref<64xi32, #tpu.memory_space<vmem>>) semaphore(%arg18 : memref<!tpu.dma_semaphore, #tpu.memory_space<semaphore_mem>>)
    %dma_wait3A = arith.constant 0 : i32
    %dma_wait3A_82 = arith.constant 0 : i32
    %dma_wait3A_83 = arith.constant 0 : i32
    %dma_wait3A_84 = tpu.memref_slice %arg14[%dma_wait3A, %dma_wait3A_82, %dma_wait3A_83] : memref<2x64x128xf32, #tpu.memory_space<vmem>> -> memref<1x64x128xf32, #tpu.memory_space<vmem>>
    %dma_wait3A_85 = tpu.memref_squeeze %dma_wait3A_84 : memref<1x64x128xf32, #tpu.memory_space<vmem>> -> memref<64x128xf32, #tpu.memory_space<vmem>>
    %dma_wait3A_86 = arith.constant 0 : i32
    %dma_wait3A_87 = tpu.memref_slice %arg12[%dma_wait3A_86] : memref<512xi32, #tpu.memory_space<vmem>> -> memref<64xi32, #tpu.memory_space<vmem>>
    %dma_wait3A_88 = arith.constant 0 : i32
    %dma_wait3A_89 = arith.constant 0 : i32
    %dma_wait3A_90 = tpu.memref_slice %arg4[%dma_wait3A_88, %dma_wait3A_89] : memref<253952x128xf32, #tpu.memory_space<hbm>> -> memref<253952x128xf32, #tpu.memory_space<hbm>>
    tpu.wait_indirect_dma semaphore(%arg18 : memref<!tpu.dma_semaphore, #tpu.memory_space<semaphore_mem>>) src(%dma_wait3A_90 : memref<253952x128xf32, #tpu.memory_space<hbm>>) dst(%dma_wait3A_85 : memref<64x128xf32, #tpu.memory_space<vmem>>)
    %dma_wait3A_91 = arith.constant 0 : i32
    %dma_wait3A_92 = arith.constant 0 : i32
    %dma_wait3A_93 = arith.constant 0 : i32
    %dma_wait3A_94 = tpu.memref_slice %arg16[%dma_wait3A_91, %dma_wait3A_92, %dma_wait3A_93] : memref<2x64x128xf32, #tpu.memory_space<vmem>> -> memref<1x64x128xf32, #tpu.memory_space<vmem>>
    %dma_wait3A_95 = tpu.memref_squeeze %dma_wait3A_94 : memref<1x64x128xf32, #tpu.memory_space<vmem>> -> memref<64x128xf32, #tpu.memory_space<vmem>>
    %dma_wait3A_96 = arith.constant 0 : i32
    %dma_wait3A_97 = tpu.memref_slice %arg12[%dma_wait3A_96] : memref<512xi32, #tpu.memory_space<vmem>> -> memref<64xi32, #tpu.memory_space<vmem>>
    %dma_wait3A_98 = arith.constant 0 : i32
    %dma_wait3A_99 = arith.constant 0 : i32
    %dma_wait3A_100 = tpu.memref_slice %arg6[%dma_wait3A_98, %dma_wait3A_99] : memref<253952x128xf32, #tpu.memory_space<hbm>> -> memref<253952x128xf32, #tpu.memory_space<hbm>>
    tpu.wait_indirect_dma semaphore(%arg18 : memref<!tpu.dma_semaphore, #tpu.memory_space<semaphore_mem>>) src(%dma_wait3A_100 : memref<253952x128xf32, #tpu.memory_space<hbm>>) dst(%dma_wait3A_95 : memref<64x128xf32, #tpu.memory_space<vmem>>)
    %dma_wait3A_101 = arith.constant 0 : i32
    %dma_wait3A_102 = arith.constant 0 : i32
    %dma_wait3A_103 = arith.constant 0 : i32
    %dma_wait3A_104 = tpu.memref_slice %arg15[%dma_wait3A_101, %dma_wait3A_102, %dma_wait3A_103] : memref<2x64x128xf32, #tpu.memory_space<vmem>> -> memref<1x64x128xf32, #tpu.memory_space<vmem>>
    %dma_wait3A_105 = tpu.memref_squeeze %dma_wait3A_104 : memref<1x64x128xf32, #tpu.memory_space<vmem>> -> memref<64x128xf32, #tpu.memory_space<vmem>>
    %dma_wait3A_106 = arith.constant 0 : i32
    %dma_wait3A_107 = tpu.memref_slice %arg13[%dma_wait3A_106] : memref<512xi32, #tpu.memory_space<vmem>> -> memref<64xi32, #tpu.memory_space<vmem>>
    %dma_wait3A_108 = arith.constant 0 : i32
    %dma_wait3A_109 = arith.constant 0 : i32
    %dma_wait3A_110 = tpu.memref_slice %arg5[%dma_wait3A_108, %dma_wait3A_109] : memref<253952x128xf32, #tpu.memory_space<hbm>> -> memref<253952x128xf32, #tpu.memory_space<hbm>>
    tpu.wait_indirect_dma semaphore(%arg18 : memref<!tpu.dma_semaphore, #tpu.memory_space<semaphore_mem>>) src(%dma_wait3A_110 : memref<253952x128xf32, #tpu.memory_space<hbm>>) dst(%dma_wait3A_105 : memref<64x128xf32, #tpu.memory_space<vmem>>)
    %dma_wait3A_111 = arith.constant 0 : i32
    %dma_wait3A_112 = arith.constant 0 : i32
    %dma_wait3A_113 = arith.constant 0 : i32
    %dma_wait3A_114 = tpu.memref_slice %arg17[%dma_wait3A_111, %dma_wait3A_112, %dma_wait3A_113] : memref<2x64x128xf32, #tpu.memory_space<vmem>> -> memref<1x64x128xf32, #tpu.memory_space<vmem>>
    %dma_wait3A_115 = tpu.memref_squeeze %dma_wait3A_114 : memref<1x64x128xf32, #tpu.memory_space<vmem>> -> memref<64x128xf32, #tpu.memory_space<vmem>>
    %dma_wait3A_116 = arith.constant 0 : i32
    %dma_wait3A_117 = tpu.memref_slice %arg13[%dma_wait3A_116] : memref<512xi32, #tpu.memory_space<vmem>> -> memref<64xi32, #tpu.memory_space<vmem>>
    %dma_wait3A_118 = arith.constant 0 : i32
    %dma_wait3A_119 = arith.constant 0 : i32
    %dma_wait3A_120 = tpu.memref_slice %arg7[%dma_wait3A_118, %dma_wait3A_119] : memref<253952x128xf32, #tpu.memory_space<hbm>> -> memref<253952x128xf32, #tpu.memory_space<hbm>>
    tpu.wait_indirect_dma semaphore(%arg18 : memref<!tpu.dma_semaphore, #tpu.memory_space<semaphore_mem>>) src(%dma_wait3A_120 : memref<253952x128xf32, #tpu.memory_space<hbm>>) dst(%dma_wait3A_115 : memref<64x128xf32, #tpu.memory_space<vmem>>)
    %add3A_121 = arith.constant 0 : i32
    %add3A_122 = arith.addi %mul3A_2, %add3A_121 : i32
    %dma_start3A_123 = arith.constant 0 : i32
    %dma_start3A_124 = arith.constant 0 : i32
    %dma_start3A_125 = arith.constant 0 : i32
    %dma_start3A_126 = tpu.memref_slice %arg14[%dma_start3A_123, %dma_start3A_124, %dma_start3A_125] : memref<2x64x128xf32, #tpu.memory_space<vmem>> -> memref<1x64x128xf32, #tpu.memory_space<vmem>>
    %dma_start3A_127 = tpu.memref_squeeze %dma_start3A_126 : memref<1x64x128xf32, #tpu.memory_space<vmem>> -> memref<64x128xf32, #tpu.memory_space<vmem>>
    %dma_start3A_128 = arith.constant 0 : i32
    %dma_start3A_129 = tpu.memref_slice %arg8[%add3A_122, %dma_start3A_128] : memref<16384x128xf32, #tpu.memory_space<hbm>> -> memref<64x128xf32, #tpu.memory_space<hbm>>
    %dma_start3A_130 = arith.constant 0 : i32
    %dma_start3A_131 = tpu.memref_slice %arg8[%add3A_122, %dma_start3A_130] : memref<16384x128xf32, #tpu.memory_space<hbm>> -> memref<64x128xf32, #tpu.memory_space<hbm>>
    %dma_start3A_132 = arith.constant 0 : i32
    %dma_start3A_133 = arith.constant 0 : i32
    %dma_start3A_134 = tpu.memref_slice %arg14[%dma_start3A_123, %dma_start3A_132, %dma_start3A_133] : memref<2x64x128xf32, #tpu.memory_space<vmem>> -> memref<1x64x128xf32, #tpu.memory_space<vmem>>
    %dma_start3A_135 = tpu.memref_squeeze %dma_start3A_134 : memref<1x64x128xf32, #tpu.memory_space<vmem>> -> memref<64x128xf32, #tpu.memory_space<vmem>>
    tpu.enqueue_dma source(%dma_start3A_135 : memref<64x128xf32, #tpu.memory_space<vmem>>) target(%dma_start3A_131 : memref<64x128xf32, #tpu.memory_space<hbm>>) target_semaphore(%arg19 : memref<!tpu.dma_semaphore, #tpu.memory_space<semaphore_mem>>)
    %dma_start3A_136 = arith.constant 0 : i32
    %dma_start3A_137 = arith.constant 0 : i32
    %dma_start3A_138 = arith.constant 0 : i32
    %dma_start3A_139 = tpu.memref_slice %arg15[%dma_start3A_136, %dma_start3A_137, %dma_start3A_138] : memref<2x64x128xf32, #tpu.memory_space<vmem>> -> memref<1x64x128xf32, #tpu.memory_space<vmem>>
    %dma_start3A_140 = tpu.memref_squeeze %dma_start3A_139 : memref<1x64x128xf32, #tpu.memory_space<vmem>> -> memref<64x128xf32, #tpu.memory_space<vmem>>
    %dma_start3A_141 = arith.constant 0 : i32
    %dma_start3A_142 = tpu.memref_slice %arg9[%add3A_122, %dma_start3A_141] : memref<16384x128xf32, #tpu.memory_space<hbm>> -> memref<64x128xf32, #tpu.memory_space<hbm>>
    %dma_start3A_143 = arith.constant 0 : i32
    %dma_start3A_144 = tpu.memref_slice %arg9[%add3A_122, %dma_start3A_143] : memref<16384x128xf32, #tpu.memory_space<hbm>> -> memref<64x128xf32, #tpu.memory_space<hbm>>
    %dma_start3A_145 = arith.constant 0 : i32
    %dma_start3A_146 = arith.constant 0 : i32
    %dma_start3A_147 = tpu.memref_slice %arg15[%dma_start3A_136, %dma_start3A_145, %dma_start3A_146] : memref<2x64x128xf32, #tpu.memory_space<vmem>> -> memref<1x64x128xf32, #tpu.memory_space<vmem>>
    %dma_start3A_148 = tpu.memref_squeeze %dma_start3A_147 : memref<1x64x128xf32, #tpu.memory_space<vmem>> -> memref<64x128xf32, #tpu.memory_space<vmem>>
    tpu.enqueue_dma source(%dma_start3A_148 : memref<64x128xf32, #tpu.memory_space<vmem>>) target(%dma_start3A_144 : memref<64x128xf32, #tpu.memory_space<hbm>>) target_semaphore(%arg19 : memref<!tpu.dma_semaphore, #tpu.memory_space<semaphore_mem>>)
    %dma_start3A_149 = arith.constant 0 : i32
    %dma_start3A_150 = arith.constant 0 : i32
    %dma_start3A_151 = arith.constant 0 : i32
    %dma_start3A_152 = tpu.memref_slice %arg16[%dma_start3A_149, %dma_start3A_150, %dma_start3A_151] : memref<2x64x128xf32, #tpu.memory_space<vmem>> -> memref<1x64x128xf32, #tpu.memory_space<vmem>>
    %dma_start3A_153 = tpu.memref_squeeze %dma_start3A_152 : memref<1x64x128xf32, #tpu.memory_space<vmem>> -> memref<64x128xf32, #tpu.memory_space<vmem>>
    %dma_start3A_154 = arith.constant 0 : i32
    %dma_start3A_155 = tpu.memref_slice %arg10[%add3A_122, %dma_start3A_154] : memref<16384x128xf32, #tpu.memory_space<hbm>> -> memref<64x128xf32, #tpu.memory_space<hbm>>
    %dma_start3A_156 = arith.constant 0 : i32
    %dma_start3A_157 = tpu.memref_slice %arg10[%add3A_122, %dma_start3A_156] : memref<16384x128xf32, #tpu.memory_space<hbm>> -> memref<64x128xf32, #tpu.memory_space<hbm>>
    %dma_start3A_158 = arith.constant 0 : i32
    %dma_start3A_159 = arith.constant 0 : i32
    %dma_start3A_160 = tpu.memref_slice %arg16[%dma_start3A_149, %dma_start3A_158, %dma_start3A_159] : memref<2x64x128xf32, #tpu.memory_space<vmem>> -> memref<1x64x128xf32, #tpu.memory_space<vmem>>
    %dma_start3A_161 = tpu.memref_squeeze %dma_start3A_160 : memref<1x64x128xf32, #tpu.memory_space<vmem>> -> memref<64x128xf32, #tpu.memory_space<vmem>>
    tpu.enqueue_dma source(%dma_start3A_161 : memref<64x128xf32, #tpu.memory_space<vmem>>) target(%dma_start3A_157 : memref<64x128xf32, #tpu.memory_space<hbm>>) target_semaphore(%arg19 : memref<!tpu.dma_semaphore, #tpu.memory_space<semaphore_mem>>)
    %dma_start3A_162 = arith.constant 0 : i32
    %dma_start3A_163 = arith.constant 0 : i32
    %dma_start3A_164 = arith.constant 0 : i32
    %dma_start3A_165 = tpu.memref_slice %arg17[%dma_start3A_162, %dma_start3A_163, %dma_start3A_164] : memref<2x64x128xf32, #tpu.memory_space<vmem>> -> memref<1x64x128xf32, #tpu.memory_space<vmem>>
    %dma_start3A_166 = tpu.memref_squeeze %dma_start3A_165 : memref<1x64x128xf32, #tpu.memory_space<vmem>> -> memref<64x128xf32, #tpu.memory_space<vmem>>
    %dma_start3A_167 = arith.constant 0 : i32
    %dma_start3A_168 = tpu.memref_slice %arg11[%add3A_122, %dma_start3A_167] : memref<16384x128xf32, #tpu.memory_space<hbm>> -> memref<64x128xf32, #tpu.memory_space<hbm>>
    %dma_start3A_169 = arith.constant 0 : i32
    %dma_start3A_170 = tpu.memref_slice %arg11[%add3A_122, %dma_start3A_169] : memref<16384x128xf32, #tpu.memory_space<hbm>> -> memref<64x128xf32, #tpu.memory_space<hbm>>
    %dma_start3A_171 = arith.constant 0 : i32
    %dma_start3A_172 = arith.constant 0 : i32
    %dma_start3A_173 = tpu.memref_slice %arg17[%dma_start3A_162, %dma_start3A_171, %dma_start3A_172] : memref<2x64x128xf32, #tpu.memory_space<vmem>> -> memref<1x64x128xf32, #tpu.memory_space<vmem>>
    %dma_start3A_174 = tpu.memref_squeeze %dma_start3A_173 : memref<1x64x128xf32, #tpu.memory_space<vmem>> -> memref<64x128xf32, #tpu.memory_space<vmem>>
    tpu.enqueue_dma source(%dma_start3A_174 : memref<64x128xf32, #tpu.memory_space<vmem>>) target(%dma_start3A_170 : memref<64x128xf32, #tpu.memory_space<hbm>>) target_semaphore(%arg19 : memref<!tpu.dma_semaphore, #tpu.memory_space<semaphore_mem>>)
    %dma_wait3A_175 = arith.constant 0 : i32
    %dma_wait3A_176 = arith.constant 0 : i32
    %dma_wait3A_177 = arith.constant 0 : i32
    %dma_wait3A_178 = tpu.memref_slice %arg14[%dma_wait3A_175, %dma_wait3A_176, %dma_wait3A_177] : memref<2x64x128xf32, #tpu.memory_space<vmem>> -> memref<1x64x128xf32, #tpu.memory_space<vmem>>
    %dma_wait3A_179 = tpu.memref_squeeze %dma_wait3A_178 : memref<1x64x128xf32, #tpu.memory_space<vmem>> -> memref<64x128xf32, #tpu.memory_space<vmem>>
    %dma_wait3A_180 = arith.constant 0 : i32
    %dma_wait3A_181 = tpu.memref_slice %arg8[%add3A_122, %dma_wait3A_180] : memref<16384x128xf32, #tpu.memory_space<hbm>> -> memref<64x128xf32, #tpu.memory_space<hbm>>
    %dma_wait3A_182 = arith.constant 0 : i32
    %dma_wait3A_183 = tpu.memref_slice %arg8[%add3A_122, %dma_wait3A_182] : memref<16384x128xf32, #tpu.memory_space<hbm>> -> memref<64x128xf32, #tpu.memory_space<hbm>>
    %dma_wait3A_184 = arith.constant 0 : i32
    %dma_wait3A_185 = arith.constant 0 : i32
    %dma_wait3A_186 = tpu.memref_slice %arg14[%dma_wait3A_175, %dma_wait3A_184, %dma_wait3A_185] : memref<2x64x128xf32, #tpu.memory_space<vmem>> -> memref<1x64x128xf32, #tpu.memory_space<vmem>>
    %dma_wait3A_187 = tpu.memref_squeeze %dma_wait3A_186 : memref<1x64x128xf32, #tpu.memory_space<vmem>> -> memref<64x128xf32, #tpu.memory_space<vmem>>
    tpu.wait_dma2 semaphore(%arg19 : memref<!tpu.dma_semaphore, #tpu.memory_space<semaphore_mem>>) src(%dma_wait3A_187 : memref<64x128xf32, #tpu.memory_space<vmem>>) dst(%dma_wait3A_183 : memref<64x128xf32, #tpu.memory_space<hbm>>)
    %dma_wait3A_188 = arith.constant 0 : i32
    %dma_wait3A_189 = arith.constant 0 : i32
    %dma_wait3A_190 = arith.constant 0 : i32
    %dma_wait3A_191 = tpu.memref_slice %arg15[%dma_wait3A_188, %dma_wait3A_189, %dma_wait3A_190] : memref<2x64x128xf32, #tpu.memory_space<vmem>> -> memref<1x64x128xf32, #tpu.memory_space<vmem>>
    %dma_wait3A_192 = tpu.memref_squeeze %dma_wait3A_191 : memref<1x64x128xf32, #tpu.memory_space<vmem>> -> memref<64x128xf32, #tpu.memory_space<vmem>>
    %dma_wait3A_193 = arith.constant 0 : i32
    %dma_wait3A_194 = tpu.memref_slice %arg9[%add3A_122, %dma_wait3A_193] : memref<16384x128xf32, #tpu.memory_space<hbm>> -> memref<64x128xf32, #tpu.memory_space<hbm>>
    %dma_wait3A_195 = arith.constant 0 : i32
    %dma_wait3A_196 = tpu.memref_slice %arg9[%add3A_122, %dma_wait3A_195] : memref<16384x128xf32, #tpu.memory_space<hbm>> -> memref<64x128xf32, #tpu.memory_space<hbm>>
    %dma_wait3A_197 = arith.constant 0 : i32
    %dma_wait3A_198 = arith.constant 0 : i32
    %dma_wait3A_199 = tpu.memref_slice %arg15[%dma_wait3A_188, %dma_wait3A_197, %dma_wait3A_198] : memref<2x64x128xf32, #tpu.memory_space<vmem>> -> memref<1x64x128xf32, #tpu.memory_space<vmem>>
    %dma_wait3A_200 = tpu.memref_squeeze %dma_wait3A_199 : memref<1x64x128xf32, #tpu.memory_space<vmem>> -> memref<64x128xf32, #tpu.memory_space<vmem>>
    tpu.wait_dma2 semaphore(%arg19 : memref<!tpu.dma_semaphore, #tpu.memory_space<semaphore_mem>>) src(%dma_wait3A_200 : memref<64x128xf32, #tpu.memory_space<vmem>>) dst(%dma_wait3A_196 : memref<64x128xf32, #tpu.memory_space<hbm>>)
    %dma_wait3A_201 = arith.constant 0 : i32
    %dma_wait3A_202 = arith.constant 0 : i32
    %dma_wait3A_203 = arith.constant 0 : i32
    %dma_wait3A_204 = tpu.memref_slice %arg16[%dma_wait3A_201, %dma_wait3A_202, %dma_wait3A_203] : memref<2x64x128xf32, #tpu.memory_space<vmem>> -> memref<1x64x128xf32, #tpu.memory_space<vmem>>
    %dma_wait3A_205 = tpu.memref_squeeze %dma_wait3A_204 : memref<1x64x128xf32, #tpu.memory_space<vmem>> -> memref<64x128xf32, #tpu.memory_space<vmem>>
    %dma_wait3A_206 = arith.constant 0 : i32
    %dma_wait3A_207 = tpu.memref_slice %arg10[%add3A_122, %dma_wait3A_206] : memref<16384x128xf32, #tpu.memory_space<hbm>> -> memref<64x128xf32, #tpu.memory_space<hbm>>
    %dma_wait3A_208 = arith.constant 0 : i32
    %dma_wait3A_209 = tpu.memref_slice %arg10[%add3A_122, %dma_wait3A_208] : memref<16384x128xf32, #tpu.memory_space<hbm>> -> memref<64x128xf32, #tpu.memory_space<hbm>>
    %dma_wait3A_210 = arith.constant 0 : i32
    %dma_wait3A_211 = arith.constant 0 : i32
    %dma_wait3A_212 = tpu.memref_slice %arg16[%dma_wait3A_201, %dma_wait3A_210, %dma_wait3A_211] : memref<2x64x128xf32, #tpu.memory_space<vmem>> -> memref<1x64x128xf32, #tpu.memory_space<vmem>>
    %dma_wait3A_213 = tpu.memref_squeeze %dma_wait3A_212 : memref<1x64x128xf32, #tpu.memory_space<vmem>> -> memref<64x128xf32, #tpu.memory_space<vmem>>
    tpu.wait_dma2 semaphore(%arg19 : memref<!tpu.dma_semaphore, #tpu.memory_space<semaphore_mem>>) src(%dma_wait3A_213 : memref<64x128xf32, #tpu.memory_space<vmem>>) dst(%dma_wait3A_209 : memref<64x128xf32, #tpu.memory_space<hbm>>)
    %dma_wait3A_214 = arith.constant 0 : i32
    %dma_wait3A_215 = arith.constant 0 : i32
    %dma_wait3A_216 = arith.constant 0 : i32
    %dma_wait3A_217 = tpu.memref_slice %arg17[%dma_wait3A_214, %dma_wait3A_215, %dma_wait3A_216] : memref<2x64x128xf32, #tpu.memory_space<vmem>> -> memref<1x64x128xf32, #tpu.memory_space<vmem>>
    %dma_wait3A_218 = tpu.memref_squeeze %dma_wait3A_217 : memref<1x64x128xf32, #tpu.memory_space<vmem>> -> memref<64x128xf32, #tpu.memory_space<vmem>>
    %dma_wait3A_219 = arith.constant 0 : i32
    %dma_wait3A_220 = tpu.memref_slice %arg11[%add3A_122, %dma_wait3A_219] : memref<16384x128xf32, #tpu.memory_space<hbm>> -> memref<64x128xf32, #tpu.memory_space<hbm>>
    %dma_wait3A_221 = arith.constant 0 : i32
    %dma_wait3A_222 = tpu.memref_slice %arg11[%add3A_122, %dma_wait3A_221] : memref<16384x128xf32, #tpu.memory_space<hbm>> -> memref<64x128xf32, #tpu.memory_space<hbm>>
    %dma_wait3A_223 = arith.constant 0 : i32
    %dma_wait3A_224 = arith.constant 0 : i32
    %dma_wait3A_225 = tpu.memref_slice %arg17[%dma_wait3A_214, %dma_wait3A_223, %dma_wait3A_224] : memref<2x64x128xf32, #tpu.memory_space<vmem>> -> memref<1x64x128xf32, #tpu.memory_space<vmem>>
    %dma_wait3A_226 = tpu.memref_squeeze %dma_wait3A_225 : memref<1x64x128xf32, #tpu.memory_space<vmem>> -> memref<64x128xf32, #tpu.memory_space<vmem>>
    tpu.wait_dma2 semaphore(%arg19 : memref<!tpu.dma_semaphore, #tpu.memory_space<semaphore_mem>>) src(%dma_wait3A_226 : memref<64x128xf32, #tpu.memory_space<vmem>>) dst(%dma_wait3A_222 : memref<64x128xf32, #tpu.memory_space<hbm>>)
    %dma_start3A_227 = arith.constant 0 : i32
    %dma_start3A_228 = arith.constant 0 : i32
    %dma_start3A_229 = arith.constant 0 : i32
    %dma_start3A_230 = tpu.memref_slice %arg14[%dma_start3A_227, %dma_start3A_228, %dma_start3A_229] : memref<2x64x128xf32, #tpu.memory_space<vmem>> -> memref<1x64x128xf32, #tpu.memory_space<vmem>>
    %dma_start3A_231 = tpu.memref_squeeze %dma_start3A_230 : memref<1x64x128xf32, #tpu.memory_space<vmem>> -> memref<64x128xf32, #tpu.memory_space<vmem>>
    %dma_start3A_232 = arith.constant 128 : i32
    %dma_start3A_233 = tpu.memref_slice %arg12[%dma_start3A_232] : memref<512xi32, #tpu.memory_space<vmem>> -> memref<64xi32, #tpu.memory_space<vmem>>
    %dma_start3A_234 = arith.constant 0 : i32
    %dma_start3A_235 = arith.constant 0 : i32
    %dma_start3A_236 = tpu.memref_slice %arg4[%dma_start3A_234, %dma_start3A_235] : memref<253952x128xf32, #tpu.memory_space<hbm>> -> memref<253952x128xf32, #tpu.memory_space<hbm>>
    tpu.enqueue_indirect_dma source(%dma_start3A_236 : memref<253952x128xf32, #tpu.memory_space<hbm>>) target(%dma_start3A_231 : memref<64x128xf32, #tpu.memory_space<vmem>>) offsets(%dma_start3A_233 : memref<64xi32, #tpu.memory_space<vmem>>) semaphore(%arg18 : memref<!tpu.dma_semaphore, #tpu.memory_space<semaphore_mem>>)
    %dma_start3A_237 = arith.constant 0 : i32
    %dma_start3A_238 = arith.constant 0 : i32
    %dma_start3A_239 = arith.constant 0 : i32
    %dma_start3A_240 = tpu.memref_slice %arg16[%dma_start3A_237, %dma_start3A_238, %dma_start3A_239] : memref<2x64x128xf32, #tpu.memory_space<vmem>> -> memref<1x64x128xf32, #tpu.memory_space<vmem>>
    %dma_start3A_241 = tpu.memref_squeeze %dma_start3A_240 : memref<1x64x128xf32, #tpu.memory_space<vmem>> -> memref<64x128xf32, #tpu.memory_space<vmem>>
    %dma_start3A_242 = arith.constant 128 : i32
    %dma_start3A_243 = tpu.memref_slice %arg12[%dma_start3A_242] : memref<512xi32, #tpu.memory_space<vmem>> -> memref<64xi32, #tpu.memory_space<vmem>>
    %dma_start3A_244 = arith.constant 0 : i32
    %dma_start3A_245 = arith.constant 0 : i32
    %dma_start3A_246 = tpu.memref_slice %arg6[%dma_start3A_244, %dma_start3A_245] : memref<253952x128xf32, #tpu.memory_space<hbm>> -> memref<253952x128xf32, #tpu.memory_space<hbm>>
    tpu.enqueue_indirect_dma source(%dma_start3A_246 : memref<253952x128xf32, #tpu.memory_space<hbm>>) target(%dma_start3A_241 : memref<64x128xf32, #tpu.memory_space<vmem>>) offsets(%dma_start3A_243 : memref<64xi32, #tpu.memory_space<vmem>>) semaphore(%arg18 : memref<!tpu.dma_semaphore, #tpu.memory_space<semaphore_mem>>)
    %dma_start3A_247 = arith.constant 0 : i32
    %dma_start3A_248 = arith.constant 0 : i32
    %dma_start3A_249 = arith.constant 0 : i32
    %dma_start3A_250 = tpu.memref_slice %arg15[%dma_start3A_247, %dma_start3A_248, %dma_start3A_249] : memref<2x64x128xf32, #tpu.memory_space<vmem>> -> memref<1x64x128xf32, #tpu.memory_space<vmem>>
    %dma_start3A_251 = tpu.memref_squeeze %dma_start3A_250 : memref<1x64x128xf32, #tpu.memory_space<vmem>> -> memref<64x128xf32, #tpu.memory_space<vmem>>
    %dma_start3A_252 = arith.constant 128 : i32
    %dma_start3A_253 = tpu.memref_slice %arg13[%dma_start3A_252] : memref<512xi32, #tpu.memory_space<vmem>> -> memref<64xi32, #tpu.memory_space<vmem>>
    %dma_start3A_254 = arith.constant 0 : i32
    %dma_start3A_255 = arith.constant 0 : i32
    %dma_start3A_256 = tpu.memref_slice %arg5[%dma_start3A_254, %dma_start3A_255] : memref<253952x128xf32, #tpu.memory_space<hbm>> -> memref<253952x128xf32, #tpu.memory_space<hbm>>
    tpu.enqueue_indirect_dma source(%dma_start3A_256 : memref<253952x128xf32, #tpu.memory_space<hbm>>) target(%dma_start3A_251 : memref<64x128xf32, #tpu.memory_space<vmem>>) offsets(%dma_start3A_253 : memref<64xi32, #tpu.memory_space<vmem>>) semaphore(%arg18 : memref<!tpu.dma_semaphore, #tpu.memory_space<semaphore_mem>>)
    %dma_start3A_257 = arith.constant 0 : i32
    %dma_start3A_258 = arith.constant 0 : i32
    %dma_start3A_259 = arith.constant 0 : i32
    %dma_start3A_260 = tpu.memref_slice %arg17[%dma_start3A_257, %dma_start3A_258, %dma_start3A_259] : memref<2x64x128xf32, #tpu.memory_space<vmem>> -> memref<1x64x128xf32, #tpu.memory_space<vmem>>
    %dma_start3A_261 = tpu.memref_squeeze %dma_start3A_260 : memref<1x64x128xf32, #tpu.memory_space<vmem>> -> memref<64x128xf32, #tpu.memory_space<vmem>>
    %dma_start3A_262 = arith.constant 128 : i32
    %dma_start3A_263 = tpu.memref_slice %arg13[%dma_start3A_262] : memref<512xi32, #tpu.memory_space<vmem>> -> memref<64xi32, #tpu.memory_space<vmem>>
    %dma_start3A_264 = arith.constant 0 : i32
    %dma_start3A_265 = arith.constant 0 : i32
    %dma_start3A_266 = tpu.memref_slice %arg7[%dma_start3A_264, %dma_start3A_265] : memref<253952x128xf32, #tpu.memory_space<hbm>> -> memref<253952x128xf32, #tpu.memory_space<hbm>>
    tpu.enqueue_indirect_dma source(%dma_start3A_266 : memref<253952x128xf32, #tpu.memory_space<hbm>>) target(%dma_start3A_261 : memref<64x128xf32, #tpu.memory_space<vmem>>) offsets(%dma_start3A_263 : memref<64xi32, #tpu.memory_space<vmem>>) semaphore(%arg18 : memref<!tpu.dma_semaphore, #tpu.memory_space<semaphore_mem>>)
    %dma_wait3A_267 = arith.constant 1 : i32
    %dma_wait3A_268 = arith.constant 0 : i32
    %dma_wait3A_269 = arith.constant 0 : i32
    %dma_wait3A_270 = tpu.memref_slice %arg14[%dma_wait3A_267, %dma_wait3A_268, %dma_wait3A_269] : memref<2x64x128xf32, #tpu.memory_space<vmem>> -> memref<1x64x128xf32, #tpu.memory_space<vmem>>
    %dma_wait3A_271 = tpu.memref_squeeze %dma_wait3A_270 : memref<1x64x128xf32, #tpu.memory_space<vmem>> -> memref<64x128xf32, #tpu.memory_space<vmem>>
    %dma_wait3A_272 = arith.constant 64 : i32
    %dma_wait3A_273 = tpu.memref_slice %arg12[%dma_wait3A_272] : memref<512xi32, #tpu.memory_space<vmem>> -> memref<64xi32, #tpu.memory_space<vmem>>
    %dma_wait3A_274 = arith.constant 0 : i32
    %dma_wait3A_275 = arith.constant 0 : i32
    %dma_wait3A_276 = tpu.memref_slice %arg4[%dma_wait3A_274, %dma_wait3A_275] : memref<253952x128xf32, #tpu.memory_space<hbm>> -> memref<253952x128xf32, #tpu.memory_space<hbm>>
    tpu.wait_indirect_dma semaphore(%arg18 : memref<!tpu.dma_semaphore, #tpu.memory_space<semaphore_mem>>) src(%dma_wait3A_276 : memref<253952x128xf32, #tpu.memory_space<hbm>>) dst(%dma_wait3A_271 : memref<64x128xf32, #tpu.memory_space<vmem>>)
    %dma_wait3A_277 = arith.constant 1 : i32
    %dma_wait3A_278 = arith.constant 0 : i32
    %dma_wait3A_279 = arith.constant 0 : i32
    %dma_wait3A_280 = tpu.memref_slice %arg16[%dma_wait3A_277, %dma_wait3A_278, %dma_wait3A_279] : memref<2x64x128xf32, #tpu.memory_space<vmem>> -> memref<1x64x128xf32, #tpu.memory_space<vmem>>
    %dma_wait3A_281 = tpu.memref_squeeze %dma_wait3A_280 : memref<1x64x128xf32, #tpu.memory_space<vmem>> -> memref<64x128xf32, #tpu.memory_space<vmem>>
    %dma_wait3A_282 = arith.constant 64 : i32
    %dma_wait3A_283 = tpu.memref_slice %arg12[%dma_wait3A_282] : memref<512xi32, #tpu.memory_space<vmem>> -> memref<64xi32, #tpu.memory_space<vmem>>
    %dma_wait3A_284 = arith.constant 0 : i32
    %dma_wait3A_285 = arith.constant 0 : i32
    %dma_wait3A_286 = tpu.memref_slice %arg6[%dma_wait3A_284, %dma_wait3A_285] : memref<253952x128xf32, #tpu.memory_space<hbm>> -> memref<253952x128xf32, #tpu.memory_space<hbm>>
    tpu.wait_indirect_dma semaphore(%arg18 : memref<!tpu.dma_semaphore, #tpu.memory_space<semaphore_mem>>) src(%dma_wait3A_286 : memref<253952x128xf32, #tpu.memory_space<hbm>>) dst(%dma_wait3A_281 : memref<64x128xf32, #tpu.memory_space<vmem>>)
    %dma_wait3A_287 = arith.constant 1 : i32
    %dma_wait3A_288 = arith.constant 0 : i32
    %dma_wait3A_289 = arith.constant 0 : i32
    %dma_wait3A_290 = tpu.memref_slice %arg15[%dma_wait3A_287, %dma_wait3A_288, %dma_wait3A_289] : memref<2x64x128xf32, #tpu.memory_space<vmem>> -> memref<1x64x128xf32, #tpu.memory_space<vmem>>
    %dma_wait3A_291 = tpu.memref_squeeze %dma_wait3A_290 : memref<1x64x128xf32, #tpu.memory_space<vmem>> -> memref<64x128xf32, #tpu.memory_space<vmem>>
    %dma_wait3A_292 = arith.constant 64 : i32
    %dma_wait3A_293 = tpu.memref_slice %arg13[%dma_wait3A_292] : memref<512xi32, #tpu.memory_space<vmem>> -> memref<64xi32, #tpu.memory_space<vmem>>
    %dma_wait3A_294 = arith.constant 0 : i32
    %dma_wait3A_295 = arith.constant 0 : i32
    %dma_wait3A_296 = tpu.memref_slice %arg5[%dma_wait3A_294, %dma_wait3A_295] : memref<253952x128xf32, #tpu.memory_space<hbm>> -> memref<253952x128xf32, #tpu.memory_space<hbm>>
    tpu.wait_indirect_dma semaphore(%arg18 : memref<!tpu.dma_semaphore, #tpu.memory_space<semaphore_mem>>) src(%dma_wait3A_296 : memref<253952x128xf32, #tpu.memory_space<hbm>>) dst(%dma_wait3A_291 : memref<64x128xf32, #tpu.memory_space<vmem>>)
    %dma_wait3A_297 = arith.constant 1 : i32
    %dma_wait3A_298 = arith.constant 0 : i32
    %dma_wait3A_299 = arith.constant 0 : i32
    %dma_wait3A_300 = tpu.memref_slice %arg17[%dma_wait3A_297, %dma_wait3A_298, %dma_wait3A_299] : memref<2x64x128xf32, #tpu.memory_space<vmem>> -> memref<1x64x128xf32, #tpu.memory_space<vmem>>
    %dma_wait3A_301 = tpu.memref_squeeze %dma_wait3A_300 : memref<1x64x128xf32, #tpu.memory_space<vmem>> -> memref<64x128xf32, #tpu.memory_space<vmem>>
    %dma_wait3A_302 = arith.constant 64 : i32
    %dma_wait3A_303 = tpu.memref_slice %arg13[%dma_wait3A_302] : memref<512xi32, #tpu.memory_space<vmem>> -> memref<64xi32, #tpu.memory_space<vmem>>
    %dma_wait3A_304 = arith.constant 0 : i32
    %dma_wait3A_305 = arith.constant 0 : i32
    %dma_wait3A_306 = tpu.memref_slice %arg7[%dma_wait3A_304, %dma_wait3A_305] : memref<253952x128xf32, #tpu.memory_space<hbm>> -> memref<253952x128xf32, #tpu.memory_space<hbm>>
    tpu.wait_indirect_dma semaphore(%arg18 : memref<!tpu.dma_semaphore, #tpu.memory_space<semaphore_mem>>) src(%dma_wait3A_306 : memref<253952x128xf32, #tpu.memory_space<hbm>>) dst(%dma_wait3A_301 : memref<64x128xf32, #tpu.memory_space<vmem>>)
    %add3A_307 = arith.constant 64 : i32
    %add3A_308 = arith.addi %mul3A_2, %add3A_307 : i32
    %dma_start3A_309 = arith.constant 1 : i32
    %dma_start3A_310 = arith.constant 0 : i32
    %dma_start3A_311 = arith.constant 0 : i32
    %dma_start3A_312 = tpu.memref_slice %arg14[%dma_start3A_309, %dma_start3A_310, %dma_start3A_311] : memref<2x64x128xf32, #tpu.memory_space<vmem>> -> memref<1x64x128xf32, #tpu.memory_space<vmem>>
    %dma_start3A_313 = tpu.memref_squeeze %dma_start3A_312 : memref<1x64x128xf32, #tpu.memory_space<vmem>> -> memref<64x128xf32, #tpu.memory_space<vmem>>
    %dma_start3A_314 = arith.constant 0 : i32
    %dma_start3A_315 = tpu.memref_slice %arg8[%add3A_308, %dma_start3A_314] : memref<16384x128xf32, #tpu.memory_space<hbm>> -> memref<64x128xf32, #tpu.memory_space<hbm>>
    %dma_start3A_316 = arith.constant 0 : i32
    %dma_start3A_317 = tpu.memref_slice %arg8[%add3A_308, %dma_start3A_316] : memref<16384x128xf32, #tpu.memory_space<hbm>> -> memref<64x128xf32, #tpu.memory_space<hbm>>
    %dma_start3A_318 = arith.constant 0 : i32
    %dma_start3A_319 = arith.constant 0 : i32
    %dma_start3A_320 = tpu.memref_slice %arg14[%dma_start3A_309, %dma_start3A_318, %dma_start3A_319] : memref<2x64x128xf32, #tpu.memory_space<vmem>> -> memref<1x64x128xf32, #tpu.memory_space<vmem>>
    %dma_start3A_321 = tpu.memref_squeeze %dma_start3A_320 : memref<1x64x128xf32, #tpu.memory_space<vmem>> -> memref<64x128xf32, #tpu.memory_space<vmem>>
    tpu.enqueue_dma source(%dma_start3A_321 : memref<64x128xf32, #tpu.memory_space<vmem>>) target(%dma_start3A_317 : memref<64x128xf32, #tpu.memory_space<hbm>>) target_semaphore(%arg19 : memref<!tpu.dma_semaphore, #tpu.memory_space<semaphore_mem>>)
    %dma_start3A_322 = arith.constant 1 : i32
    %dma_start3A_323 = arith.constant 0 : i32
    %dma_start3A_324 = arith.constant 0 : i32
    %dma_start3A_325 = tpu.memref_slice %arg15[%dma_start3A_322, %dma_start3A_323, %dma_start3A_324] : memref<2x64x128xf32, #tpu.memory_space<vmem>> -> memref<1x64x128xf32, #tpu.memory_space<vmem>>
    %dma_start3A_326 = tpu.memref_squeeze %dma_start3A_325 : memref<1x64x128xf32, #tpu.memory_space<vmem>> -> memref<64x128xf32, #tpu.memory_space<vmem>>
    %dma_start3A_327 = arith.constant 0 : i32
    %dma_start3A_328 = tpu.memref_slice %arg9[%add3A_308, %dma_start3A_327] : memref<16384x128xf32, #tpu.memory_space<hbm>> -> memref<64x128xf32, #tpu.memory_space<hbm>>
    %dma_start3A_329 = arith.constant 0 : i32
    %dma_start3A_330 = tpu.memref_slice %arg9[%add3A_308, %dma_start3A_329] : memref<16384x128xf32, #tpu.memory_space<hbm>> -> memref<64x128xf32, #tpu.memory_space<hbm>>
    %dma_start3A_331 = arith.constant 0 : i32
    %dma_start3A_332 = arith.constant 0 : i32
    %dma_start3A_333 = tpu.memref_slice %arg15[%dma_start3A_322, %dma_start3A_331, %dma_start3A_332] : memref<2x64x128xf32, #tpu.memory_space<vmem>> -> memref<1x64x128xf32, #tpu.memory_space<vmem>>
    %dma_start3A_334 = tpu.memref_squeeze %dma_start3A_333 : memref<1x64x128xf32, #tpu.memory_space<vmem>> -> memref<64x128xf32, #tpu.memory_space<vmem>>
    tpu.enqueue_dma source(%dma_start3A_334 : memref<64x128xf32, #tpu.memory_space<vmem>>) target(%dma_start3A_330 : memref<64x128xf32, #tpu.memory_space<hbm>>) target_semaphore(%arg19 : memref<!tpu.dma_semaphore, #tpu.memory_space<semaphore_mem>>)
    %dma_start3A_335 = arith.constant 1 : i32
    %dma_start3A_336 = arith.constant 0 : i32
    %dma_start3A_337 = arith.constant 0 : i32
    %dma_start3A_338 = tpu.memref_slice %arg16[%dma_start3A_335, %dma_start3A_336, %dma_start3A_337] : memref<2x64x128xf32, #tpu.memory_space<vmem>> -> memref<1x64x128xf32, #tpu.memory_space<vmem>>
    %dma_start3A_339 = tpu.memref_squeeze %dma_start3A_338 : memref<1x64x128xf32, #tpu.memory_space<vmem>> -> memref<64x128xf32, #tpu.memory_space<vmem>>
    %dma_start3A_340 = arith.constant 0 : i32
    %dma_start3A_341 = tpu.memref_slice %arg10[%add3A_308, %dma_start3A_340] : memref<16384x128xf32, #tpu.memory_space<hbm>> -> memref<64x128xf32, #tpu.memory_space<hbm>>
    %dma_start3A_342 = arith.constant 0 : i32
    %dma_start3A_343 = tpu.memref_slice %arg10[%add3A_308, %dma_start3A_342] : memref<16384x128xf32, #tpu.memory_space<hbm>> -> memref<64x128xf32, #tpu.memory_space<hbm>>
    %dma_start3A_344 = arith.constant 0 : i32
    %dma_start3A_345 = arith.constant 0 : i32
    %dma_start3A_346 = tpu.memref_slice %arg16[%dma_start3A_335, %dma_start3A_344, %dma_start3A_345] : memref<2x64x128xf32, #tpu.memory_space<vmem>> -> memref<1x64x128xf32, #tpu.memory_space<vmem>>
    %dma_start3A_347 = tpu.memref_squeeze %dma_start3A_346 : memref<1x64x128xf32, #tpu.memory_space<vmem>> -> memref<64x128xf32, #tpu.memory_space<vmem>>
    tpu.enqueue_dma source(%dma_start3A_347 : memref<64x128xf32, #tpu.memory_space<vmem>>) target(%dma_start3A_343 : memref<64x128xf32, #tpu.memory_space<hbm>>) target_semaphore(%arg19 : memref<!tpu.dma_semaphore, #tpu.memory_space<semaphore_mem>>)
    %dma_start3A_348 = arith.constant 1 : i32
    %dma_start3A_349 = arith.constant 0 : i32
    %dma_start3A_350 = arith.constant 0 : i32
    %dma_start3A_351 = tpu.memref_slice %arg17[%dma_start3A_348, %dma_start3A_349, %dma_start3A_350] : memref<2x64x128xf32, #tpu.memory_space<vmem>> -> memref<1x64x128xf32, #tpu.memory_space<vmem>>
    %dma_start3A_352 = tpu.memref_squeeze %dma_start3A_351 : memref<1x64x128xf32, #tpu.memory_space<vmem>> -> memref<64x128xf32, #tpu.memory_space<vmem>>
    %dma_start3A_353 = arith.constant 0 : i32
    %dma_start3A_354 = tpu.memref_slice %arg11[%add3A_308, %dma_start3A_353] : memref<16384x128xf32, #tpu.memory_space<hbm>> -> memref<64x128xf32, #tpu.memory_space<hbm>>
    %dma_start3A_355 = arith.constant 0 : i32
    %dma_start3A_356 = tpu.memref_slice %arg11[%add3A_308, %dma_start3A_355] : memref<16384x128xf32, #tpu.memory_space<hbm>> -> memref<64x128xf32, #tpu.memory_space<hbm>>
    %dma_start3A_357 = arith.constant 0 : i32
    %dma_start3A_358 = arith.constant 0 : i32
    %dma_start3A_359 = tpu.memref_slice %arg17[%dma_start3A_348, %dma_start3A_357, %dma_start3A_358] : memref<2x64x128xf32, #tpu.memory_space<vmem>> -> memref<1x64x128xf32, #tpu.memory_space<vmem>>
    %dma_start3A_360 = tpu.memref_squeeze %dma_start3A_359 : memref<1x64x128xf32, #tpu.memory_space<vmem>> -> memref<64x128xf32, #tpu.memory_space<vmem>>
    tpu.enqueue_dma source(%dma_start3A_360 : memref<64x128xf32, #tpu.memory_space<vmem>>) target(%dma_start3A_356 : memref<64x128xf32, #tpu.memory_space<hbm>>) target_semaphore(%arg19 : memref<!tpu.dma_semaphore, #tpu.memory_space<semaphore_mem>>)
    %dma_wait3A_361 = arith.constant 1 : i32
    %dma_wait3A_362 = arith.constant 0 : i32
    %dma_wait3A_363 = arith.constant 0 : i32
    %dma_wait3A_364 = tpu.memref_slice %arg14[%dma_wait3A_361, %dma_wait3A_362, %dma_wait3A_363] : memref<2x64x128xf32, #tpu.memory_space<vmem>> -> memref<1x64x128xf32, #tpu.memory_space<vmem>>
    %dma_wait3A_365 = tpu.memref_squeeze %dma_wait3A_364 : memref<1x64x128xf32, #tpu.memory_space<vmem>> -> memref<64x128xf32, #tpu.memory_space<vmem>>
    %dma_wait3A_366 = arith.constant 0 : i32
    %dma_wait3A_367 = tpu.memref_slice %arg8[%add3A_308, %dma_wait3A_366] : memref<16384x128xf32, #tpu.memory_space<hbm>> -> memref<64x128xf32, #tpu.memory_space<hbm>>
    %dma_wait3A_368 = arith.constant 0 : i32
    %dma_wait3A_369 = tpu.memref_slice %arg8[%add3A_308, %dma_wait3A_368] : memref<16384x128xf32, #tpu.memory_space<hbm>> -> memref<64x128xf32, #tpu.memory_space<hbm>>
    %dma_wait3A_370 = arith.constant 0 : i32
    %dma_wait3A_371 = arith.constant 0 : i32
    %dma_wait3A_372 = tpu.memref_slice %arg14[%dma_wait3A_361, %dma_wait3A_370, %dma_wait3A_371] : memref<2x64x128xf32, #tpu.memory_space<vmem>> -> memref<1x64x128xf32, #tpu.memory_space<vmem>>
    %dma_wait3A_373 = tpu.memref_squeeze %dma_wait3A_372 : memref<1x64x128xf32, #tpu.memory_space<vmem>> -> memref<64x128xf32, #tpu.memory_space<vmem>>
    tpu.wait_dma2 semaphore(%arg19 : memref<!tpu.dma_semaphore, #tpu.memory_space<semaphore_mem>>) src(%dma_wait3A_373 : memref<64x128xf32, #tpu.memory_space<vmem>>) dst(%dma_wait3A_369 : memref<64x128xf32, #tpu.memory_space<hbm>>)
    %dma_wait3A_374 = arith.constant 1 : i32
    %dma_wait3A_375 = arith.constant 0 : i32
    %dma_wait3A_376 = arith.constant 0 : i32
    %dma_wait3A_377 = tpu.memref_slice %arg15[%dma_wait3A_374, %dma_wait3A_375, %dma_wait3A_376] : memref<2x64x128xf32, #tpu.memory_space<vmem>> -> memref<1x64x128xf32, #tpu.memory_space<vmem>>
    %dma_wait3A_378 = tpu.memref_squeeze %dma_wait3A_377 : memref<1x64x128xf32, #tpu.memory_space<vmem>> -> memref<64x128xf32, #tpu.memory_space<vmem>>
    %dma_wait3A_379 = arith.constant 0 : i32
    %dma_wait3A_380 = tpu.memref_slice %arg9[%add3A_308, %dma_wait3A_379] : memref<16384x128xf32, #tpu.memory_space<hbm>> -> memref<64x128xf32, #tpu.memory_space<hbm>>
    %dma_wait3A_381 = arith.constant 0 : i32
    %dma_wait3A_382 = tpu.memref_slice %arg9[%add3A_308, %dma_wait3A_381] : memref<16384x128xf32, #tpu.memory_space<hbm>> -> memref<64x128xf32, #tpu.memory_space<hbm>>
    %dma_wait3A_383 = arith.constant 0 : i32
    %dma_wait3A_384 = arith.constant 0 : i32
    %dma_wait3A_385 = tpu.memref_slice %arg15[%dma_wait3A_374, %dma_wait3A_383, %dma_wait3A_384] : memref<2x64x128xf32, #tpu.memory_space<vmem>> -> memref<1x64x128xf32, #tpu.memory_space<vmem>>
    %dma_wait3A_386 = tpu.memref_squeeze %dma_wait3A_385 : memref<1x64x128xf32, #tpu.memory_space<vmem>> -> memref<64x128xf32, #tpu.memory_space<vmem>>
    tpu.wait_dma2 semaphore(%arg19 : memref<!tpu.dma_semaphore, #tpu.memory_space<semaphore_mem>>) src(%dma_wait3A_386 : memref<64x128xf32, #tpu.memory_space<vmem>>) dst(%dma_wait3A_382 : memref<64x128xf32, #tpu.memory_space<hbm>>)
    %dma_wait3A_387 = arith.constant 1 : i32
    %dma_wait3A_388 = arith.constant 0 : i32
    %dma_wait3A_389 = arith.constant 0 : i32
    %dma_wait3A_390 = tpu.memref_slice %arg16[%dma_wait3A_387, %dma_wait3A_388, %dma_wait3A_389] : memref<2x64x128xf32, #tpu.memory_space<vmem>> -> memref<1x64x128xf32, #tpu.memory_space<vmem>>
    %dma_wait3A_391 = tpu.memref_squeeze %dma_wait3A_390 : memref<1x64x128xf32, #tpu.memory_space<vmem>> -> memref<64x128xf32, #tpu.memory_space<vmem>>
    %dma_wait3A_392 = arith.constant 0 : i32
    %dma_wait3A_393 = tpu.memref_slice %arg10[%add3A_308, %dma_wait3A_392] : memref<16384x128xf32, #tpu.memory_space<hbm>> -> memref<64x128xf32, #tpu.memory_space<hbm>>
    %dma_wait3A_394 = arith.constant 0 : i32
    %dma_wait3A_395 = tpu.memref_slice %arg10[%add3A_308, %dma_wait3A_394] : memref<16384x128xf32, #tpu.memory_space<hbm>> -> memref<64x128xf32, #tpu.memory_space<hbm>>
    %dma_wait3A_396 = arith.constant 0 : i32
    %dma_wait3A_397 = arith.constant 0 : i32
    %dma_wait3A_398 = tpu.memref_slice %arg16[%dma_wait3A_387, %dma_wait3A_396, %dma_wait3A_397] : memref<2x64x128xf32, #tpu.memory_space<vmem>> -> memref<1x64x128xf32, #tpu.memory_space<vmem>>
    %dma_wait3A_399 = tpu.memref_squeeze %dma_wait3A_398 : memref<1x64x128xf32, #tpu.memory_space<vmem>> -> memref<64x128xf32, #tpu.memory_space<vmem>>
    tpu.wait_dma2 semaphore(%arg19 : memref<!tpu.dma_semaphore, #tpu.memory_space<semaphore_mem>>) src(%dma_wait3A_399 : memref<64x128xf32, #tpu.memory_space<vmem>>) dst(%dma_wait3A_395 : memref<64x128xf32, #tpu.memory_space<hbm>>)
    %dma_wait3A_400 = arith.constant 1 : i32
    %dma_wait3A_401 = arith.constant 0 : i32
    %dma_wait3A_402 = arith.constant 0 : i32
    %dma_wait3A_403 = tpu.memref_slice %arg17[%dma_wait3A_400, %dma_wait3A_401, %dma_wait3A_402] : memref<2x64x128xf32, #tpu.memory_space<vmem>> -> memref<1x64x128xf32, #tpu.memory_space<vmem>>
    %dma_wait3A_404 = tpu.memref_squeeze %dma_wait3A_403 : memref<1x64x128xf32, #tpu.memory_space<vmem>> -> memref<64x128xf32, #tpu.memory_space<vmem>>
    %dma_wait3A_405 = arith.constant 0 : i32
    %dma_wait3A_406 = tpu.memref_slice %arg11[%add3A_308, %dma_wait3A_405] : memref<16384x128xf32, #tpu.memory_space<hbm>> -> memref<64x128xf32, #tpu.memory_space<hbm>>
    %dma_wait3A_407 = arith.constant 0 : i32
    %dma_wait3A_408 = tpu.memref_slice %arg11[%add3A_308, %dma_wait3A_407] : memref<16384x128xf32, #tpu.memory_space<hbm>> -> memref<64x128xf32, #tpu.memory_space<hbm>>
    %dma_wait3A_409 = arith.constant 0 : i32
    %dma_wait3A_410 = arith.constant 0 : i32
    %dma_wait3A_411 = tpu.memref_slice %arg17[%dma_wait3A_400, %dma_wait3A_409, %dma_wait3A_410] : memref<2x64x128xf32, #tpu.memory_space<vmem>> -> memref<1x64x128xf32, #tpu.memory_space<vmem>>
    %dma_wait3A_412 = tpu.memref_squeeze %dma_wait3A_411 : memref<1x64x128xf32, #tpu.memory_space<vmem>> -> memref<64x128xf32, #tpu.memory_space<vmem>>
    tpu.wait_dma2 semaphore(%arg19 : memref<!tpu.dma_semaphore, #tpu.memory_space<semaphore_mem>>) src(%dma_wait3A_412 : memref<64x128xf32, #tpu.memory_space<vmem>>) dst(%dma_wait3A_408 : memref<64x128xf32, #tpu.memory_space<hbm>>)
    %dma_start3A_413 = arith.constant 1 : i32
    %dma_start3A_414 = arith.constant 0 : i32
    %dma_start3A_415 = arith.constant 0 : i32
    %dma_start3A_416 = tpu.memref_slice %arg14[%dma_start3A_413, %dma_start3A_414, %dma_start3A_415] : memref<2x64x128xf32, #tpu.memory_space<vmem>> -> memref<1x64x128xf32, #tpu.memory_space<vmem>>
    %dma_start3A_417 = tpu.memref_squeeze %dma_start3A_416 : memref<1x64x128xf32, #tpu.memory_space<vmem>> -> memref<64x128xf32, #tpu.memory_space<vmem>>
    %dma_start3A_418 = arith.constant 192 : i32
    %dma_start3A_419 = tpu.memref_slice %arg12[%dma_start3A_418] : memref<512xi32, #tpu.memory_space<vmem>> -> memref<64xi32, #tpu.memory_space<vmem>>
    %dma_start3A_420 = arith.constant 0 : i32
    %dma_start3A_421 = arith.constant 0 : i32
    %dma_start3A_422 = tpu.memref_slice %arg4[%dma_start3A_420, %dma_start3A_421] : memref<253952x128xf32, #tpu.memory_space<hbm>> -> memref<253952x128xf32, #tpu.memory_space<hbm>>
    tpu.enqueue_indirect_dma source(%dma_start3A_422 : memref<253952x128xf32, #tpu.memory_space<hbm>>) target(%dma_start3A_417 : memref<64x128xf32, #tpu.memory_space<vmem>>) offsets(%dma_start3A_419 : memref<64xi32, #tpu.memory_space<vmem>>) semaphore(%arg18 : memref<!tpu.dma_semaphore, #tpu.memory_space<semaphore_mem>>)
    %dma_start3A_423 = arith.constant 1 : i32
    %dma_start3A_424 = arith.constant 0 : i32
    %dma_start3A_425 = arith.constant 0 : i32
    %dma_start3A_426 = tpu.memref_slice %arg16[%dma_start3A_423, %dma_start3A_424, %dma_start3A_425] : memref<2x64x128xf32, #tpu.memory_space<vmem>> -> memref<1x64x128xf32, #tpu.memory_space<vmem>>
    %dma_start3A_427 = tpu.memref_squeeze %dma_start3A_426 : memref<1x64x128xf32, #tpu.memory_space<vmem>> -> memref<64x128xf32, #tpu.memory_space<vmem>>
    %dma_start3A_428 = arith.constant 192 : i32
    %dma_start3A_429 = tpu.memref_slice %arg12[%dma_start3A_428] : memref<512xi32, #tpu.memory_space<vmem>> -> memref<64xi32, #tpu.memory_space<vmem>>
    %dma_start3A_430 = arith.constant 0 : i32
    %dma_start3A_431 = arith.constant 0 : i32
    %dma_start3A_432 = tpu.memref_slice %arg6[%dma_start3A_430, %dma_start3A_431] : memref<253952x128xf32, #tpu.memory_space<hbm>> -> memref<253952x128xf32, #tpu.memory_space<hbm>>
    tpu.enqueue_indirect_dma source(%dma_start3A_432 : memref<253952x128xf32, #tpu.memory_space<hbm>>) target(%dma_start3A_427 : memref<64x128xf32, #tpu.memory_space<vmem>>) offsets(%dma_start3A_429 : memref<64xi32, #tpu.memory_space<vmem>>) semaphore(%arg18 : memref<!tpu.dma_semaphore, #tpu.memory_space<semaphore_mem>>)
    %dma_start3A_433 = arith.constant 1 : i32
    %dma_start3A_434 = arith.constant 0 : i32
    %dma_start3A_435 = arith.constant 0 : i32
    %dma_start3A_436 = tpu.memref_slice %arg15[%dma_start3A_433, %dma_start3A_434, %dma_start3A_435] : memref<2x64x128xf32, #tpu.memory_space<vmem>> -> memref<1x64x128xf32, #tpu.memory_space<vmem>>
    %dma_start3A_437 = tpu.memref_squeeze %dma_start3A_436 : memref<1x64x128xf32, #tpu.memory_space<vmem>> -> memref<64x128xf32, #tpu.memory_space<vmem>>
    %dma_start3A_438 = arith.constant 192 : i32
    %dma_start3A_439 = tpu.memref_slice %arg13[%dma_start3A_438] : memref<512xi32, #tpu.memory_space<vmem>> -> memref<64xi32, #tpu.memory_space<vmem>>
    %dma_start3A_440 = arith.constant 0 : i32
    %dma_start3A_441 = arith.constant 0 : i32
    %dma_start3A_442 = tpu.memref_slice %arg5[%dma_start3A_440, %dma_start3A_441] : memref<253952x128xf32, #tpu.memory_space<hbm>> -> memref<253952x128xf32, #tpu.memory_space<hbm>>
    tpu.enqueue_indirect_dma source(%dma_start3A_442 : memref<253952x128xf32, #tpu.memory_space<hbm>>) target(%dma_start3A_437 : memref<64x128xf32, #tpu.memory_space<vmem>>) offsets(%dma_start3A_439 : memref<64xi32, #tpu.memory_space<vmem>>) semaphore(%arg18 : memref<!tpu.dma_semaphore, #tpu.memory_space<semaphore_mem>>)
    %dma_start3A_443 = arith.constant 1 : i32
    %dma_start3A_444 = arith.constant 0 : i32
    %dma_start3A_445 = arith.constant 0 : i32
    %dma_start3A_446 = tpu.memref_slice %arg17[%dma_start3A_443, %dma_start3A_444, %dma_start3A_445] : memref<2x64x128xf32, #tpu.memory_space<vmem>> -> memref<1x64x128xf32, #tpu.memory_space<vmem>>
    %dma_start3A_447 = tpu.memref_squeeze %dma_start3A_446 : memref<1x64x128xf32, #tpu.memory_space<vmem>> -> memref<64x128xf32, #tpu.memory_space<vmem>>
    %dma_start3A_448 = arith.constant 192 : i32
    %dma_start3A_449 = tpu.memref_slice %arg13[%dma_start3A_448] : memref<512xi32, #tpu.memory_space<vmem>> -> memref<64xi32, #tpu.memory_space<vmem>>
    %dma_start3A_450 = arith.constant 0 : i32
    %dma_start3A_451 = arith.constant 0 : i32
    %dma_start3A_452 = tpu.memref_slice %arg7[%dma_start3A_450, %dma_start3A_451] : memref<253952x128xf32, #tpu.memory_space<hbm>> -> memref<253952x128xf32, #tpu.memory_space<hbm>>
    tpu.enqueue_indirect_dma source(%dma_start3A_452 : memref<253952x128xf32, #tpu.memory_space<hbm>>) target(%dma_start3A_447 : memref<64x128xf32, #tpu.memory_space<vmem>>) offsets(%dma_start3A_449 : memref<64xi32, #tpu.memory_space<vmem>>) semaphore(%arg18 : memref<!tpu.dma_semaphore, #tpu.memory_space<semaphore_mem>>)
    %dma_wait3A_453 = arith.constant 0 : i32
    %dma_wait3A_454 = arith.constant 0 : i32
    %dma_wait3A_455 = arith.constant 0 : i32
    %dma_wait3A_456 = tpu.memref_slice %arg14[%dma_wait3A_453, %dma_wait3A_454, %dma_wait3A_455] : memref<2x64x128xf32, #tpu.memory_space<vmem>> -> memref<1x64x128xf32, #tpu.memory_space<vmem>>
    %dma_wait3A_457 = tpu.memref_squeeze %dma_wait3A_456 : memref<1x64x128xf32, #tpu.memory_space<vmem>> -> memref<64x128xf32, #tpu.memory_space<vmem>>
    %dma_wait3A_458 = arith.constant 128 : i32
    %dma_wait3A_459 = tpu.memref_slice %arg12[%dma_wait3A_458] : memref<512xi32, #tpu.memory_space<vmem>> -> memref<64xi32, #tpu.memory_space<vmem>>
    %dma_wait3A_460 = arith.constant 0 : i32
    %dma_wait3A_461 = arith.constant 0 : i32
    %dma_wait3A_462 = tpu.memref_slice %arg4[%dma_wait3A_460, %dma_wait3A_461] : memref<253952x128xf32, #tpu.memory_space<hbm>> -> memref<253952x128xf32, #tpu.memory_space<hbm>>
    tpu.wait_indirect_dma semaphore(%arg18 : memref<!tpu.dma_semaphore, #tpu.memory_space<semaphore_mem>>) src(%dma_wait3A_462 : memref<253952x128xf32, #tpu.memory_space<hbm>>) dst(%dma_wait3A_457 : memref<64x128xf32, #tpu.memory_space<vmem>>)
    %dma_wait3A_463 = arith.constant 0 : i32
    %dma_wait3A_464 = arith.constant 0 : i32
    %dma_wait3A_465 = arith.constant 0 : i32
    %dma_wait3A_466 = tpu.memref_slice %arg16[%dma_wait3A_463, %dma_wait3A_464, %dma_wait3A_465] : memref<2x64x128xf32, #tpu.memory_space<vmem>> -> memref<1x64x128xf32, #tpu.memory_space<vmem>>
    %dma_wait3A_467 = tpu.memref_squeeze %dma_wait3A_466 : memref<1x64x128xf32, #tpu.memory_space<vmem>> -> memref<64x128xf32, #tpu.memory_space<vmem>>
    %dma_wait3A_468 = arith.constant 128 : i32
    %dma_wait3A_469 = tpu.memref_slice %arg12[%dma_wait3A_468] : memref<512xi32, #tpu.memory_space<vmem>> -> memref<64xi32, #tpu.memory_space<vmem>>
    %dma_wait3A_470 = arith.constant 0 : i32
    %dma_wait3A_471 = arith.constant 0 : i32
    %dma_wait3A_472 = tpu.memref_slice %arg6[%dma_wait3A_470, %dma_wait3A_471] : memref<253952x128xf32, #tpu.memory_space<hbm>> -> memref<253952x128xf32, #tpu.memory_space<hbm>>
    tpu.wait_indirect_dma semaphore(%arg18 : memref<!tpu.dma_semaphore, #tpu.memory_space<semaphore_mem>>) src(%dma_wait3A_472 : memref<253952x128xf32, #tpu.memory_space<hbm>>) dst(%dma_wait3A_467 : memref<64x128xf32, #tpu.memory_space<vmem>>)
    %dma_wait3A_473 = arith.constant 0 : i32
    %dma_wait3A_474 = arith.constant 0 : i32
    %dma_wait3A_475 = arith.constant 0 : i32
    %dma_wait3A_476 = tpu.memref_slice %arg15[%dma_wait3A_473, %dma_wait3A_474, %dma_wait3A_475] : memref<2x64x128xf32, #tpu.memory_space<vmem>> -> memref<1x64x128xf32, #tpu.memory_space<vmem>>
    %dma_wait3A_477 = tpu.memref_squeeze %dma_wait3A_476 : memref<1x64x128xf32, #tpu.memory_space<vmem>> -> memref<64x128xf32, #tpu.memory_space<vmem>>
    %dma_wait3A_478 = arith.constant 128 : i32
    %dma_wait3A_479 = tpu.memref_slice %arg13[%dma_wait3A_478] : memref<512xi32, #tpu.memory_space<vmem>> -> memref<64xi32, #tpu.memory_space<vmem>>
    %dma_wait3A_480 = arith.constant 0 : i32
    %dma_wait3A_481 = arith.constant 0 : i32
    %dma_wait3A_482 = tpu.memref_slice %arg5[%dma_wait3A_480, %dma_wait3A_481] : memref<253952x128xf32, #tpu.memory_space<hbm>> -> memref<253952x128xf32, #tpu.memory_space<hbm>>
    tpu.wait_indirect_dma semaphore(%arg18 : memref<!tpu.dma_semaphore, #tpu.memory_space<semaphore_mem>>) src(%dma_wait3A_482 : memref<253952x128xf32, #tpu.memory_space<hbm>>) dst(%dma_wait3A_477 : memref<64x128xf32, #tpu.memory_space<vmem>>)
    %dma_wait3A_483 = arith.constant 0 : i32
    %dma_wait3A_484 = arith.constant 0 : i32
    %dma_wait3A_485 = arith.constant 0 : i32
    %dma_wait3A_486 = tpu.memref_slice %arg17[%dma_wait3A_483, %dma_wait3A_484, %dma_wait3A_485] : memref<2x64x128xf32, #tpu.memory_space<vmem>> -> memref<1x64x128xf32, #tpu.memory_space<vmem>>
    %dma_wait3A_487 = tpu.memref_squeeze %dma_wait3A_486 : memref<1x64x128xf32, #tpu.memory_space<vmem>> -> memref<64x128xf32, #tpu.memory_space<vmem>>
    %dma_wait3A_488 = arith.constant 128 : i32
    %dma_wait3A_489 = tpu.memref_slice %arg13[%dma_wait3A_488] : memref<512xi32, #tpu.memory_space<vmem>> -> memref<64xi32, #tpu.memory_space<vmem>>
    %dma_wait3A_490 = arith.constant 0 : i32
    %dma_wait3A_491 = arith.constant 0 : i32
    %dma_wait3A_492 = tpu.memref_slice %arg7[%dma_wait3A_490, %dma_wait3A_491] : memref<253952x128xf32, #tpu.memory_space<hbm>> -> memref<253952x128xf32, #tpu.memory_space<hbm>>
    tpu.wait_indirect_dma semaphore(%arg18 : memref<!tpu.dma_semaphore, #tpu.memory_space<semaphore_mem>>) src(%dma_wait3A_492 : memref<253952x128xf32, #tpu.memory_space<hbm>>) dst(%dma_wait3A_487 : memref<64x128xf32, #tpu.memory_space<vmem>>)
    %add3A_493 = arith.constant 128 : i32
    %add3A_494 = arith.addi %mul3A_2, %add3A_493 : i32
    %dma_start3A_495 = arith.constant 0 : i32
    %dma_start3A_496 = arith.constant 0 : i32
    %dma_start3A_497 = arith.constant 0 : i32
    %dma_start3A_498 = tpu.memref_slice %arg14[%dma_start3A_495, %dma_start3A_496, %dma_start3A_497] : memref<2x64x128xf32, #tpu.memory_space<vmem>> -> memref<1x64x128xf32, #tpu.memory_space<vmem>>
    %dma_start3A_499 = tpu.memref_squeeze %dma_start3A_498 : memref<1x64x128xf32, #tpu.memory_space<vmem>> -> memref<64x128xf32, #tpu.memory_space<vmem>>
    %dma_start3A_500 = arith.constant 0 : i32
    %dma_start3A_501 = tpu.memref_slice %arg8[%add3A_494, %dma_start3A_500] : memref<16384x128xf32, #tpu.memory_space<hbm>> -> memref<64x128xf32, #tpu.memory_space<hbm>>
    %dma_start3A_502 = arith.constant 0 : i32
    %dma_start3A_503 = tpu.memref_slice %arg8[%add3A_494, %dma_start3A_502] : memref<16384x128xf32, #tpu.memory_space<hbm>> -> memref<64x128xf32, #tpu.memory_space<hbm>>
    %dma_start3A_504 = arith.constant 0 : i32
    %dma_start3A_505 = arith.constant 0 : i32
    %dma_start3A_506 = tpu.memref_slice %arg14[%dma_start3A_495, %dma_start3A_504, %dma_start3A_505] : memref<2x64x128xf32, #tpu.memory_space<vmem>> -> memref<1x64x128xf32, #tpu.memory_space<vmem>>
    %dma_start3A_507 = tpu.memref_squeeze %dma_start3A_506 : memref<1x64x128xf32, #tpu.memory_space<vmem>> -> memref<64x128xf32, #tpu.memory_space<vmem>>
    tpu.enqueue_dma source(%dma_start3A_507 : memref<64x128xf32, #tpu.memory_space<vmem>>) target(%dma_start3A_503 : memref<64x128xf32, #tpu.memory_space<hbm>>) target_semaphore(%arg19 : memref<!tpu.dma_semaphore, #tpu.memory_space<semaphore_mem>>)
    %dma_start3A_508 = arith.constant 0 : i32
    %dma_start3A_509 = arith.constant 0 : i32
    %dma_start3A_510 = arith.constant 0 : i32
    %dma_start3A_511 = tpu.memref_slice %arg15[%dma_start3A_508, %dma_start3A_509, %dma_start3A_510] : memref<2x64x128xf32, #tpu.memory_space<vmem>> -> memref<1x64x128xf32, #tpu.memory_space<vmem>>
    %dma_start3A_512 = tpu.memref_squeeze %dma_start3A_511 : memref<1x64x128xf32, #tpu.memory_space<vmem>> -> memref<64x128xf32, #tpu.memory_space<vmem>>
    %dma_start3A_513 = arith.constant 0 : i32
    %dma_start3A_514 = tpu.memref_slice %arg9[%add3A_494, %dma_start3A_513] : memref<16384x128xf32, #tpu.memory_space<hbm>> -> memref<64x128xf32, #tpu.memory_space<hbm>>
    %dma_start3A_515 = arith.constant 0 : i32
    %dma_start3A_516 = tpu.memref_slice %arg9[%add3A_494, %dma_start3A_515] : memref<16384x128xf32, #tpu.memory_space<hbm>> -> memref<64x128xf32, #tpu.memory_space<hbm>>
    %dma_start3A_517 = arith.constant 0 : i32
    %dma_start3A_518 = arith.constant 0 : i32
    %dma_start3A_519 = tpu.memref_slice %arg15[%dma_start3A_508, %dma_start3A_517, %dma_start3A_518] : memref<2x64x128xf32, #tpu.memory_space<vmem>> -> memref<1x64x128xf32, #tpu.memory_space<vmem>>
    %dma_start3A_520 = tpu.memref_squeeze %dma_start3A_519 : memref<1x64x128xf32, #tpu.memory_space<vmem>> -> memref<64x128xf32, #tpu.memory_space<vmem>>
    tpu.enqueue_dma source(%dma_start3A_520 : memref<64x128xf32, #tpu.memory_space<vmem>>) target(%dma_start3A_516 : memref<64x128xf32, #tpu.memory_space<hbm>>) target_semaphore(%arg19 : memref<!tpu.dma_semaphore, #tpu.memory_space<semaphore_mem>>)
    %dma_start3A_521 = arith.constant 0 : i32
    %dma_start3A_522 = arith.constant 0 : i32
    %dma_start3A_523 = arith.constant 0 : i32
    %dma_start3A_524 = tpu.memref_slice %arg16[%dma_start3A_521, %dma_start3A_522, %dma_start3A_523] : memref<2x64x128xf32, #tpu.memory_space<vmem>> -> memref<1x64x128xf32, #tpu.memory_space<vmem>>
    %dma_start3A_525 = tpu.memref_squeeze %dma_start3A_524 : memref<1x64x128xf32, #tpu.memory_space<vmem>> -> memref<64x128xf32, #tpu.memory_space<vmem>>
    %dma_start3A_526 = arith.constant 0 : i32
    %dma_start3A_527 = tpu.memref_slice %arg10[%add3A_494, %dma_start3A_526] : memref<16384x128xf32, #tpu.memory_space<hbm>> -> memref<64x128xf32, #tpu.memory_space<hbm>>
    %dma_start3A_528 = arith.constant 0 : i32
    %dma_start3A_529 = tpu.memref_slice %arg10[%add3A_494, %dma_start3A_528] : memref<16384x128xf32, #tpu.memory_space<hbm>> -> memref<64x128xf32, #tpu.memory_space<hbm>>
    %dma_start3A_530 = arith.constant 0 : i32
    %dma_start3A_531 = arith.constant 0 : i32
    %dma_start3A_532 = tpu.memref_slice %arg16[%dma_start3A_521, %dma_start3A_530, %dma_start3A_531] : memref<2x64x128xf32, #tpu.memory_space<vmem>> -> memref<1x64x128xf32, #tpu.memory_space<vmem>>
    %dma_start3A_533 = tpu.memref_squeeze %dma_start3A_532 : memref<1x64x128xf32, #tpu.memory_space<vmem>> -> memref<64x128xf32, #tpu.memory_space<vmem>>
    tpu.enqueue_dma source(%dma_start3A_533 : memref<64x128xf32, #tpu.memory_space<vmem>>) target(%dma_start3A_529 : memref<64x128xf32, #tpu.memory_space<hbm>>) target_semaphore(%arg19 : memref<!tpu.dma_semaphore, #tpu.memory_space<semaphore_mem>>)
    %dma_start3A_534 = arith.constant 0 : i32
    %dma_start3A_535 = arith.constant 0 : i32
    %dma_start3A_536 = arith.constant 0 : i32
    %dma_start3A_537 = tpu.memref_slice %arg17[%dma_start3A_534, %dma_start3A_535, %dma_start3A_536] : memref<2x64x128xf32, #tpu.memory_space<vmem>> -> memref<1x64x128xf32, #tpu.memory_space<vmem>>
    %dma_start3A_538 = tpu.memref_squeeze %dma_start3A_537 : memref<1x64x128xf32, #tpu.memory_space<vmem>> -> memref<64x128xf32, #tpu.memory_space<vmem>>
    %dma_start3A_539 = arith.constant 0 : i32
    %dma_start3A_540 = tpu.memref_slice %arg11[%add3A_494, %dma_start3A_539] : memref<16384x128xf32, #tpu.memory_space<hbm>> -> memref<64x128xf32, #tpu.memory_space<hbm>>
    %dma_start3A_541 = arith.constant 0 : i32
    %dma_start3A_542 = tpu.memref_slice %arg11[%add3A_494, %dma_start3A_541] : memref<16384x128xf32, #tpu.memory_space<hbm>> -> memref<64x128xf32, #tpu.memory_space<hbm>>
    %dma_start3A_543 = arith.constant 0 : i32
    %dma_start3A_544 = arith.constant 0 : i32
    %dma_start3A_545 = tpu.memref_slice %arg17[%dma_start3A_534, %dma_start3A_543, %dma_start3A_544] : memref<2x64x128xf32, #tpu.memory_space<vmem>> -> memref<1x64x128xf32, #tpu.memory_space<vmem>>
    %dma_start3A_546 = tpu.memref_squeeze %dma_start3A_545 : memref<1x64x128xf32, #tpu.memory_space<vmem>> -> memref<64x128xf32, #tpu.memory_space<vmem>>
    tpu.enqueue_dma source(%dma_start3A_546 : memref<64x128xf32, #tpu.memory_space<vmem>>) target(%dma_start3A_542 : memref<64x128xf32, #tpu.memory_space<hbm>>) target_semaphore(%arg19 : memref<!tpu.dma_semaphore, #tpu.memory_space<semaphore_mem>>)
    %dma_wait3A_547 = arith.constant 0 : i32
    %dma_wait3A_548 = arith.constant 0 : i32
    %dma_wait3A_549 = arith.constant 0 : i32
    %dma_wait3A_550 = tpu.memref_slice %arg14[%dma_wait3A_547, %dma_wait3A_548, %dma_wait3A_549] : memref<2x64x128xf32, #tpu.memory_space<vmem>> -> memref<1x64x128xf32, #tpu.memory_space<vmem>>
    %dma_wait3A_551 = tpu.memref_squeeze %dma_wait3A_550 : memref<1x64x128xf32, #tpu.memory_space<vmem>> -> memref<64x128xf32, #tpu.memory_space<vmem>>
    %dma_wait3A_552 = arith.constant 0 : i32
    %dma_wait3A_553 = tpu.memref_slice %arg8[%add3A_494, %dma_wait3A_552] : memref<16384x128xf32, #tpu.memory_space<hbm>> -> memref<64x128xf32, #tpu.memory_space<hbm>>
    %dma_wait3A_554 = arith.constant 0 : i32
    %dma_wait3A_555 = tpu.memref_slice %arg8[%add3A_494, %dma_wait3A_554] : memref<16384x128xf32, #tpu.memory_space<hbm>> -> memref<64x128xf32, #tpu.memory_space<hbm>>
    %dma_wait3A_556 = arith.constant 0 : i32
    %dma_wait3A_557 = arith.constant 0 : i32
    %dma_wait3A_558 = tpu.memref_slice %arg14[%dma_wait3A_547, %dma_wait3A_556, %dma_wait3A_557] : memref<2x64x128xf32, #tpu.memory_space<vmem>> -> memref<1x64x128xf32, #tpu.memory_space<vmem>>
    %dma_wait3A_559 = tpu.memref_squeeze %dma_wait3A_558 : memref<1x64x128xf32, #tpu.memory_space<vmem>> -> memref<64x128xf32, #tpu.memory_space<vmem>>
    tpu.wait_dma2 semaphore(%arg19 : memref<!tpu.dma_semaphore, #tpu.memory_space<semaphore_mem>>) src(%dma_wait3A_559 : memref<64x128xf32, #tpu.memory_space<vmem>>) dst(%dma_wait3A_555 : memref<64x128xf32, #tpu.memory_space<hbm>>)
    %dma_wait3A_560 = arith.constant 0 : i32
    %dma_wait3A_561 = arith.constant 0 : i32
    %dma_wait3A_562 = arith.constant 0 : i32
    %dma_wait3A_563 = tpu.memref_slice %arg15[%dma_wait3A_560, %dma_wait3A_561, %dma_wait3A_562] : memref<2x64x128xf32, #tpu.memory_space<vmem>> -> memref<1x64x128xf32, #tpu.memory_space<vmem>>
    %dma_wait3A_564 = tpu.memref_squeeze %dma_wait3A_563 : memref<1x64x128xf32, #tpu.memory_space<vmem>> -> memref<64x128xf32, #tpu.memory_space<vmem>>
    %dma_wait3A_565 = arith.constant 0 : i32
    %dma_wait3A_566 = tpu.memref_slice %arg9[%add3A_494, %dma_wait3A_565] : memref<16384x128xf32, #tpu.memory_space<hbm>> -> memref<64x128xf32, #tpu.memory_space<hbm>>
    %dma_wait3A_567 = arith.constant 0 : i32
    %dma_wait3A_568 = tpu.memref_slice %arg9[%add3A_494, %dma_wait3A_567] : memref<16384x128xf32, #tpu.memory_space<hbm>> -> memref<64x128xf32, #tpu.memory_space<hbm>>
    %dma_wait3A_569 = arith.constant 0 : i32
    %dma_wait3A_570 = arith.constant 0 : i32
    %dma_wait3A_571 = tpu.memref_slice %arg15[%dma_wait3A_560, %dma_wait3A_569, %dma_wait3A_570] : memref<2x64x128xf32, #tpu.memory_space<vmem>> -> memref<1x64x128xf32, #tpu.memory_space<vmem>>
    %dma_wait3A_572 = tpu.memref_squeeze %dma_wait3A_571 : memref<1x64x128xf32, #tpu.memory_space<vmem>> -> memref<64x128xf32, #tpu.memory_space<vmem>>
    tpu.wait_dma2 semaphore(%arg19 : memref<!tpu.dma_semaphore, #tpu.memory_space<semaphore_mem>>) src(%dma_wait3A_572 : memref<64x128xf32, #tpu.memory_space<vmem>>) dst(%dma_wait3A_568 : memref<64x128xf32, #tpu.memory_space<hbm>>)
    %dma_wait3A_573 = arith.constant 0 : i32
    %dma_wait3A_574 = arith.constant 0 : i32
    %dma_wait3A_575 = arith.constant 0 : i32
    %dma_wait3A_576 = tpu.memref_slice %arg16[%dma_wait3A_573, %dma_wait3A_574, %dma_wait3A_575] : memref<2x64x128xf32, #tpu.memory_space<vmem>> -> memref<1x64x128xf32, #tpu.memory_space<vmem>>
    %dma_wait3A_577 = tpu.memref_squeeze %dma_wait3A_576 : memref<1x64x128xf32, #tpu.memory_space<vmem>> -> memref<64x128xf32, #tpu.memory_space<vmem>>
    %dma_wait3A_578 = arith.constant 0 : i32
    %dma_wait3A_579 = tpu.memref_slice %arg10[%add3A_494, %dma_wait3A_578] : memref<16384x128xf32, #tpu.memory_space<hbm>> -> memref<64x128xf32, #tpu.memory_space<hbm>>
    %dma_wait3A_580 = arith.constant 0 : i32
    %dma_wait3A_581 = tpu.memref_slice %arg10[%add3A_494, %dma_wait3A_580] : memref<16384x128xf32, #tpu.memory_space<hbm>> -> memref<64x128xf32, #tpu.memory_space<hbm>>
    %dma_wait3A_582 = arith.constant 0 : i32
    %dma_wait3A_583 = arith.constant 0 : i32
    %dma_wait3A_584 = tpu.memref_slice %arg16[%dma_wait3A_573, %dma_wait3A_582, %dma_wait3A_583] : memref<2x64x128xf32, #tpu.memory_space<vmem>> -> memref<1x64x128xf32, #tpu.memory_space<vmem>>
    %dma_wait3A_585 = tpu.memref_squeeze %dma_wait3A_584 : memref<1x64x128xf32, #tpu.memory_space<vmem>> -> memref<64x128xf32, #tpu.memory_space<vmem>>
    tpu.wait_dma2 semaphore(%arg19 : memref<!tpu.dma_semaphore, #tpu.memory_space<semaphore_mem>>) src(%dma_wait3A_585 : memref<64x128xf32, #tpu.memory_space<vmem>>) dst(%dma_wait3A_581 : memref<64x128xf32, #tpu.memory_space<hbm>>)
    %dma_wait3A_586 = arith.constant 0 : i32
    %dma_wait3A_587 = arith.constant 0 : i32
    %dma_wait3A_588 = arith.constant 0 : i32
    %dma_wait3A_589 = tpu.memref_slice %arg17[%dma_wait3A_586, %dma_wait3A_587, %dma_wait3A_588] : memref<2x64x128xf32, #tpu.memory_space<vmem>> -> memref<1x64x128xf32, #tpu.memory_space<vmem>>
    %dma_wait3A_590 = tpu.memref_squeeze %dma_wait3A_589 : memref<1x64x128xf32, #tpu.memory_space<vmem>> -> memref<64x128xf32, #tpu.memory_space<vmem>>
    %dma_wait3A_591 = arith.constant 0 : i32
    %dma_wait3A_592 = tpu.memref_slice %arg11[%add3A_494, %dma_wait3A_591] : memref<16384x128xf32, #tpu.memory_space<hbm>> -> memref<64x128xf32, #tpu.memory_space<hbm>>
    %dma_wait3A_593 = arith.constant 0 : i32
    %dma_wait3A_594 = tpu.memref_slice %arg11[%add3A_494, %dma_wait3A_593] : memref<16384x128xf32, #tpu.memory_space<hbm>> -> memref<64x128xf32, #tpu.memory_space<hbm>>
    %dma_wait3A_595 = arith.constant 0 : i32
    %dma_wait3A_596 = arith.constant 0 : i32
    %dma_wait3A_597 = tpu.memref_slice %arg17[%dma_wait3A_586, %dma_wait3A_595, %dma_wait3A_596] : memref<2x64x128xf32, #tpu.memory_space<vmem>> -> memref<1x64x128xf32, #tpu.memory_space<vmem>>
    %dma_wait3A_598 = tpu.memref_squeeze %dma_wait3A_597 : memref<1x64x128xf32, #tpu.memory_space<vmem>> -> memref<64x128xf32, #tpu.memory_space<vmem>>
    tpu.wait_dma2 semaphore(%arg19 : memref<!tpu.dma_semaphore, #tpu.memory_space<semaphore_mem>>) src(%dma_wait3A_598 : memref<64x128xf32, #tpu.memory_space<vmem>>) dst(%dma_wait3A_594 : memref<64x128xf32, #tpu.memory_space<hbm>>)
    %dma_start3A_599 = arith.constant 0 : i32
    %dma_start3A_600 = arith.constant 0 : i32
    %dma_start3A_601 = arith.constant 0 : i32
    %dma_start3A_602 = tpu.memref_slice %arg14[%dma_start3A_599, %dma_start3A_600, %dma_start3A_601] : memref<2x64x128xf32, #tpu.memory_space<vmem>> -> memref<1x64x128xf32, #tpu.memory_space<vmem>>
    %dma_start3A_603 = tpu.memref_squeeze %dma_start3A_602 : memref<1x64x128xf32, #tpu.memory_space<vmem>> -> memref<64x128xf32, #tpu.memory_space<vmem>>
    %dma_start3A_604 = arith.constant 256 : i32
    %dma_start3A_605 = tpu.memref_slice %arg12[%dma_start3A_604] : memref<512xi32, #tpu.memory_space<vmem>> -> memref<64xi32, #tpu.memory_space<vmem>>
    %dma_start3A_606 = arith.constant 0 : i32
    %dma_start3A_607 = arith.constant 0 : i32
    %dma_start3A_608 = tpu.memref_slice %arg4[%dma_start3A_606, %dma_start3A_607] : memref<253952x128xf32, #tpu.memory_space<hbm>> -> memref<253952x128xf32, #tpu.memory_space<hbm>>
    tpu.enqueue_indirect_dma source(%dma_start3A_608 : memref<253952x128xf32, #tpu.memory_space<hbm>>) target(%dma_start3A_603 : memref<64x128xf32, #tpu.memory_space<vmem>>) offsets(%dma_start3A_605 : memref<64xi32, #tpu.memory_space<vmem>>) semaphore(%arg18 : memref<!tpu.dma_semaphore, #tpu.memory_space<semaphore_mem>>)
    %dma_start3A_609 = arith.constant 0 : i32
    %dma_start3A_610 = arith.constant 0 : i32
    %dma_start3A_611 = arith.constant 0 : i32
    %dma_start3A_612 = tpu.memref_slice %arg16[%dma_start3A_609, %dma_start3A_610, %dma_start3A_611] : memref<2x64x128xf32, #tpu.memory_space<vmem>> -> memref<1x64x128xf32, #tpu.memory_space<vmem>>
    %dma_start3A_613 = tpu.memref_squeeze %dma_start3A_612 : memref<1x64x128xf32, #tpu.memory_space<vmem>> -> memref<64x128xf32, #tpu.memory_space<vmem>>
    %dma_start3A_614 = arith.constant 256 : i32
    %dma_start3A_615 = tpu.memref_slice %arg12[%dma_start3A_614] : memref<512xi32, #tpu.memory_space<vmem>> -> memref<64xi32, #tpu.memory_space<vmem>>
    %dma_start3A_616 = arith.constant 0 : i32
    %dma_start3A_617 = arith.constant 0 : i32
    %dma_start3A_618 = tpu.memref_slice %arg6[%dma_start3A_616, %dma_start3A_617] : memref<253952x128xf32, #tpu.memory_space<hbm>> -> memref<253952x128xf32, #tpu.memory_space<hbm>>
    tpu.enqueue_indirect_dma source(%dma_start3A_618 : memref<253952x128xf32, #tpu.memory_space<hbm>>) target(%dma_start3A_613 : memref<64x128xf32, #tpu.memory_space<vmem>>) offsets(%dma_start3A_615 : memref<64xi32, #tpu.memory_space<vmem>>) semaphore(%arg18 : memref<!tpu.dma_semaphore, #tpu.memory_space<semaphore_mem>>)
    %dma_start3A_619 = arith.constant 0 : i32
    %dma_start3A_620 = arith.constant 0 : i32
    %dma_start3A_621 = arith.constant 0 : i32
    %dma_start3A_622 = tpu.memref_slice %arg15[%dma_start3A_619, %dma_start3A_620, %dma_start3A_621] : memref<2x64x128xf32, #tpu.memory_space<vmem>> -> memref<1x64x128xf32, #tpu.memory_space<vmem>>
    %dma_start3A_623 = tpu.memref_squeeze %dma_start3A_622 : memref<1x64x128xf32, #tpu.memory_space<vmem>> -> memref<64x128xf32, #tpu.memory_space<vmem>>
    %dma_start3A_624 = arith.constant 256 : i32
    %dma_start3A_625 = tpu.memref_slice %arg13[%dma_start3A_624] : memref<512xi32, #tpu.memory_space<vmem>> -> memref<64xi32, #tpu.memory_space<vmem>>
    %dma_start3A_626 = arith.constant 0 : i32
    %dma_start3A_627 = arith.constant 0 : i32
    %dma_start3A_628 = tpu.memref_slice %arg5[%dma_start3A_626, %dma_start3A_627] : memref<253952x128xf32, #tpu.memory_space<hbm>> -> memref<253952x128xf32, #tpu.memory_space<hbm>>
    tpu.enqueue_indirect_dma source(%dma_start3A_628 : memref<253952x128xf32, #tpu.memory_space<hbm>>) target(%dma_start3A_623 : memref<64x128xf32, #tpu.memory_space<vmem>>) offsets(%dma_start3A_625 : memref<64xi32, #tpu.memory_space<vmem>>) semaphore(%arg18 : memref<!tpu.dma_semaphore, #tpu.memory_space<semaphore_mem>>)
    %dma_start3A_629 = arith.constant 0 : i32
    %dma_start3A_630 = arith.constant 0 : i32
    %dma_start3A_631 = arith.constant 0 : i32
    %dma_start3A_632 = tpu.memref_slice %arg17[%dma_start3A_629, %dma_start3A_630, %dma_start3A_631] : memref<2x64x128xf32, #tpu.memory_space<vmem>> -> memref<1x64x128xf32, #tpu.memory_space<vmem>>
    %dma_start3A_633 = tpu.memref_squeeze %dma_start3A_632 : memref<1x64x128xf32, #tpu.memory_space<vmem>> -> memref<64x128xf32, #tpu.memory_space<vmem>>
    %dma_start3A_634 = arith.constant 256 : i32
    %dma_start3A_635 = tpu.memref_slice %arg13[%dma_start3A_634] : memref<512xi32, #tpu.memory_space<vmem>> -> memref<64xi32, #tpu.memory_space<vmem>>
    %dma_start3A_636 = arith.constant 0 : i32
    %dma_start3A_637 = arith.constant 0 : i32
    %dma_start3A_638 = tpu.memref_slice %arg7[%dma_start3A_636, %dma_start3A_637] : memref<253952x128xf32, #tpu.memory_space<hbm>> -> memref<253952x128xf32, #tpu.memory_space<hbm>>
    tpu.enqueue_indirect_dma source(%dma_start3A_638 : memref<253952x128xf32, #tpu.memory_space<hbm>>) target(%dma_start3A_633 : memref<64x128xf32, #tpu.memory_space<vmem>>) offsets(%dma_start3A_635 : memref<64xi32, #tpu.memory_space<vmem>>) semaphore(%arg18 : memref<!tpu.dma_semaphore, #tpu.memory_space<semaphore_mem>>)
    %dma_wait3A_639 = arith.constant 1 : i32
    %dma_wait3A_640 = arith.constant 0 : i32
    %dma_wait3A_641 = arith.constant 0 : i32
    %dma_wait3A_642 = tpu.memref_slice %arg14[%dma_wait3A_639, %dma_wait3A_640, %dma_wait3A_641] : memref<2x64x128xf32, #tpu.memory_space<vmem>> -> memref<1x64x128xf32, #tpu.memory_space<vmem>>
    %dma_wait3A_643 = tpu.memref_squeeze %dma_wait3A_642 : memref<1x64x128xf32, #tpu.memory_space<vmem>> -> memref<64x128xf32, #tpu.memory_space<vmem>>
    %dma_wait3A_644 = arith.constant 192 : i32
    %dma_wait3A_645 = tpu.memref_slice %arg12[%dma_wait3A_644] : memref<512xi32, #tpu.memory_space<vmem>> -> memref<64xi32, #tpu.memory_space<vmem>>
    %dma_wait3A_646 = arith.constant 0 : i32
    %dma_wait3A_647 = arith.constant 0 : i32
    %dma_wait3A_648 = tpu.memref_slice %arg4[%dma_wait3A_646, %dma_wait3A_647] : memref<253952x128xf32, #tpu.memory_space<hbm>> -> memref<253952x128xf32, #tpu.memory_space<hbm>>
    tpu.wait_indirect_dma semaphore(%arg18 : memref<!tpu.dma_semaphore, #tpu.memory_space<semaphore_mem>>) src(%dma_wait3A_648 : memref<253952x128xf32, #tpu.memory_space<hbm>>) dst(%dma_wait3A_643 : memref<64x128xf32, #tpu.memory_space<vmem>>)
    %dma_wait3A_649 = arith.constant 1 : i32
    %dma_wait3A_650 = arith.constant 0 : i32
    %dma_wait3A_651 = arith.constant 0 : i32
    %dma_wait3A_652 = tpu.memref_slice %arg16[%dma_wait3A_649, %dma_wait3A_650, %dma_wait3A_651] : memref<2x64x128xf32, #tpu.memory_space<vmem>> -> memref<1x64x128xf32, #tpu.memory_space<vmem>>
    %dma_wait3A_653 = tpu.memref_squeeze %dma_wait3A_652 : memref<1x64x128xf32, #tpu.memory_space<vmem>> -> memref<64x128xf32, #tpu.memory_space<vmem>>
    %dma_wait3A_654 = arith.constant 192 : i32
    %dma_wait3A_655 = tpu.memref_slice %arg12[%dma_wait3A_654] : memref<512xi32, #tpu.memory_space<vmem>> -> memref<64xi32, #tpu.memory_space<vmem>>
    %dma_wait3A_656 = arith.constant 0 : i32
    %dma_wait3A_657 = arith.constant 0 : i32
    %dma_wait3A_658 = tpu.memref_slice %arg6[%dma_wait3A_656, %dma_wait3A_657] : memref<253952x128xf32, #tpu.memory_space<hbm>> -> memref<253952x128xf32, #tpu.memory_space<hbm>>
    tpu.wait_indirect_dma semaphore(%arg18 : memref<!tpu.dma_semaphore, #tpu.memory_space<semaphore_mem>>) src(%dma_wait3A_658 : memref<253952x128xf32, #tpu.memory_space<hbm>>) dst(%dma_wait3A_653 : memref<64x128xf32, #tpu.memory_space<vmem>>)
    %dma_wait3A_659 = arith.constant 1 : i32
    %dma_wait3A_660 = arith.constant 0 : i32
    %dma_wait3A_661 = arith.constant 0 : i32
    %dma_wait3A_662 = tpu.memref_slice %arg15[%dma_wait3A_659, %dma_wait3A_660, %dma_wait3A_661] : memref<2x64x128xf32, #tpu.memory_space<vmem>> -> memref<1x64x128xf32, #tpu.memory_space<vmem>>
    %dma_wait3A_663 = tpu.memref_squeeze %dma_wait3A_662 : memref<1x64x128xf32, #tpu.memory_space<vmem>> -> memref<64x128xf32, #tpu.memory_space<vmem>>
    %dma_wait3A_664 = arith.constant 192 : i32
    %dma_wait3A_665 = tpu.memref_slice %arg13[%dma_wait3A_664] : memref<512xi32, #tpu.memory_space<vmem>> -> memref<64xi32, #tpu.memory_space<vmem>>
    %dma_wait3A_666 = arith.constant 0 : i32
    %dma_wait3A_667 = arith.constant 0 : i32
    %dma_wait3A_668 = tpu.memref_slice %arg5[%dma_wait3A_666, %dma_wait3A_667] : memref<253952x128xf32, #tpu.memory_space<hbm>> -> memref<253952x128xf32, #tpu.memory_space<hbm>>
    tpu.wait_indirect_dma semaphore(%arg18 : memref<!tpu.dma_semaphore, #tpu.memory_space<semaphore_mem>>) src(%dma_wait3A_668 : memref<253952x128xf32, #tpu.memory_space<hbm>>) dst(%dma_wait3A_663 : memref<64x128xf32, #tpu.memory_space<vmem>>)
    %dma_wait3A_669 = arith.constant 1 : i32
    %dma_wait3A_670 = arith.constant 0 : i32
    %dma_wait3A_671 = arith.constant 0 : i32
    %dma_wait3A_672 = tpu.memref_slice %arg17[%dma_wait3A_669, %dma_wait3A_670, %dma_wait3A_671] : memref<2x64x128xf32, #tpu.memory_space<vmem>> -> memref<1x64x128xf32, #tpu.memory_space<vmem>>
    %dma_wait3A_673 = tpu.memref_squeeze %dma_wait3A_672 : memref<1x64x128xf32, #tpu.memory_space<vmem>> -> memref<64x128xf32, #tpu.memory_space<vmem>>
    %dma_wait3A_674 = arith.constant 192 : i32
    %dma_wait3A_675 = tpu.memref_slice %arg13[%dma_wait3A_674] : memref<512xi32, #tpu.memory_space<vmem>> -> memref<64xi32, #tpu.memory_space<vmem>>
    %dma_wait3A_676 = arith.constant 0 : i32
    %dma_wait3A_677 = arith.constant 0 : i32
    %dma_wait3A_678 = tpu.memref_slice %arg7[%dma_wait3A_676, %dma_wait3A_677] : memref<253952x128xf32, #tpu.memory_space<hbm>> -> memref<253952x128xf32, #tpu.memory_space<hbm>>
    tpu.wait_indirect_dma semaphore(%arg18 : memref<!tpu.dma_semaphore, #tpu.memory_space<semaphore_mem>>) src(%dma_wait3A_678 : memref<253952x128xf32, #tpu.memory_space<hbm>>) dst(%dma_wait3A_673 : memref<64x128xf32, #tpu.memory_space<vmem>>)
    %add3A_679 = arith.constant 192 : i32
    %add3A_680 = arith.addi %mul3A_2, %add3A_679 : i32
    %dma_start3A_681 = arith.constant 1 : i32
    %dma_start3A_682 = arith.constant 0 : i32
    %dma_start3A_683 = arith.constant 0 : i32
    %dma_start3A_684 = tpu.memref_slice %arg14[%dma_start3A_681, %dma_start3A_682, %dma_start3A_683] : memref<2x64x128xf32, #tpu.memory_space<vmem>> -> memref<1x64x128xf32, #tpu.memory_space<vmem>>
    %dma_start3A_685 = tpu.memref_squeeze %dma_start3A_684 : memref<1x64x128xf32, #tpu.memory_space<vmem>> -> memref<64x128xf32, #tpu.memory_space<vmem>>
    %dma_start3A_686 = arith.constant 0 : i32
    %dma_start3A_687 = tpu.memref_slice %arg8[%add3A_680, %dma_start3A_686] : memref<16384x128xf32, #tpu.memory_space<hbm>> -> memref<64x128xf32, #tpu.memory_space<hbm>>
    %dma_start3A_688 = arith.constant 0 : i32
    %dma_start3A_689 = tpu.memref_slice %arg8[%add3A_680, %dma_start3A_688] : memref<16384x128xf32, #tpu.memory_space<hbm>> -> memref<64x128xf32, #tpu.memory_space<hbm>>
    %dma_start3A_690 = arith.constant 0 : i32
    %dma_start3A_691 = arith.constant 0 : i32
    %dma_start3A_692 = tpu.memref_slice %arg14[%dma_start3A_681, %dma_start3A_690, %dma_start3A_691] : memref<2x64x128xf32, #tpu.memory_space<vmem>> -> memref<1x64x128xf32, #tpu.memory_space<vmem>>
    %dma_start3A_693 = tpu.memref_squeeze %dma_start3A_692 : memref<1x64x128xf32, #tpu.memory_space<vmem>> -> memref<64x128xf32, #tpu.memory_space<vmem>>
    tpu.enqueue_dma source(%dma_start3A_693 : memref<64x128xf32, #tpu.memory_space<vmem>>) target(%dma_start3A_689 : memref<64x128xf32, #tpu.memory_space<hbm>>) target_semaphore(%arg19 : memref<!tpu.dma_semaphore, #tpu.memory_space<semaphore_mem>>)
    %dma_start3A_694 = arith.constant 1 : i32
    %dma_start3A_695 = arith.constant 0 : i32
    %dma_start3A_696 = arith.constant 0 : i32
    %dma_start3A_697 = tpu.memref_slice %arg15[%dma_start3A_694, %dma_start3A_695, %dma_start3A_696] : memref<2x64x128xf32, #tpu.memory_space<vmem>> -> memref<1x64x128xf32, #tpu.memory_space<vmem>>
    %dma_start3A_698 = tpu.memref_squeeze %dma_start3A_697 : memref<1x64x128xf32, #tpu.memory_space<vmem>> -> memref<64x128xf32, #tpu.memory_space<vmem>>
    %dma_start3A_699 = arith.constant 0 : i32
    %dma_start3A_700 = tpu.memref_slice %arg9[%add3A_680, %dma_start3A_699] : memref<16384x128xf32, #tpu.memory_space<hbm>> -> memref<64x128xf32, #tpu.memory_space<hbm>>
    %dma_start3A_701 = arith.constant 0 : i32
    %dma_start3A_702 = tpu.memref_slice %arg9[%add3A_680, %dma_start3A_701] : memref<16384x128xf32, #tpu.memory_space<hbm>> -> memref<64x128xf32, #tpu.memory_space<hbm>>
    %dma_start3A_703 = arith.constant 0 : i32
    %dma_start3A_704 = arith.constant 0 : i32
    %dma_start3A_705 = tpu.memref_slice %arg15[%dma_start3A_694, %dma_start3A_703, %dma_start3A_704] : memref<2x64x128xf32, #tpu.memory_space<vmem>> -> memref<1x64x128xf32, #tpu.memory_space<vmem>>
    %dma_start3A_706 = tpu.memref_squeeze %dma_start3A_705 : memref<1x64x128xf32, #tpu.memory_space<vmem>> -> memref<64x128xf32, #tpu.memory_space<vmem>>
    tpu.enqueue_dma source(%dma_start3A_706 : memref<64x128xf32, #tpu.memory_space<vmem>>) target(%dma_start3A_702 : memref<64x128xf32, #tpu.memory_space<hbm>>) target_semaphore(%arg19 : memref<!tpu.dma_semaphore, #tpu.memory_space<semaphore_mem>>)
    %dma_start3A_707 = arith.constant 1 : i32
    %dma_start3A_708 = arith.constant 0 : i32
    %dma_start3A_709 = arith.constant 0 : i32
    %dma_start3A_710 = tpu.memref_slice %arg16[%dma_start3A_707, %dma_start3A_708, %dma_start3A_709] : memref<2x64x128xf32, #tpu.memory_space<vmem>> -> memref<1x64x128xf32, #tpu.memory_space<vmem>>
    %dma_start3A_711 = tpu.memref_squeeze %dma_start3A_710 : memref<1x64x128xf32, #tpu.memory_space<vmem>> -> memref<64x128xf32, #tpu.memory_space<vmem>>
    %dma_start3A_712 = arith.constant 0 : i32
    %dma_start3A_713 = tpu.memref_slice %arg10[%add3A_680, %dma_start3A_712] : memref<16384x128xf32, #tpu.memory_space<hbm>> -> memref<64x128xf32, #tpu.memory_space<hbm>>
    %dma_start3A_714 = arith.constant 0 : i32
    %dma_start3A_715 = tpu.memref_slice %arg10[%add3A_680, %dma_start3A_714] : memref<16384x128xf32, #tpu.memory_space<hbm>> -> memref<64x128xf32, #tpu.memory_space<hbm>>
    %dma_start3A_716 = arith.constant 0 : i32
    %dma_start3A_717 = arith.constant 0 : i32
    %dma_start3A_718 = tpu.memref_slice %arg16[%dma_start3A_707, %dma_start3A_716, %dma_start3A_717] : memref<2x64x128xf32, #tpu.memory_space<vmem>> -> memref<1x64x128xf32, #tpu.memory_space<vmem>>
    %dma_start3A_719 = tpu.memref_squeeze %dma_start3A_718 : memref<1x64x128xf32, #tpu.memory_space<vmem>> -> memref<64x128xf32, #tpu.memory_space<vmem>>
    tpu.enqueue_dma source(%dma_start3A_719 : memref<64x128xf32, #tpu.memory_space<vmem>>) target(%dma_start3A_715 : memref<64x128xf32, #tpu.memory_space<hbm>>) target_semaphore(%arg19 : memref<!tpu.dma_semaphore, #tpu.memory_space<semaphore_mem>>)
    %dma_start3A_720 = arith.constant 1 : i32
    %dma_start3A_721 = arith.constant 0 : i32
    %dma_start3A_722 = arith.constant 0 : i32
    %dma_start3A_723 = tpu.memref_slice %arg17[%dma_start3A_720, %dma_start3A_721, %dma_start3A_722] : memref<2x64x128xf32, #tpu.memory_space<vmem>> -> memref<1x64x128xf32, #tpu.memory_space<vmem>>
    %dma_start3A_724 = tpu.memref_squeeze %dma_start3A_723 : memref<1x64x128xf32, #tpu.memory_space<vmem>> -> memref<64x128xf32, #tpu.memory_space<vmem>>
    %dma_start3A_725 = arith.constant 0 : i32
    %dma_start3A_726 = tpu.memref_slice %arg11[%add3A_680, %dma_start3A_725] : memref<16384x128xf32, #tpu.memory_space<hbm>> -> memref<64x128xf32, #tpu.memory_space<hbm>>
    %dma_start3A_727 = arith.constant 0 : i32
    %dma_start3A_728 = tpu.memref_slice %arg11[%add3A_680, %dma_start3A_727] : memref<16384x128xf32, #tpu.memory_space<hbm>> -> memref<64x128xf32, #tpu.memory_space<hbm>>
    %dma_start3A_729 = arith.constant 0 : i32
    %dma_start3A_730 = arith.constant 0 : i32
    %dma_start3A_731 = tpu.memref_slice %arg17[%dma_start3A_720, %dma_start3A_729, %dma_start3A_730] : memref<2x64x128xf32, #tpu.memory_space<vmem>> -> memref<1x64x128xf32, #tpu.memory_space<vmem>>
    %dma_start3A_732 = tpu.memref_squeeze %dma_start3A_731 : memref<1x64x128xf32, #tpu.memory_space<vmem>> -> memref<64x128xf32, #tpu.memory_space<vmem>>
    tpu.enqueue_dma source(%dma_start3A_732 : memref<64x128xf32, #tpu.memory_space<vmem>>) target(%dma_start3A_728 : memref<64x128xf32, #tpu.memory_space<hbm>>) target_semaphore(%arg19 : memref<!tpu.dma_semaphore, #tpu.memory_space<semaphore_mem>>)
    %dma_wait3A_733 = arith.constant 1 : i32
    %dma_wait3A_734 = arith.constant 0 : i32
    %dma_wait3A_735 = arith.constant 0 : i32
    %dma_wait3A_736 = tpu.memref_slice %arg14[%dma_wait3A_733, %dma_wait3A_734, %dma_wait3A_735] : memref<2x64x128xf32, #tpu.memory_space<vmem>> -> memref<1x64x128xf32, #tpu.memory_space<vmem>>
    %dma_wait3A_737 = tpu.memref_squeeze %dma_wait3A_736 : memref<1x64x128xf32, #tpu.memory_space<vmem>> -> memref<64x128xf32, #tpu.memory_space<vmem>>
    %dma_wait3A_738 = arith.constant 0 : i32
    %dma_wait3A_739 = tpu.memref_slice %arg8[%add3A_680, %dma_wait3A_738] : memref<16384x128xf32, #tpu.memory_space<hbm>> -> memref<64x128xf32, #tpu.memory_space<hbm>>
    %dma_wait3A_740 = arith.constant 0 : i32
    %dma_wait3A_741 = tpu.memref_slice %arg8[%add3A_680, %dma_wait3A_740] : memref<16384x128xf32, #tpu.memory_space<hbm>> -> memref<64x128xf32, #tpu.memory_space<hbm>>
    %dma_wait3A_742 = arith.constant 0 : i32
    %dma_wait3A_743 = arith.constant 0 : i32
    %dma_wait3A_744 = tpu.memref_slice %arg14[%dma_wait3A_733, %dma_wait3A_742, %dma_wait3A_743] : memref<2x64x128xf32, #tpu.memory_space<vmem>> -> memref<1x64x128xf32, #tpu.memory_space<vmem>>
    %dma_wait3A_745 = tpu.memref_squeeze %dma_wait3A_744 : memref<1x64x128xf32, #tpu.memory_space<vmem>> -> memref<64x128xf32, #tpu.memory_space<vmem>>
    tpu.wait_dma2 semaphore(%arg19 : memref<!tpu.dma_semaphore, #tpu.memory_space<semaphore_mem>>) src(%dma_wait3A_745 : memref<64x128xf32, #tpu.memory_space<vmem>>) dst(%dma_wait3A_741 : memref<64x128xf32, #tpu.memory_space<hbm>>)
    %dma_wait3A_746 = arith.constant 1 : i32
    %dma_wait3A_747 = arith.constant 0 : i32
    %dma_wait3A_748 = arith.constant 0 : i32
    %dma_wait3A_749 = tpu.memref_slice %arg15[%dma_wait3A_746, %dma_wait3A_747, %dma_wait3A_748] : memref<2x64x128xf32, #tpu.memory_space<vmem>> -> memref<1x64x128xf32, #tpu.memory_space<vmem>>
    %dma_wait3A_750 = tpu.memref_squeeze %dma_wait3A_749 : memref<1x64x128xf32, #tpu.memory_space<vmem>> -> memref<64x128xf32, #tpu.memory_space<vmem>>
    %dma_wait3A_751 = arith.constant 0 : i32
    %dma_wait3A_752 = tpu.memref_slice %arg9[%add3A_680, %dma_wait3A_751] : memref<16384x128xf32, #tpu.memory_space<hbm>> -> memref<64x128xf32, #tpu.memory_space<hbm>>
    %dma_wait3A_753 = arith.constant 0 : i32
    %dma_wait3A_754 = tpu.memref_slice %arg9[%add3A_680, %dma_wait3A_753] : memref<16384x128xf32, #tpu.memory_space<hbm>> -> memref<64x128xf32, #tpu.memory_space<hbm>>
    %dma_wait3A_755 = arith.constant 0 : i32
    %dma_wait3A_756 = arith.constant 0 : i32
    %dma_wait3A_757 = tpu.memref_slice %arg15[%dma_wait3A_746, %dma_wait3A_755, %dma_wait3A_756] : memref<2x64x128xf32, #tpu.memory_space<vmem>> -> memref<1x64x128xf32, #tpu.memory_space<vmem>>
    %dma_wait3A_758 = tpu.memref_squeeze %dma_wait3A_757 : memref<1x64x128xf32, #tpu.memory_space<vmem>> -> memref<64x128xf32, #tpu.memory_space<vmem>>
    tpu.wait_dma2 semaphore(%arg19 : memref<!tpu.dma_semaphore, #tpu.memory_space<semaphore_mem>>) src(%dma_wait3A_758 : memref<64x128xf32, #tpu.memory_space<vmem>>) dst(%dma_wait3A_754 : memref<64x128xf32, #tpu.memory_space<hbm>>)
    %dma_wait3A_759 = arith.constant 1 : i32
    %dma_wait3A_760 = arith.constant 0 : i32
    %dma_wait3A_761 = arith.constant 0 : i32
    %dma_wait3A_762 = tpu.memref_slice %arg16[%dma_wait3A_759, %dma_wait3A_760, %dma_wait3A_761] : memref<2x64x128xf32, #tpu.memory_space<vmem>> -> memref<1x64x128xf32, #tpu.memory_space<vmem>>
    %dma_wait3A_763 = tpu.memref_squeeze %dma_wait3A_762 : memref<1x64x128xf32, #tpu.memory_space<vmem>> -> memref<64x128xf32, #tpu.memory_space<vmem>>
    %dma_wait3A_764 = arith.constant 0 : i32
    %dma_wait3A_765 = tpu.memref_slice %arg10[%add3A_680, %dma_wait3A_764] : memref<16384x128xf32, #tpu.memory_space<hbm>> -> memref<64x128xf32, #tpu.memory_space<hbm>>
    %dma_wait3A_766 = arith.constant 0 : i32
    %dma_wait3A_767 = tpu.memref_slice %arg10[%add3A_680, %dma_wait3A_766] : memref<16384x128xf32, #tpu.memory_space<hbm>> -> memref<64x128xf32, #tpu.memory_space<hbm>>
    %dma_wait3A_768 = arith.constant 0 : i32
    %dma_wait3A_769 = arith.constant 0 : i32
    %dma_wait3A_770 = tpu.memref_slice %arg16[%dma_wait3A_759, %dma_wait3A_768, %dma_wait3A_769] : memref<2x64x128xf32, #tpu.memory_space<vmem>> -> memref<1x64x128xf32, #tpu.memory_space<vmem>>
    %dma_wait3A_771 = tpu.memref_squeeze %dma_wait3A_770 : memref<1x64x128xf32, #tpu.memory_space<vmem>> -> memref<64x128xf32, #tpu.memory_space<vmem>>
    tpu.wait_dma2 semaphore(%arg19 : memref<!tpu.dma_semaphore, #tpu.memory_space<semaphore_mem>>) src(%dma_wait3A_771 : memref<64x128xf32, #tpu.memory_space<vmem>>) dst(%dma_wait3A_767 : memref<64x128xf32, #tpu.memory_space<hbm>>)
    %dma_wait3A_772 = arith.constant 1 : i32
    %dma_wait3A_773 = arith.constant 0 : i32
    %dma_wait3A_774 = arith.constant 0 : i32
    %dma_wait3A_775 = tpu.memref_slice %arg17[%dma_wait3A_772, %dma_wait3A_773, %dma_wait3A_774] : memref<2x64x128xf32, #tpu.memory_space<vmem>> -> memref<1x64x128xf32, #tpu.memory_space<vmem>>
    %dma_wait3A_776 = tpu.memref_squeeze %dma_wait3A_775 : memref<1x64x128xf32, #tpu.memory_space<vmem>> -> memref<64x128xf32, #tpu.memory_space<vmem>>
    %dma_wait3A_777 = arith.constant 0 : i32
    %dma_wait3A_778 = tpu.memref_slice %arg11[%add3A_680, %dma_wait3A_777] : memref<16384x128xf32, #tpu.memory_space<hbm>> -> memref<64x128xf32, #tpu.memory_space<hbm>>
    %dma_wait3A_779 = arith.constant 0 : i32
    %dma_wait3A_780 = tpu.memref_slice %arg11[%add3A_680, %dma_wait3A_779] : memref<16384x128xf32, #tpu.memory_space<hbm>> -> memref<64x128xf32, #tpu.memory_space<hbm>>
    %dma_wait3A_781 = arith.constant 0 : i32
    %dma_wait3A_782 = arith.constant 0 : i32
    %dma_wait3A_783 = tpu.memref_slice %arg17[%dma_wait3A_772, %dma_wait3A_781, %dma_wait3A_782] : memref<2x64x128xf32, #tpu.memory_space<vmem>> -> memref<1x64x128xf32, #tpu.memory_space<vmem>>
    %dma_wait3A_784 = tpu.memref_squeeze %dma_wait3A_783 : memref<1x64x128xf32, #tpu.memory_space<vmem>> -> memref<64x128xf32, #tpu.memory_space<vmem>>
    tpu.wait_dma2 semaphore(%arg19 : memref<!tpu.dma_semaphore, #tpu.memory_space<semaphore_mem>>) src(%dma_wait3A_784 : memref<64x128xf32, #tpu.memory_space<vmem>>) dst(%dma_wait3A_780 : memref<64x128xf32, #tpu.memory_space<hbm>>)
    %dma_start3A_785 = arith.constant 1 : i32
    %dma_start3A_786 = arith.constant 0 : i32
    %dma_start3A_787 = arith.constant 0 : i32
    %dma_start3A_788 = tpu.memref_slice %arg14[%dma_start3A_785, %dma_start3A_786, %dma_start3A_787] : memref<2x64x128xf32, #tpu.memory_space<vmem>> -> memref<1x64x128xf32, #tpu.memory_space<vmem>>
    %dma_start3A_789 = tpu.memref_squeeze %dma_start3A_788 : memref<1x64x128xf32, #tpu.memory_space<vmem>> -> memref<64x128xf32, #tpu.memory_space<vmem>>
    %dma_start3A_790 = arith.constant 320 : i32
    %dma_start3A_791 = tpu.memref_slice %arg12[%dma_start3A_790] : memref<512xi32, #tpu.memory_space<vmem>> -> memref<64xi32, #tpu.memory_space<vmem>>
    %dma_start3A_792 = arith.constant 0 : i32
    %dma_start3A_793 = arith.constant 0 : i32
    %dma_start3A_794 = tpu.memref_slice %arg4[%dma_start3A_792, %dma_start3A_793] : memref<253952x128xf32, #tpu.memory_space<hbm>> -> memref<253952x128xf32, #tpu.memory_space<hbm>>
    tpu.enqueue_indirect_dma source(%dma_start3A_794 : memref<253952x128xf32, #tpu.memory_space<hbm>>) target(%dma_start3A_789 : memref<64x128xf32, #tpu.memory_space<vmem>>) offsets(%dma_start3A_791 : memref<64xi32, #tpu.memory_space<vmem>>) semaphore(%arg18 : memref<!tpu.dma_semaphore, #tpu.memory_space<semaphore_mem>>)
    %dma_start3A_795 = arith.constant 1 : i32
    %dma_start3A_796 = arith.constant 0 : i32
    %dma_start3A_797 = arith.constant 0 : i32
    %dma_start3A_798 = tpu.memref_slice %arg16[%dma_start3A_795, %dma_start3A_796, %dma_start3A_797] : memref<2x64x128xf32, #tpu.memory_space<vmem>> -> memref<1x64x128xf32, #tpu.memory_space<vmem>>
    %dma_start3A_799 = tpu.memref_squeeze %dma_start3A_798 : memref<1x64x128xf32, #tpu.memory_space<vmem>> -> memref<64x128xf32, #tpu.memory_space<vmem>>
    %dma_start3A_800 = arith.constant 320 : i32
    %dma_start3A_801 = tpu.memref_slice %arg12[%dma_start3A_800] : memref<512xi32, #tpu.memory_space<vmem>> -> memref<64xi32, #tpu.memory_space<vmem>>
    %dma_start3A_802 = arith.constant 0 : i32
    %dma_start3A_803 = arith.constant 0 : i32
    %dma_start3A_804 = tpu.memref_slice %arg6[%dma_start3A_802, %dma_start3A_803] : memref<253952x128xf32, #tpu.memory_space<hbm>> -> memref<253952x128xf32, #tpu.memory_space<hbm>>
    tpu.enqueue_indirect_dma source(%dma_start3A_804 : memref<253952x128xf32, #tpu.memory_space<hbm>>) target(%dma_start3A_799 : memref<64x128xf32, #tpu.memory_space<vmem>>) offsets(%dma_start3A_801 : memref<64xi32, #tpu.memory_space<vmem>>) semaphore(%arg18 : memref<!tpu.dma_semaphore, #tpu.memory_space<semaphore_mem>>)
    %dma_start3A_805 = arith.constant 1 : i32
    %dma_start3A_806 = arith.constant 0 : i32
    %dma_start3A_807 = arith.constant 0 : i32
    %dma_start3A_808 = tpu.memref_slice %arg15[%dma_start3A_805, %dma_start3A_806, %dma_start3A_807] : memref<2x64x128xf32, #tpu.memory_space<vmem>> -> memref<1x64x128xf32, #tpu.memory_space<vmem>>
    %dma_start3A_809 = tpu.memref_squeeze %dma_start3A_808 : memref<1x64x128xf32, #tpu.memory_space<vmem>> -> memref<64x128xf32, #tpu.memory_space<vmem>>
    %dma_start3A_810 = arith.constant 320 : i32
    %dma_start3A_811 = tpu.memref_slice %arg13[%dma_start3A_810] : memref<512xi32, #tpu.memory_space<vmem>> -> memref<64xi32, #tpu.memory_space<vmem>>
    %dma_start3A_812 = arith.constant 0 : i32
    %dma_start3A_813 = arith.constant 0 : i32
    %dma_start3A_814 = tpu.memref_slice %arg5[%dma_start3A_812, %dma_start3A_813] : memref<253952x128xf32, #tpu.memory_space<hbm>> -> memref<253952x128xf32, #tpu.memory_space<hbm>>
    tpu.enqueue_indirect_dma source(%dma_start3A_814 : memref<253952x128xf32, #tpu.memory_space<hbm>>) target(%dma_start3A_809 : memref<64x128xf32, #tpu.memory_space<vmem>>) offsets(%dma_start3A_811 : memref<64xi32, #tpu.memory_space<vmem>>) semaphore(%arg18 : memref<!tpu.dma_semaphore, #tpu.memory_space<semaphore_mem>>)
    %dma_start3A_815 = arith.constant 1 : i32
    %dma_start3A_816 = arith.constant 0 : i32
    %dma_start3A_817 = arith.constant 0 : i32
    %dma_start3A_818 = tpu.memref_slice %arg17[%dma_start3A_815, %dma_start3A_816, %dma_start3A_817] : memref<2x64x128xf32, #tpu.memory_space<vmem>> -> memref<1x64x128xf32, #tpu.memory_space<vmem>>
    %dma_start3A_819 = tpu.memref_squeeze %dma_start3A_818 : memref<1x64x128xf32, #tpu.memory_space<vmem>> -> memref<64x128xf32, #tpu.memory_space<vmem>>
    %dma_start3A_820 = arith.constant 320 : i32
    %dma_start3A_821 = tpu.memref_slice %arg13[%dma_start3A_820] : memref<512xi32, #tpu.memory_space<vmem>> -> memref<64xi32, #tpu.memory_space<vmem>>
    %dma_start3A_822 = arith.constant 0 : i32
    %dma_start3A_823 = arith.constant 0 : i32
    %dma_start3A_824 = tpu.memref_slice %arg7[%dma_start3A_822, %dma_start3A_823] : memref<253952x128xf32, #tpu.memory_space<hbm>> -> memref<253952x128xf32, #tpu.memory_space<hbm>>
    tpu.enqueue_indirect_dma source(%dma_start3A_824 : memref<253952x128xf32, #tpu.memory_space<hbm>>) target(%dma_start3A_819 : memref<64x128xf32, #tpu.memory_space<vmem>>) offsets(%dma_start3A_821 : memref<64xi32, #tpu.memory_space<vmem>>) semaphore(%arg18 : memref<!tpu.dma_semaphore, #tpu.memory_space<semaphore_mem>>)
    %dma_wait3A_825 = arith.constant 0 : i32
    %dma_wait3A_826 = arith.constant 0 : i32
    %dma_wait3A_827 = arith.constant 0 : i32
    %dma_wait3A_828 = tpu.memref_slice %arg14[%dma_wait3A_825, %dma_wait3A_826, %dma_wait3A_827] : memref<2x64x128xf32, #tpu.memory_space<vmem>> -> memref<1x64x128xf32, #tpu.memory_space<vmem>>
    %dma_wait3A_829 = tpu.memref_squeeze %dma_wait3A_828 : memref<1x64x128xf32, #tpu.memory_space<vmem>> -> memref<64x128xf32, #tpu.memory_space<vmem>>
    %dma_wait3A_830 = arith.constant 256 : i32
    %dma_wait3A_831 = tpu.memref_slice %arg12[%dma_wait3A_830] : memref<512xi32, #tpu.memory_space<vmem>> -> memref<64xi32, #tpu.memory_space<vmem>>
    %dma_wait3A_832 = arith.constant 0 : i32
    %dma_wait3A_833 = arith.constant 0 : i32
    %dma_wait3A_834 = tpu.memref_slice %arg4[%dma_wait3A_832, %dma_wait3A_833] : memref<253952x128xf32, #tpu.memory_space<hbm>> -> memref<253952x128xf32, #tpu.memory_space<hbm>>
    tpu.wait_indirect_dma semaphore(%arg18 : memref<!tpu.dma_semaphore, #tpu.memory_space<semaphore_mem>>) src(%dma_wait3A_834 : memref<253952x128xf32, #tpu.memory_space<hbm>>) dst(%dma_wait3A_829 : memref<64x128xf32, #tpu.memory_space<vmem>>)
    %dma_wait3A_835 = arith.constant 0 : i32
    %dma_wait3A_836 = arith.constant 0 : i32
    %dma_wait3A_837 = arith.constant 0 : i32
    %dma_wait3A_838 = tpu.memref_slice %arg16[%dma_wait3A_835, %dma_wait3A_836, %dma_wait3A_837] : memref<2x64x128xf32, #tpu.memory_space<vmem>> -> memref<1x64x128xf32, #tpu.memory_space<vmem>>
    %dma_wait3A_839 = tpu.memref_squeeze %dma_wait3A_838 : memref<1x64x128xf32, #tpu.memory_space<vmem>> -> memref<64x128xf32, #tpu.memory_space<vmem>>
    %dma_wait3A_840 = arith.constant 256 : i32
    %dma_wait3A_841 = tpu.memref_slice %arg12[%dma_wait3A_840] : memref<512xi32, #tpu.memory_space<vmem>> -> memref<64xi32, #tpu.memory_space<vmem>>
    %dma_wait3A_842 = arith.constant 0 : i32
    %dma_wait3A_843 = arith.constant 0 : i32
    %dma_wait3A_844 = tpu.memref_slice %arg6[%dma_wait3A_842, %dma_wait3A_843] : memref<253952x128xf32, #tpu.memory_space<hbm>> -> memref<253952x128xf32, #tpu.memory_space<hbm>>
    tpu.wait_indirect_dma semaphore(%arg18 : memref<!tpu.dma_semaphore, #tpu.memory_space<semaphore_mem>>) src(%dma_wait3A_844 : memref<253952x128xf32, #tpu.memory_space<hbm>>) dst(%dma_wait3A_839 : memref<64x128xf32, #tpu.memory_space<vmem>>)
    %dma_wait3A_845 = arith.constant 0 : i32
    %dma_wait3A_846 = arith.constant 0 : i32
    %dma_wait3A_847 = arith.constant 0 : i32
    %dma_wait3A_848 = tpu.memref_slice %arg15[%dma_wait3A_845, %dma_wait3A_846, %dma_wait3A_847] : memref<2x64x128xf32, #tpu.memory_space<vmem>> -> memref<1x64x128xf32, #tpu.memory_space<vmem>>
    %dma_wait3A_849 = tpu.memref_squeeze %dma_wait3A_848 : memref<1x64x128xf32, #tpu.memory_space<vmem>> -> memref<64x128xf32, #tpu.memory_space<vmem>>
    %dma_wait3A_850 = arith.constant 256 : i32
    %dma_wait3A_851 = tpu.memref_slice %arg13[%dma_wait3A_850] : memref<512xi32, #tpu.memory_space<vmem>> -> memref<64xi32, #tpu.memory_space<vmem>>
    %dma_wait3A_852 = arith.constant 0 : i32
    %dma_wait3A_853 = arith.constant 0 : i32
    %dma_wait3A_854 = tpu.memref_slice %arg5[%dma_wait3A_852, %dma_wait3A_853] : memref<253952x128xf32, #tpu.memory_space<hbm>> -> memref<253952x128xf32, #tpu.memory_space<hbm>>
    tpu.wait_indirect_dma semaphore(%arg18 : memref<!tpu.dma_semaphore, #tpu.memory_space<semaphore_mem>>) src(%dma_wait3A_854 : memref<253952x128xf32, #tpu.memory_space<hbm>>) dst(%dma_wait3A_849 : memref<64x128xf32, #tpu.memory_space<vmem>>)
    %dma_wait3A_855 = arith.constant 0 : i32
    %dma_wait3A_856 = arith.constant 0 : i32
    %dma_wait3A_857 = arith.constant 0 : i32
    %dma_wait3A_858 = tpu.memref_slice %arg17[%dma_wait3A_855, %dma_wait3A_856, %dma_wait3A_857] : memref<2x64x128xf32, #tpu.memory_space<vmem>> -> memref<1x64x128xf32, #tpu.memory_space<vmem>>
    %dma_wait3A_859 = tpu.memref_squeeze %dma_wait3A_858 : memref<1x64x128xf32, #tpu.memory_space<vmem>> -> memref<64x128xf32, #tpu.memory_space<vmem>>
    %dma_wait3A_860 = arith.constant 256 : i32
    %dma_wait3A_861 = tpu.memref_slice %arg13[%dma_wait3A_860] : memref<512xi32, #tpu.memory_space<vmem>> -> memref<64xi32, #tpu.memory_space<vmem>>
    %dma_wait3A_862 = arith.constant 0 : i32
    %dma_wait3A_863 = arith.constant 0 : i32
    %dma_wait3A_864 = tpu.memref_slice %arg7[%dma_wait3A_862, %dma_wait3A_863] : memref<253952x128xf32, #tpu.memory_space<hbm>> -> memref<253952x128xf32, #tpu.memory_space<hbm>>
    tpu.wait_indirect_dma semaphore(%arg18 : memref<!tpu.dma_semaphore, #tpu.memory_space<semaphore_mem>>) src(%dma_wait3A_864 : memref<253952x128xf32, #tpu.memory_space<hbm>>) dst(%dma_wait3A_859 : memref<64x128xf32, #tpu.memory_space<vmem>>)
    %add3A_865 = arith.constant 256 : i32
    %add3A_866 = arith.addi %mul3A_2, %add3A_865 : i32
    %dma_start3A_867 = arith.constant 0 : i32
    %dma_start3A_868 = arith.constant 0 : i32
    %dma_start3A_869 = arith.constant 0 : i32
    %dma_start3A_870 = tpu.memref_slice %arg14[%dma_start3A_867, %dma_start3A_868, %dma_start3A_869] : memref<2x64x128xf32, #tpu.memory_space<vmem>> -> memref<1x64x128xf32, #tpu.memory_space<vmem>>
    %dma_start3A_871 = tpu.memref_squeeze %dma_start3A_870 : memref<1x64x128xf32, #tpu.memory_space<vmem>> -> memref<64x128xf32, #tpu.memory_space<vmem>>
    %dma_start3A_872 = arith.constant 0 : i32
    %dma_start3A_873 = tpu.memref_slice %arg8[%add3A_866, %dma_start3A_872] : memref<16384x128xf32, #tpu.memory_space<hbm>> -> memref<64x128xf32, #tpu.memory_space<hbm>>
    %dma_start3A_874 = arith.constant 0 : i32
    %dma_start3A_875 = tpu.memref_slice %arg8[%add3A_866, %dma_start3A_874] : memref<16384x128xf32, #tpu.memory_space<hbm>> -> memref<64x128xf32, #tpu.memory_space<hbm>>
    %dma_start3A_876 = arith.constant 0 : i32
    %dma_start3A_877 = arith.constant 0 : i32
    %dma_start3A_878 = tpu.memref_slice %arg14[%dma_start3A_867, %dma_start3A_876, %dma_start3A_877] : memref<2x64x128xf32, #tpu.memory_space<vmem>> -> memref<1x64x128xf32, #tpu.memory_space<vmem>>
    %dma_start3A_879 = tpu.memref_squeeze %dma_start3A_878 : memref<1x64x128xf32, #tpu.memory_space<vmem>> -> memref<64x128xf32, #tpu.memory_space<vmem>>
    tpu.enqueue_dma source(%dma_start3A_879 : memref<64x128xf32, #tpu.memory_space<vmem>>) target(%dma_start3A_875 : memref<64x128xf32, #tpu.memory_space<hbm>>) target_semaphore(%arg19 : memref<!tpu.dma_semaphore, #tpu.memory_space<semaphore_mem>>)
    %dma_start3A_880 = arith.constant 0 : i32
    %dma_start3A_881 = arith.constant 0 : i32
    %dma_start3A_882 = arith.constant 0 : i32
    %dma_start3A_883 = tpu.memref_slice %arg15[%dma_start3A_880, %dma_start3A_881, %dma_start3A_882] : memref<2x64x128xf32, #tpu.memory_space<vmem>> -> memref<1x64x128xf32, #tpu.memory_space<vmem>>
    %dma_start3A_884 = tpu.memref_squeeze %dma_start3A_883 : memref<1x64x128xf32, #tpu.memory_space<vmem>> -> memref<64x128xf32, #tpu.memory_space<vmem>>
    %dma_start3A_885 = arith.constant 0 : i32
    %dma_start3A_886 = tpu.memref_slice %arg9[%add3A_866, %dma_start3A_885] : memref<16384x128xf32, #tpu.memory_space<hbm>> -> memref<64x128xf32, #tpu.memory_space<hbm>>
    %dma_start3A_887 = arith.constant 0 : i32
    %dma_start3A_888 = tpu.memref_slice %arg9[%add3A_866, %dma_start3A_887] : memref<16384x128xf32, #tpu.memory_space<hbm>> -> memref<64x128xf32, #tpu.memory_space<hbm>>
    %dma_start3A_889 = arith.constant 0 : i32
    %dma_start3A_890 = arith.constant 0 : i32
    %dma_start3A_891 = tpu.memref_slice %arg15[%dma_start3A_880, %dma_start3A_889, %dma_start3A_890] : memref<2x64x128xf32, #tpu.memory_space<vmem>> -> memref<1x64x128xf32, #tpu.memory_space<vmem>>
    %dma_start3A_892 = tpu.memref_squeeze %dma_start3A_891 : memref<1x64x128xf32, #tpu.memory_space<vmem>> -> memref<64x128xf32, #tpu.memory_space<vmem>>
    tpu.enqueue_dma source(%dma_start3A_892 : memref<64x128xf32, #tpu.memory_space<vmem>>) target(%dma_start3A_888 : memref<64x128xf32, #tpu.memory_space<hbm>>) target_semaphore(%arg19 : memref<!tpu.dma_semaphore, #tpu.memory_space<semaphore_mem>>)
    %dma_start3A_893 = arith.constant 0 : i32
    %dma_start3A_894 = arith.constant 0 : i32
    %dma_start3A_895 = arith.constant 0 : i32
    %dma_start3A_896 = tpu.memref_slice %arg16[%dma_start3A_893, %dma_start3A_894, %dma_start3A_895] : memref<2x64x128xf32, #tpu.memory_space<vmem>> -> memref<1x64x128xf32, #tpu.memory_space<vmem>>
    %dma_start3A_897 = tpu.memref_squeeze %dma_start3A_896 : memref<1x64x128xf32, #tpu.memory_space<vmem>> -> memref<64x128xf32, #tpu.memory_space<vmem>>
    %dma_start3A_898 = arith.constant 0 : i32
    %dma_start3A_899 = tpu.memref_slice %arg10[%add3A_866, %dma_start3A_898] : memref<16384x128xf32, #tpu.memory_space<hbm>> -> memref<64x128xf32, #tpu.memory_space<hbm>>
    %dma_start3A_900 = arith.constant 0 : i32
    %dma_start3A_901 = tpu.memref_slice %arg10[%add3A_866, %dma_start3A_900] : memref<16384x128xf32, #tpu.memory_space<hbm>> -> memref<64x128xf32, #tpu.memory_space<hbm>>
    %dma_start3A_902 = arith.constant 0 : i32
    %dma_start3A_903 = arith.constant 0 : i32
    %dma_start3A_904 = tpu.memref_slice %arg16[%dma_start3A_893, %dma_start3A_902, %dma_start3A_903] : memref<2x64x128xf32, #tpu.memory_space<vmem>> -> memref<1x64x128xf32, #tpu.memory_space<vmem>>
    %dma_start3A_905 = tpu.memref_squeeze %dma_start3A_904 : memref<1x64x128xf32, #tpu.memory_space<vmem>> -> memref<64x128xf32, #tpu.memory_space<vmem>>
    tpu.enqueue_dma source(%dma_start3A_905 : memref<64x128xf32, #tpu.memory_space<vmem>>) target(%dma_start3A_901 : memref<64x128xf32, #tpu.memory_space<hbm>>) target_semaphore(%arg19 : memref<!tpu.dma_semaphore, #tpu.memory_space<semaphore_mem>>)
    %dma_start3A_906 = arith.constant 0 : i32
    %dma_start3A_907 = arith.constant 0 : i32
    %dma_start3A_908 = arith.constant 0 : i32
    %dma_start3A_909 = tpu.memref_slice %arg17[%dma_start3A_906, %dma_start3A_907, %dma_start3A_908] : memref<2x64x128xf32, #tpu.memory_space<vmem>> -> memref<1x64x128xf32, #tpu.memory_space<vmem>>
    %dma_start3A_910 = tpu.memref_squeeze %dma_start3A_909 : memref<1x64x128xf32, #tpu.memory_space<vmem>> -> memref<64x128xf32, #tpu.memory_space<vmem>>
    %dma_start3A_911 = arith.constant 0 : i32
    %dma_start3A_912 = tpu.memref_slice %arg11[%add3A_866, %dma_start3A_911] : memref<16384x128xf32, #tpu.memory_space<hbm>> -> memref<64x128xf32, #tpu.memory_space<hbm>>
    %dma_start3A_913 = arith.constant 0 : i32
    %dma_start3A_914 = tpu.memref_slice %arg11[%add3A_866, %dma_start3A_913] : memref<16384x128xf32, #tpu.memory_space<hbm>> -> memref<64x128xf32, #tpu.memory_space<hbm>>
    %dma_start3A_915 = arith.constant 0 : i32
    %dma_start3A_916 = arith.constant 0 : i32
    %dma_start3A_917 = tpu.memref_slice %arg17[%dma_start3A_906, %dma_start3A_915, %dma_start3A_916] : memref<2x64x128xf32, #tpu.memory_space<vmem>> -> memref<1x64x128xf32, #tpu.memory_space<vmem>>
    %dma_start3A_918 = tpu.memref_squeeze %dma_start3A_917 : memref<1x64x128xf32, #tpu.memory_space<vmem>> -> memref<64x128xf32, #tpu.memory_space<vmem>>
    tpu.enqueue_dma source(%dma_start3A_918 : memref<64x128xf32, #tpu.memory_space<vmem>>) target(%dma_start3A_914 : memref<64x128xf32, #tpu.memory_space<hbm>>) target_semaphore(%arg19 : memref<!tpu.dma_semaphore, #tpu.memory_space<semaphore_mem>>)
    %dma_wait3A_919 = arith.constant 0 : i32
    %dma_wait3A_920 = arith.constant 0 : i32
    %dma_wait3A_921 = arith.constant 0 : i32
    %dma_wait3A_922 = tpu.memref_slice %arg14[%dma_wait3A_919, %dma_wait3A_920, %dma_wait3A_921] : memref<2x64x128xf32, #tpu.memory_space<vmem>> -> memref<1x64x128xf32, #tpu.memory_space<vmem>>
    %dma_wait3A_923 = tpu.memref_squeeze %dma_wait3A_922 : memref<1x64x128xf32, #tpu.memory_space<vmem>> -> memref<64x128xf32, #tpu.memory_space<vmem>>
    %dma_wait3A_924 = arith.constant 0 : i32
    %dma_wait3A_925 = tpu.memref_slice %arg8[%add3A_866, %dma_wait3A_924] : memref<16384x128xf32, #tpu.memory_space<hbm>> -> memref<64x128xf32, #tpu.memory_space<hbm>>
    %dma_wait3A_926 = arith.constant 0 : i32
    %dma_wait3A_927 = tpu.memref_slice %arg8[%add3A_866, %dma_wait3A_926] : memref<16384x128xf32, #tpu.memory_space<hbm>> -> memref<64x128xf32, #tpu.memory_space<hbm>>
    %dma_wait3A_928 = arith.constant 0 : i32
    %dma_wait3A_929 = arith.constant 0 : i32
    %dma_wait3A_930 = tpu.memref_slice %arg14[%dma_wait3A_919, %dma_wait3A_928, %dma_wait3A_929] : memref<2x64x128xf32, #tpu.memory_space<vmem>> -> memref<1x64x128xf32, #tpu.memory_space<vmem>>
    %dma_wait3A_931 = tpu.memref_squeeze %dma_wait3A_930 : memref<1x64x128xf32, #tpu.memory_space<vmem>> -> memref<64x128xf32, #tpu.memory_space<vmem>>
    tpu.wait_dma2 semaphore(%arg19 : memref<!tpu.dma_semaphore, #tpu.memory_space<semaphore_mem>>) src(%dma_wait3A_931 : memref<64x128xf32, #tpu.memory_space<vmem>>) dst(%dma_wait3A_927 : memref<64x128xf32, #tpu.memory_space<hbm>>)
    %dma_wait3A_932 = arith.constant 0 : i32
    %dma_wait3A_933 = arith.constant 0 : i32
    %dma_wait3A_934 = arith.constant 0 : i32
    %dma_wait3A_935 = tpu.memref_slice %arg15[%dma_wait3A_932, %dma_wait3A_933, %dma_wait3A_934] : memref<2x64x128xf32, #tpu.memory_space<vmem>> -> memref<1x64x128xf32, #tpu.memory_space<vmem>>
    %dma_wait3A_936 = tpu.memref_squeeze %dma_wait3A_935 : memref<1x64x128xf32, #tpu.memory_space<vmem>> -> memref<64x128xf32, #tpu.memory_space<vmem>>
    %dma_wait3A_937 = arith.constant 0 : i32
    %dma_wait3A_938 = tpu.memref_slice %arg9[%add3A_866, %dma_wait3A_937] : memref<16384x128xf32, #tpu.memory_space<hbm>> -> memref<64x128xf32, #tpu.memory_space<hbm>>
    %dma_wait3A_939 = arith.constant 0 : i32
    %dma_wait3A_940 = tpu.memref_slice %arg9[%add3A_866, %dma_wait3A_939] : memref<16384x128xf32, #tpu.memory_space<hbm>> -> memref<64x128xf32, #tpu.memory_space<hbm>>
    %dma_wait3A_941 = arith.constant 0 : i32
    %dma_wait3A_942 = arith.constant 0 : i32
    %dma_wait3A_943 = tpu.memref_slice %arg15[%dma_wait3A_932, %dma_wait3A_941, %dma_wait3A_942] : memref<2x64x128xf32, #tpu.memory_space<vmem>> -> memref<1x64x128xf32, #tpu.memory_space<vmem>>
    %dma_wait3A_944 = tpu.memref_squeeze %dma_wait3A_943 : memref<1x64x128xf32, #tpu.memory_space<vmem>> -> memref<64x128xf32, #tpu.memory_space<vmem>>
    tpu.wait_dma2 semaphore(%arg19 : memref<!tpu.dma_semaphore, #tpu.memory_space<semaphore_mem>>) src(%dma_wait3A_944 : memref<64x128xf32, #tpu.memory_space<vmem>>) dst(%dma_wait3A_940 : memref<64x128xf32, #tpu.memory_space<hbm>>)
    %dma_wait3A_945 = arith.constant 0 : i32
    %dma_wait3A_946 = arith.constant 0 : i32
    %dma_wait3A_947 = arith.constant 0 : i32
    %dma_wait3A_948 = tpu.memref_slice %arg16[%dma_wait3A_945, %dma_wait3A_946, %dma_wait3A_947] : memref<2x64x128xf32, #tpu.memory_space<vmem>> -> memref<1x64x128xf32, #tpu.memory_space<vmem>>
    %dma_wait3A_949 = tpu.memref_squeeze %dma_wait3A_948 : memref<1x64x128xf32, #tpu.memory_space<vmem>> -> memref<64x128xf32, #tpu.memory_space<vmem>>
    %dma_wait3A_950 = arith.constant 0 : i32
    %dma_wait3A_951 = tpu.memref_slice %arg10[%add3A_866, %dma_wait3A_950] : memref<16384x128xf32, #tpu.memory_space<hbm>> -> memref<64x128xf32, #tpu.memory_space<hbm>>
    %dma_wait3A_952 = arith.constant 0 : i32
    %dma_wait3A_953 = tpu.memref_slice %arg10[%add3A_866, %dma_wait3A_952] : memref<16384x128xf32, #tpu.memory_space<hbm>> -> memref<64x128xf32, #tpu.memory_space<hbm>>
    %dma_wait3A_954 = arith.constant 0 : i32
    %dma_wait3A_955 = arith.constant 0 : i32
    %dma_wait3A_956 = tpu.memref_slice %arg16[%dma_wait3A_945, %dma_wait3A_954, %dma_wait3A_955] : memref<2x64x128xf32, #tpu.memory_space<vmem>> -> memref<1x64x128xf32, #tpu.memory_space<vmem>>
    %dma_wait3A_957 = tpu.memref_squeeze %dma_wait3A_956 : memref<1x64x128xf32, #tpu.memory_space<vmem>> -> memref<64x128xf32, #tpu.memory_space<vmem>>
    tpu.wait_dma2 semaphore(%arg19 : memref<!tpu.dma_semaphore, #tpu.memory_space<semaphore_mem>>) src(%dma_wait3A_957 : memref<64x128xf32, #tpu.memory_space<vmem>>) dst(%dma_wait3A_953 : memref<64x128xf32, #tpu.memory_space<hbm>>)
    %dma_wait3A_958 = arith.constant 0 : i32
    %dma_wait3A_959 = arith.constant 0 : i32
    %dma_wait3A_960 = arith.constant 0 : i32
    %dma_wait3A_961 = tpu.memref_slice %arg17[%dma_wait3A_958, %dma_wait3A_959, %dma_wait3A_960] : memref<2x64x128xf32, #tpu.memory_space<vmem>> -> memref<1x64x128xf32, #tpu.memory_space<vmem>>
    %dma_wait3A_962 = tpu.memref_squeeze %dma_wait3A_961 : memref<1x64x128xf32, #tpu.memory_space<vmem>> -> memref<64x128xf32, #tpu.memory_space<vmem>>
    %dma_wait3A_963 = arith.constant 0 : i32
    %dma_wait3A_964 = tpu.memref_slice %arg11[%add3A_866, %dma_wait3A_963] : memref<16384x128xf32, #tpu.memory_space<hbm>> -> memref<64x128xf32, #tpu.memory_space<hbm>>
    %dma_wait3A_965 = arith.constant 0 : i32
    %dma_wait3A_966 = tpu.memref_slice %arg11[%add3A_866, %dma_wait3A_965] : memref<16384x128xf32, #tpu.memory_space<hbm>> -> memref<64x128xf32, #tpu.memory_space<hbm>>
    %dma_wait3A_967 = arith.constant 0 : i32
    %dma_wait3A_968 = arith.constant 0 : i32
    %dma_wait3A_969 = tpu.memref_slice %arg17[%dma_wait3A_958, %dma_wait3A_967, %dma_wait3A_968] : memref<2x64x128xf32, #tpu.memory_space<vmem>> -> memref<1x64x128xf32, #tpu.memory_space<vmem>>
    %dma_wait3A_970 = tpu.memref_squeeze %dma_wait3A_969 : memref<1x64x128xf32, #tpu.memory_space<vmem>> -> memref<64x128xf32, #tpu.memory_space<vmem>>
    tpu.wait_dma2 semaphore(%arg19 : memref<!tpu.dma_semaphore, #tpu.memory_space<semaphore_mem>>) src(%dma_wait3A_970 : memref<64x128xf32, #tpu.memory_space<vmem>>) dst(%dma_wait3A_966 : memref<64x128xf32, #tpu.memory_space<hbm>>)
    %dma_start3A_971 = arith.constant 0 : i32
    %dma_start3A_972 = arith.constant 0 : i32
    %dma_start3A_973 = arith.constant 0 : i32
    %dma_start3A_974 = tpu.memref_slice %arg14[%dma_start3A_971, %dma_start3A_972, %dma_start3A_973] : memref<2x64x128xf32, #tpu.memory_space<vmem>> -> memref<1x64x128xf32, #tpu.memory_space<vmem>>
    %dma_start3A_975 = tpu.memref_squeeze %dma_start3A_974 : memref<1x64x128xf32, #tpu.memory_space<vmem>> -> memref<64x128xf32, #tpu.memory_space<vmem>>
    %dma_start3A_976 = arith.constant 384 : i32
    %dma_start3A_977 = tpu.memref_slice %arg12[%dma_start3A_976] : memref<512xi32, #tpu.memory_space<vmem>> -> memref<64xi32, #tpu.memory_space<vmem>>
    %dma_start3A_978 = arith.constant 0 : i32
    %dma_start3A_979 = arith.constant 0 : i32
    %dma_start3A_980 = tpu.memref_slice %arg4[%dma_start3A_978, %dma_start3A_979] : memref<253952x128xf32, #tpu.memory_space<hbm>> -> memref<253952x128xf32, #tpu.memory_space<hbm>>
    tpu.enqueue_indirect_dma source(%dma_start3A_980 : memref<253952x128xf32, #tpu.memory_space<hbm>>) target(%dma_start3A_975 : memref<64x128xf32, #tpu.memory_space<vmem>>) offsets(%dma_start3A_977 : memref<64xi32, #tpu.memory_space<vmem>>) semaphore(%arg18 : memref<!tpu.dma_semaphore, #tpu.memory_space<semaphore_mem>>)
    %dma_start3A_981 = arith.constant 0 : i32
    %dma_start3A_982 = arith.constant 0 : i32
    %dma_start3A_983 = arith.constant 0 : i32
    %dma_start3A_984 = tpu.memref_slice %arg16[%dma_start3A_981, %dma_start3A_982, %dma_start3A_983] : memref<2x64x128xf32, #tpu.memory_space<vmem>> -> memref<1x64x128xf32, #tpu.memory_space<vmem>>
    %dma_start3A_985 = tpu.memref_squeeze %dma_start3A_984 : memref<1x64x128xf32, #tpu.memory_space<vmem>> -> memref<64x128xf32, #tpu.memory_space<vmem>>
    %dma_start3A_986 = arith.constant 384 : i32
    %dma_start3A_987 = tpu.memref_slice %arg12[%dma_start3A_986] : memref<512xi32, #tpu.memory_space<vmem>> -> memref<64xi32, #tpu.memory_space<vmem>>
    %dma_start3A_988 = arith.constant 0 : i32
    %dma_start3A_989 = arith.constant 0 : i32
    %dma_start3A_990 = tpu.memref_slice %arg6[%dma_start3A_988, %dma_start3A_989] : memref<253952x128xf32, #tpu.memory_space<hbm>> -> memref<253952x128xf32, #tpu.memory_space<hbm>>
    tpu.enqueue_indirect_dma source(%dma_start3A_990 : memref<253952x128xf32, #tpu.memory_space<hbm>>) target(%dma_start3A_985 : memref<64x128xf32, #tpu.memory_space<vmem>>) offsets(%dma_start3A_987 : memref<64xi32, #tpu.memory_space<vmem>>) semaphore(%arg18 : memref<!tpu.dma_semaphore, #tpu.memory_space<semaphore_mem>>)
    %dma_start3A_991 = arith.constant 0 : i32
    %dma_start3A_992 = arith.constant 0 : i32
    %dma_start3A_993 = arith.constant 0 : i32
    %dma_start3A_994 = tpu.memref_slice %arg15[%dma_start3A_991, %dma_start3A_992, %dma_start3A_993] : memref<2x64x128xf32, #tpu.memory_space<vmem>> -> memref<1x64x128xf32, #tpu.memory_space<vmem>>
    %dma_start3A_995 = tpu.memref_squeeze %dma_start3A_994 : memref<1x64x128xf32, #tpu.memory_space<vmem>> -> memref<64x128xf32, #tpu.memory_space<vmem>>
    %dma_start3A_996 = arith.constant 384 : i32
    %dma_start3A_997 = tpu.memref_slice %arg13[%dma_start3A_996] : memref<512xi32, #tpu.memory_space<vmem>> -> memref<64xi32, #tpu.memory_space<vmem>>
    %dma_start3A_998 = arith.constant 0 : i32
    %dma_start3A_999 = arith.constant 0 : i32
    %dma_start3A_1000 = tpu.memref_slice %arg5[%dma_start3A_998, %dma_start3A_999] : memref<253952x128xf32, #tpu.memory_space<hbm>> -> memref<253952x128xf32, #tpu.memory_space<hbm>>
    tpu.enqueue_indirect_dma source(%dma_start3A_1000 : memref<253952x128xf32, #tpu.memory_space<hbm>>) target(%dma_start3A_995 : memref<64x128xf32, #tpu.memory_space<vmem>>) offsets(%dma_start3A_997 : memref<64xi32, #tpu.memory_space<vmem>>) semaphore(%arg18 : memref<!tpu.dma_semaphore, #tpu.memory_space<semaphore_mem>>)
    %dma_start3A_1001 = arith.constant 0 : i32
    %dma_start3A_1002 = arith.constant 0 : i32
    %dma_start3A_1003 = arith.constant 0 : i32
    %dma_start3A_1004 = tpu.memref_slice %arg17[%dma_start3A_1001, %dma_start3A_1002, %dma_start3A_1003] : memref<2x64x128xf32, #tpu.memory_space<vmem>> -> memref<1x64x128xf32, #tpu.memory_space<vmem>>
    %dma_start3A_1005 = tpu.memref_squeeze %dma_start3A_1004 : memref<1x64x128xf32, #tpu.memory_space<vmem>> -> memref<64x128xf32, #tpu.memory_space<vmem>>
    %dma_start3A_1006 = arith.constant 384 : i32
    %dma_start3A_1007 = tpu.memref_slice %arg13[%dma_start3A_1006] : memref<512xi32, #tpu.memory_space<vmem>> -> memref<64xi32, #tpu.memory_space<vmem>>
    %dma_start3A_1008 = arith.constant 0 : i32
    %dma_start3A_1009 = arith.constant 0 : i32
    %dma_start3A_1010 = tpu.memref_slice %arg7[%dma_start3A_1008, %dma_start3A_1009] : memref<253952x128xf32, #tpu.memory_space<hbm>> -> memref<253952x128xf32, #tpu.memory_space<hbm>>
    tpu.enqueue_indirect_dma source(%dma_start3A_1010 : memref<253952x128xf32, #tpu.memory_space<hbm>>) target(%dma_start3A_1005 : memref<64x128xf32, #tpu.memory_space<vmem>>) offsets(%dma_start3A_1007 : memref<64xi32, #tpu.memory_space<vmem>>) semaphore(%arg18 : memref<!tpu.dma_semaphore, #tpu.memory_space<semaphore_mem>>)
    %dma_wait3A_1011 = arith.constant 1 : i32
    %dma_wait3A_1012 = arith.constant 0 : i32
    %dma_wait3A_1013 = arith.constant 0 : i32
    %dma_wait3A_1014 = tpu.memref_slice %arg14[%dma_wait3A_1011, %dma_wait3A_1012, %dma_wait3A_1013] : memref<2x64x128xf32, #tpu.memory_space<vmem>> -> memref<1x64x128xf32, #tpu.memory_space<vmem>>
    %dma_wait3A_1015 = tpu.memref_squeeze %dma_wait3A_1014 : memref<1x64x128xf32, #tpu.memory_space<vmem>> -> memref<64x128xf32, #tpu.memory_space<vmem>>
    %dma_wait3A_1016 = arith.constant 320 : i32
    %dma_wait3A_1017 = tpu.memref_slice %arg12[%dma_wait3A_1016] : memref<512xi32, #tpu.memory_space<vmem>> -> memref<64xi32, #tpu.memory_space<vmem>>
    %dma_wait3A_1018 = arith.constant 0 : i32
    %dma_wait3A_1019 = arith.constant 0 : i32
    %dma_wait3A_1020 = tpu.memref_slice %arg4[%dma_wait3A_1018, %dma_wait3A_1019] : memref<253952x128xf32, #tpu.memory_space<hbm>> -> memref<253952x128xf32, #tpu.memory_space<hbm>>
    tpu.wait_indirect_dma semaphore(%arg18 : memref<!tpu.dma_semaphore, #tpu.memory_space<semaphore_mem>>) src(%dma_wait3A_1020 : memref<253952x128xf32, #tpu.memory_space<hbm>>) dst(%dma_wait3A_1015 : memref<64x128xf32, #tpu.memory_space<vmem>>)
    %dma_wait3A_1021 = arith.constant 1 : i32
    %dma_wait3A_1022 = arith.constant 0 : i32
    %dma_wait3A_1023 = arith.constant 0 : i32
    %dma_wait3A_1024 = tpu.memref_slice %arg16[%dma_wait3A_1021, %dma_wait3A_1022, %dma_wait3A_1023] : memref<2x64x128xf32, #tpu.memory_space<vmem>> -> memref<1x64x128xf32, #tpu.memory_space<vmem>>
    %dma_wait3A_1025 = tpu.memref_squeeze %dma_wait3A_1024 : memref<1x64x128xf32, #tpu.memory_space<vmem>> -> memref<64x128xf32, #tpu.memory_space<vmem>>
    %dma_wait3A_1026 = arith.constant 320 : i32
    %dma_wait3A_1027 = tpu.memref_slice %arg12[%dma_wait3A_1026] : memref<512xi32, #tpu.memory_space<vmem>> -> memref<64xi32, #tpu.memory_space<vmem>>
    %dma_wait3A_1028 = arith.constant 0 : i32
    %dma_wait3A_1029 = arith.constant 0 : i32
    %dma_wait3A_1030 = tpu.memref_slice %arg6[%dma_wait3A_1028, %dma_wait3A_1029] : memref<253952x128xf32, #tpu.memory_space<hbm>> -> memref<253952x128xf32, #tpu.memory_space<hbm>>
    tpu.wait_indirect_dma semaphore(%arg18 : memref<!tpu.dma_semaphore, #tpu.memory_space<semaphore_mem>>) src(%dma_wait3A_1030 : memref<253952x128xf32, #tpu.memory_space<hbm>>) dst(%dma_wait3A_1025 : memref<64x128xf32, #tpu.memory_space<vmem>>)
    %dma_wait3A_1031 = arith.constant 1 : i32
    %dma_wait3A_1032 = arith.constant 0 : i32
    %dma_wait3A_1033 = arith.constant 0 : i32
    %dma_wait3A_1034 = tpu.memref_slice %arg15[%dma_wait3A_1031, %dma_wait3A_1032, %dma_wait3A_1033] : memref<2x64x128xf32, #tpu.memory_space<vmem>> -> memref<1x64x128xf32, #tpu.memory_space<vmem>>
    %dma_wait3A_1035 = tpu.memref_squeeze %dma_wait3A_1034 : memref<1x64x128xf32, #tpu.memory_space<vmem>> -> memref<64x128xf32, #tpu.memory_space<vmem>>
    %dma_wait3A_1036 = arith.constant 320 : i32
    %dma_wait3A_1037 = tpu.memref_slice %arg13[%dma_wait3A_1036] : memref<512xi32, #tpu.memory_space<vmem>> -> memref<64xi32, #tpu.memory_space<vmem>>
    %dma_wait3A_1038 = arith.constant 0 : i32
    %dma_wait3A_1039 = arith.constant 0 : i32
    %dma_wait3A_1040 = tpu.memref_slice %arg5[%dma_wait3A_1038, %dma_wait3A_1039] : memref<253952x128xf32, #tpu.memory_space<hbm>> -> memref<253952x128xf32, #tpu.memory_space<hbm>>
    tpu.wait_indirect_dma semaphore(%arg18 : memref<!tpu.dma_semaphore, #tpu.memory_space<semaphore_mem>>) src(%dma_wait3A_1040 : memref<253952x128xf32, #tpu.memory_space<hbm>>) dst(%dma_wait3A_1035 : memref<64x128xf32, #tpu.memory_space<vmem>>)
    %dma_wait3A_1041 = arith.constant 1 : i32
    %dma_wait3A_1042 = arith.constant 0 : i32
    %dma_wait3A_1043 = arith.constant 0 : i32
    %dma_wait3A_1044 = tpu.memref_slice %arg17[%dma_wait3A_1041, %dma_wait3A_1042, %dma_wait3A_1043] : memref<2x64x128xf32, #tpu.memory_space<vmem>> -> memref<1x64x128xf32, #tpu.memory_space<vmem>>
    %dma_wait3A_1045 = tpu.memref_squeeze %dma_wait3A_1044 : memref<1x64x128xf32, #tpu.memory_space<vmem>> -> memref<64x128xf32, #tpu.memory_space<vmem>>
    %dma_wait3A_1046 = arith.constant 320 : i32
    %dma_wait3A_1047 = tpu.memref_slice %arg13[%dma_wait3A_1046] : memref<512xi32, #tpu.memory_space<vmem>> -> memref<64xi32, #tpu.memory_space<vmem>>
    %dma_wait3A_1048 = arith.constant 0 : i32
    %dma_wait3A_1049 = arith.constant 0 : i32
    %dma_wait3A_1050 = tpu.memref_slice %arg7[%dma_wait3A_1048, %dma_wait3A_1049] : memref<253952x128xf32, #tpu.memory_space<hbm>> -> memref<253952x128xf32, #tpu.memory_space<hbm>>
    tpu.wait_indirect_dma semaphore(%arg18 : memref<!tpu.dma_semaphore, #tpu.memory_space<semaphore_mem>>) src(%dma_wait3A_1050 : memref<253952x128xf32, #tpu.memory_space<hbm>>) dst(%dma_wait3A_1045 : memref<64x128xf32, #tpu.memory_space<vmem>>)
    %add3A_1051 = arith.constant 320 : i32
    %add3A_1052 = arith.addi %mul3A_2, %add3A_1051 : i32
    %dma_start3A_1053 = arith.constant 1 : i32
    %dma_start3A_1054 = arith.constant 0 : i32
    %dma_start3A_1055 = arith.constant 0 : i32
    %dma_start3A_1056 = tpu.memref_slice %arg14[%dma_start3A_1053, %dma_start3A_1054, %dma_start3A_1055] : memref<2x64x128xf32, #tpu.memory_space<vmem>> -> memref<1x64x128xf32, #tpu.memory_space<vmem>>
    %dma_start3A_1057 = tpu.memref_squeeze %dma_start3A_1056 : memref<1x64x128xf32, #tpu.memory_space<vmem>> -> memref<64x128xf32, #tpu.memory_space<vmem>>
    %dma_start3A_1058 = arith.constant 0 : i32
    %dma_start3A_1059 = tpu.memref_slice %arg8[%add3A_1052, %dma_start3A_1058] : memref<16384x128xf32, #tpu.memory_space<hbm>> -> memref<64x128xf32, #tpu.memory_space<hbm>>
    %dma_start3A_1060 = arith.constant 0 : i32
    %dma_start3A_1061 = tpu.memref_slice %arg8[%add3A_1052, %dma_start3A_1060] : memref<16384x128xf32, #tpu.memory_space<hbm>> -> memref<64x128xf32, #tpu.memory_space<hbm>>
    %dma_start3A_1062 = arith.constant 0 : i32
    %dma_start3A_1063 = arith.constant 0 : i32
    %dma_start3A_1064 = tpu.memref_slice %arg14[%dma_start3A_1053, %dma_start3A_1062, %dma_start3A_1063] : memref<2x64x128xf32, #tpu.memory_space<vmem>> -> memref<1x64x128xf32, #tpu.memory_space<vmem>>
    %dma_start3A_1065 = tpu.memref_squeeze %dma_start3A_1064 : memref<1x64x128xf32, #tpu.memory_space<vmem>> -> memref<64x128xf32, #tpu.memory_space<vmem>>
    tpu.enqueue_dma source(%dma_start3A_1065 : memref<64x128xf32, #tpu.memory_space<vmem>>) target(%dma_start3A_1061 : memref<64x128xf32, #tpu.memory_space<hbm>>) target_semaphore(%arg19 : memref<!tpu.dma_semaphore, #tpu.memory_space<semaphore_mem>>)
    %dma_start3A_1066 = arith.constant 1 : i32
    %dma_start3A_1067 = arith.constant 0 : i32
    %dma_start3A_1068 = arith.constant 0 : i32
    %dma_start3A_1069 = tpu.memref_slice %arg15[%dma_start3A_1066, %dma_start3A_1067, %dma_start3A_1068] : memref<2x64x128xf32, #tpu.memory_space<vmem>> -> memref<1x64x128xf32, #tpu.memory_space<vmem>>
    %dma_start3A_1070 = tpu.memref_squeeze %dma_start3A_1069 : memref<1x64x128xf32, #tpu.memory_space<vmem>> -> memref<64x128xf32, #tpu.memory_space<vmem>>
    %dma_start3A_1071 = arith.constant 0 : i32
    %dma_start3A_1072 = tpu.memref_slice %arg9[%add3A_1052, %dma_start3A_1071] : memref<16384x128xf32, #tpu.memory_space<hbm>> -> memref<64x128xf32, #tpu.memory_space<hbm>>
    %dma_start3A_1073 = arith.constant 0 : i32
    %dma_start3A_1074 = tpu.memref_slice %arg9[%add3A_1052, %dma_start3A_1073] : memref<16384x128xf32, #tpu.memory_space<hbm>> -> memref<64x128xf32, #tpu.memory_space<hbm>>
    %dma_start3A_1075 = arith.constant 0 : i32
    %dma_start3A_1076 = arith.constant 0 : i32
    %dma_start3A_1077 = tpu.memref_slice %arg15[%dma_start3A_1066, %dma_start3A_1075, %dma_start3A_1076] : memref<2x64x128xf32, #tpu.memory_space<vmem>> -> memref<1x64x128xf32, #tpu.memory_space<vmem>>
    %dma_start3A_1078 = tpu.memref_squeeze %dma_start3A_1077 : memref<1x64x128xf32, #tpu.memory_space<vmem>> -> memref<64x128xf32, #tpu.memory_space<vmem>>
    tpu.enqueue_dma source(%dma_start3A_1078 : memref<64x128xf32, #tpu.memory_space<vmem>>) target(%dma_start3A_1074 : memref<64x128xf32, #tpu.memory_space<hbm>>) target_semaphore(%arg19 : memref<!tpu.dma_semaphore, #tpu.memory_space<semaphore_mem>>)
    %dma_start3A_1079 = arith.constant 1 : i32
    %dma_start3A_1080 = arith.constant 0 : i32
    %dma_start3A_1081 = arith.constant 0 : i32
    %dma_start3A_1082 = tpu.memref_slice %arg16[%dma_start3A_1079, %dma_start3A_1080, %dma_start3A_1081] : memref<2x64x128xf32, #tpu.memory_space<vmem>> -> memref<1x64x128xf32, #tpu.memory_space<vmem>>
    %dma_start3A_1083 = tpu.memref_squeeze %dma_start3A_1082 : memref<1x64x128xf32, #tpu.memory_space<vmem>> -> memref<64x128xf32, #tpu.memory_space<vmem>>
    %dma_start3A_1084 = arith.constant 0 : i32
    %dma_start3A_1085 = tpu.memref_slice %arg10[%add3A_1052, %dma_start3A_1084] : memref<16384x128xf32, #tpu.memory_space<hbm>> -> memref<64x128xf32, #tpu.memory_space<hbm>>
    %dma_start3A_1086 = arith.constant 0 : i32
    %dma_start3A_1087 = tpu.memref_slice %arg10[%add3A_1052, %dma_start3A_1086] : memref<16384x128xf32, #tpu.memory_space<hbm>> -> memref<64x128xf32, #tpu.memory_space<hbm>>
    %dma_start3A_1088 = arith.constant 0 : i32
    %dma_start3A_1089 = arith.constant 0 : i32
    %dma_start3A_1090 = tpu.memref_slice %arg16[%dma_start3A_1079, %dma_start3A_1088, %dma_start3A_1089] : memref<2x64x128xf32, #tpu.memory_space<vmem>> -> memref<1x64x128xf32, #tpu.memory_space<vmem>>
    %dma_start3A_1091 = tpu.memref_squeeze %dma_start3A_1090 : memref<1x64x128xf32, #tpu.memory_space<vmem>> -> memref<64x128xf32, #tpu.memory_space<vmem>>
    tpu.enqueue_dma source(%dma_start3A_1091 : memref<64x128xf32, #tpu.memory_space<vmem>>) target(%dma_start3A_1087 : memref<64x128xf32, #tpu.memory_space<hbm>>) target_semaphore(%arg19 : memref<!tpu.dma_semaphore, #tpu.memory_space<semaphore_mem>>)
    %dma_start3A_1092 = arith.constant 1 : i32
    %dma_start3A_1093 = arith.constant 0 : i32
    %dma_start3A_1094 = arith.constant 0 : i32
    %dma_start3A_1095 = tpu.memref_slice %arg17[%dma_start3A_1092, %dma_start3A_1093, %dma_start3A_1094] : memref<2x64x128xf32, #tpu.memory_space<vmem>> -> memref<1x64x128xf32, #tpu.memory_space<vmem>>
    %dma_start3A_1096 = tpu.memref_squeeze %dma_start3A_1095 : memref<1x64x128xf32, #tpu.memory_space<vmem>> -> memref<64x128xf32, #tpu.memory_space<vmem>>
    %dma_start3A_1097 = arith.constant 0 : i32
    %dma_start3A_1098 = tpu.memref_slice %arg11[%add3A_1052, %dma_start3A_1097] : memref<16384x128xf32, #tpu.memory_space<hbm>> -> memref<64x128xf32, #tpu.memory_space<hbm>>
    %dma_start3A_1099 = arith.constant 0 : i32
    %dma_start3A_1100 = tpu.memref_slice %arg11[%add3A_1052, %dma_start3A_1099] : memref<16384x128xf32, #tpu.memory_space<hbm>> -> memref<64x128xf32, #tpu.memory_space<hbm>>
    %dma_start3A_1101 = arith.constant 0 : i32
    %dma_start3A_1102 = arith.constant 0 : i32
    %dma_start3A_1103 = tpu.memref_slice %arg17[%dma_start3A_1092, %dma_start3A_1101, %dma_start3A_1102] : memref<2x64x128xf32, #tpu.memory_space<vmem>> -> memref<1x64x128xf32, #tpu.memory_space<vmem>>
    %dma_start3A_1104 = tpu.memref_squeeze %dma_start3A_1103 : memref<1x64x128xf32, #tpu.memory_space<vmem>> -> memref<64x128xf32, #tpu.memory_space<vmem>>
    tpu.enqueue_dma source(%dma_start3A_1104 : memref<64x128xf32, #tpu.memory_space<vmem>>) target(%dma_start3A_1100 : memref<64x128xf32, #tpu.memory_space<hbm>>) target_semaphore(%arg19 : memref<!tpu.dma_semaphore, #tpu.memory_space<semaphore_mem>>)
    %dma_wait3A_1105 = arith.constant 1 : i32
    %dma_wait3A_1106 = arith.constant 0 : i32
    %dma_wait3A_1107 = arith.constant 0 : i32
    %dma_wait3A_1108 = tpu.memref_slice %arg14[%dma_wait3A_1105, %dma_wait3A_1106, %dma_wait3A_1107] : memref<2x64x128xf32, #tpu.memory_space<vmem>> -> memref<1x64x128xf32, #tpu.memory_space<vmem>>
    %dma_wait3A_1109 = tpu.memref_squeeze %dma_wait3A_1108 : memref<1x64x128xf32, #tpu.memory_space<vmem>> -> memref<64x128xf32, #tpu.memory_space<vmem>>
    %dma_wait3A_1110 = arith.constant 0 : i32
    %dma_wait3A_1111 = tpu.memref_slice %arg8[%add3A_1052, %dma_wait3A_1110] : memref<16384x128xf32, #tpu.memory_space<hbm>> -> memref<64x128xf32, #tpu.memory_space<hbm>>
    %dma_wait3A_1112 = arith.constant 0 : i32
    %dma_wait3A_1113 = tpu.memref_slice %arg8[%add3A_1052, %dma_wait3A_1112] : memref<16384x128xf32, #tpu.memory_space<hbm>> -> memref<64x128xf32, #tpu.memory_space<hbm>>
    %dma_wait3A_1114 = arith.constant 0 : i32
    %dma_wait3A_1115 = arith.constant 0 : i32
    %dma_wait3A_1116 = tpu.memref_slice %arg14[%dma_wait3A_1105, %dma_wait3A_1114, %dma_wait3A_1115] : memref<2x64x128xf32, #tpu.memory_space<vmem>> -> memref<1x64x128xf32, #tpu.memory_space<vmem>>
    %dma_wait3A_1117 = tpu.memref_squeeze %dma_wait3A_1116 : memref<1x64x128xf32, #tpu.memory_space<vmem>> -> memref<64x128xf32, #tpu.memory_space<vmem>>
    tpu.wait_dma2 semaphore(%arg19 : memref<!tpu.dma_semaphore, #tpu.memory_space<semaphore_mem>>) src(%dma_wait3A_1117 : memref<64x128xf32, #tpu.memory_space<vmem>>) dst(%dma_wait3A_1113 : memref<64x128xf32, #tpu.memory_space<hbm>>)
    %dma_wait3A_1118 = arith.constant 1 : i32
    %dma_wait3A_1119 = arith.constant 0 : i32
    %dma_wait3A_1120 = arith.constant 0 : i32
    %dma_wait3A_1121 = tpu.memref_slice %arg15[%dma_wait3A_1118, %dma_wait3A_1119, %dma_wait3A_1120] : memref<2x64x128xf32, #tpu.memory_space<vmem>> -> memref<1x64x128xf32, #tpu.memory_space<vmem>>
    %dma_wait3A_1122 = tpu.memref_squeeze %dma_wait3A_1121 : memref<1x64x128xf32, #tpu.memory_space<vmem>> -> memref<64x128xf32, #tpu.memory_space<vmem>>
    %dma_wait3A_1123 = arith.constant 0 : i32
    %dma_wait3A_1124 = tpu.memref_slice %arg9[%add3A_1052, %dma_wait3A_1123] : memref<16384x128xf32, #tpu.memory_space<hbm>> -> memref<64x128xf32, #tpu.memory_space<hbm>>
    %dma_wait3A_1125 = arith.constant 0 : i32
    %dma_wait3A_1126 = tpu.memref_slice %arg9[%add3A_1052, %dma_wait3A_1125] : memref<16384x128xf32, #tpu.memory_space<hbm>> -> memref<64x128xf32, #tpu.memory_space<hbm>>
    %dma_wait3A_1127 = arith.constant 0 : i32
    %dma_wait3A_1128 = arith.constant 0 : i32
    %dma_wait3A_1129 = tpu.memref_slice %arg15[%dma_wait3A_1118, %dma_wait3A_1127, %dma_wait3A_1128] : memref<2x64x128xf32, #tpu.memory_space<vmem>> -> memref<1x64x128xf32, #tpu.memory_space<vmem>>
    %dma_wait3A_1130 = tpu.memref_squeeze %dma_wait3A_1129 : memref<1x64x128xf32, #tpu.memory_space<vmem>> -> memref<64x128xf32, #tpu.memory_space<vmem>>
    tpu.wait_dma2 semaphore(%arg19 : memref<!tpu.dma_semaphore, #tpu.memory_space<semaphore_mem>>) src(%dma_wait3A_1130 : memref<64x128xf32, #tpu.memory_space<vmem>>) dst(%dma_wait3A_1126 : memref<64x128xf32, #tpu.memory_space<hbm>>)
    %dma_wait3A_1131 = arith.constant 1 : i32
    %dma_wait3A_1132 = arith.constant 0 : i32
    %dma_wait3A_1133 = arith.constant 0 : i32
    %dma_wait3A_1134 = tpu.memref_slice %arg16[%dma_wait3A_1131, %dma_wait3A_1132, %dma_wait3A_1133] : memref<2x64x128xf32, #tpu.memory_space<vmem>> -> memref<1x64x128xf32, #tpu.memory_space<vmem>>
    %dma_wait3A_1135 = tpu.memref_squeeze %dma_wait3A_1134 : memref<1x64x128xf32, #tpu.memory_space<vmem>> -> memref<64x128xf32, #tpu.memory_space<vmem>>
    %dma_wait3A_1136 = arith.constant 0 : i32
    %dma_wait3A_1137 = tpu.memref_slice %arg10[%add3A_1052, %dma_wait3A_1136] : memref<16384x128xf32, #tpu.memory_space<hbm>> -> memref<64x128xf32, #tpu.memory_space<hbm>>
    %dma_wait3A_1138 = arith.constant 0 : i32
    %dma_wait3A_1139 = tpu.memref_slice %arg10[%add3A_1052, %dma_wait3A_1138] : memref<16384x128xf32, #tpu.memory_space<hbm>> -> memref<64x128xf32, #tpu.memory_space<hbm>>
    %dma_wait3A_1140 = arith.constant 0 : i32
    %dma_wait3A_1141 = arith.constant 0 : i32
    %dma_wait3A_1142 = tpu.memref_slice %arg16[%dma_wait3A_1131, %dma_wait3A_1140, %dma_wait3A_1141] : memref<2x64x128xf32, #tpu.memory_space<vmem>> -> memref<1x64x128xf32, #tpu.memory_space<vmem>>
    %dma_wait3A_1143 = tpu.memref_squeeze %dma_wait3A_1142 : memref<1x64x128xf32, #tpu.memory_space<vmem>> -> memref<64x128xf32, #tpu.memory_space<vmem>>
    tpu.wait_dma2 semaphore(%arg19 : memref<!tpu.dma_semaphore, #tpu.memory_space<semaphore_mem>>) src(%dma_wait3A_1143 : memref<64x128xf32, #tpu.memory_space<vmem>>) dst(%dma_wait3A_1139 : memref<64x128xf32, #tpu.memory_space<hbm>>)
    %dma_wait3A_1144 = arith.constant 1 : i32
    %dma_wait3A_1145 = arith.constant 0 : i32
    %dma_wait3A_1146 = arith.constant 0 : i32
    %dma_wait3A_1147 = tpu.memref_slice %arg17[%dma_wait3A_1144, %dma_wait3A_1145, %dma_wait3A_1146] : memref<2x64x128xf32, #tpu.memory_space<vmem>> -> memref<1x64x128xf32, #tpu.memory_space<vmem>>
    %dma_wait3A_1148 = tpu.memref_squeeze %dma_wait3A_1147 : memref<1x64x128xf32, #tpu.memory_space<vmem>> -> memref<64x128xf32, #tpu.memory_space<vmem>>
    %dma_wait3A_1149 = arith.constant 0 : i32
    %dma_wait3A_1150 = tpu.memref_slice %arg11[%add3A_1052, %dma_wait3A_1149] : memref<16384x128xf32, #tpu.memory_space<hbm>> -> memref<64x128xf32, #tpu.memory_space<hbm>>
    %dma_wait3A_1151 = arith.constant 0 : i32
    %dma_wait3A_1152 = tpu.memref_slice %arg11[%add3A_1052, %dma_wait3A_1151] : memref<16384x128xf32, #tpu.memory_space<hbm>> -> memref<64x128xf32, #tpu.memory_space<hbm>>
    %dma_wait3A_1153 = arith.constant 0 : i32
    %dma_wait3A_1154 = arith.constant 0 : i32
    %dma_wait3A_1155 = tpu.memref_slice %arg17[%dma_wait3A_1144, %dma_wait3A_1153, %dma_wait3A_1154] : memref<2x64x128xf32, #tpu.memory_space<vmem>> -> memref<1x64x128xf32, #tpu.memory_space<vmem>>
    %dma_wait3A_1156 = tpu.memref_squeeze %dma_wait3A_1155 : memref<1x64x128xf32, #tpu.memory_space<vmem>> -> memref<64x128xf32, #tpu.memory_space<vmem>>
    tpu.wait_dma2 semaphore(%arg19 : memref<!tpu.dma_semaphore, #tpu.memory_space<semaphore_mem>>) src(%dma_wait3A_1156 : memref<64x128xf32, #tpu.memory_space<vmem>>) dst(%dma_wait3A_1152 : memref<64x128xf32, #tpu.memory_space<hbm>>)
    %dma_start3A_1157 = arith.constant 1 : i32
    %dma_start3A_1158 = arith.constant 0 : i32
    %dma_start3A_1159 = arith.constant 0 : i32
    %dma_start3A_1160 = tpu.memref_slice %arg14[%dma_start3A_1157, %dma_start3A_1158, %dma_start3A_1159] : memref<2x64x128xf32, #tpu.memory_space<vmem>> -> memref<1x64x128xf32, #tpu.memory_space<vmem>>
    %dma_start3A_1161 = tpu.memref_squeeze %dma_start3A_1160 : memref<1x64x128xf32, #tpu.memory_space<vmem>> -> memref<64x128xf32, #tpu.memory_space<vmem>>
    %dma_start3A_1162 = arith.constant 448 : i32
    %dma_start3A_1163 = tpu.memref_slice %arg12[%dma_start3A_1162] : memref<512xi32, #tpu.memory_space<vmem>> -> memref<64xi32, #tpu.memory_space<vmem>>
    %dma_start3A_1164 = arith.constant 0 : i32
    %dma_start3A_1165 = arith.constant 0 : i32
    %dma_start3A_1166 = tpu.memref_slice %arg4[%dma_start3A_1164, %dma_start3A_1165] : memref<253952x128xf32, #tpu.memory_space<hbm>> -> memref<253952x128xf32, #tpu.memory_space<hbm>>
    tpu.enqueue_indirect_dma source(%dma_start3A_1166 : memref<253952x128xf32, #tpu.memory_space<hbm>>) target(%dma_start3A_1161 : memref<64x128xf32, #tpu.memory_space<vmem>>) offsets(%dma_start3A_1163 : memref<64xi32, #tpu.memory_space<vmem>>) semaphore(%arg18 : memref<!tpu.dma_semaphore, #tpu.memory_space<semaphore_mem>>)
    %dma_start3A_1167 = arith.constant 1 : i32
    %dma_start3A_1168 = arith.constant 0 : i32
    %dma_start3A_1169 = arith.constant 0 : i32
    %dma_start3A_1170 = tpu.memref_slice %arg16[%dma_start3A_1167, %dma_start3A_1168, %dma_start3A_1169] : memref<2x64x128xf32, #tpu.memory_space<vmem>> -> memref<1x64x128xf32, #tpu.memory_space<vmem>>
    %dma_start3A_1171 = tpu.memref_squeeze %dma_start3A_1170 : memref<1x64x128xf32, #tpu.memory_space<vmem>> -> memref<64x128xf32, #tpu.memory_space<vmem>>
    %dma_start3A_1172 = arith.constant 448 : i32
    %dma_start3A_1173 = tpu.memref_slice %arg12[%dma_start3A_1172] : memref<512xi32, #tpu.memory_space<vmem>> -> memref<64xi32, #tpu.memory_space<vmem>>
    %dma_start3A_1174 = arith.constant 0 : i32
    %dma_start3A_1175 = arith.constant 0 : i32
    %dma_start3A_1176 = tpu.memref_slice %arg6[%dma_start3A_1174, %dma_start3A_1175] : memref<253952x128xf32, #tpu.memory_space<hbm>> -> memref<253952x128xf32, #tpu.memory_space<hbm>>
    tpu.enqueue_indirect_dma source(%dma_start3A_1176 : memref<253952x128xf32, #tpu.memory_space<hbm>>) target(%dma_start3A_1171 : memref<64x128xf32, #tpu.memory_space<vmem>>) offsets(%dma_start3A_1173 : memref<64xi32, #tpu.memory_space<vmem>>) semaphore(%arg18 : memref<!tpu.dma_semaphore, #tpu.memory_space<semaphore_mem>>)
    %dma_start3A_1177 = arith.constant 1 : i32
    %dma_start3A_1178 = arith.constant 0 : i32
    %dma_start3A_1179 = arith.constant 0 : i32
    %dma_start3A_1180 = tpu.memref_slice %arg15[%dma_start3A_1177, %dma_start3A_1178, %dma_start3A_1179] : memref<2x64x128xf32, #tpu.memory_space<vmem>> -> memref<1x64x128xf32, #tpu.memory_space<vmem>>
    %dma_start3A_1181 = tpu.memref_squeeze %dma_start3A_1180 : memref<1x64x128xf32, #tpu.memory_space<vmem>> -> memref<64x128xf32, #tpu.memory_space<vmem>>
    %dma_start3A_1182 = arith.constant 448 : i32
    %dma_start3A_1183 = tpu.memref_slice %arg13[%dma_start3A_1182] : memref<512xi32, #tpu.memory_space<vmem>> -> memref<64xi32, #tpu.memory_space<vmem>>
    %dma_start3A_1184 = arith.constant 0 : i32
    %dma_start3A_1185 = arith.constant 0 : i32
    %dma_start3A_1186 = tpu.memref_slice %arg5[%dma_start3A_1184, %dma_start3A_1185] : memref<253952x128xf32, #tpu.memory_space<hbm>> -> memref<253952x128xf32, #tpu.memory_space<hbm>>
    tpu.enqueue_indirect_dma source(%dma_start3A_1186 : memref<253952x128xf32, #tpu.memory_space<hbm>>) target(%dma_start3A_1181 : memref<64x128xf32, #tpu.memory_space<vmem>>) offsets(%dma_start3A_1183 : memref<64xi32, #tpu.memory_space<vmem>>) semaphore(%arg18 : memref<!tpu.dma_semaphore, #tpu.memory_space<semaphore_mem>>)
    %dma_start3A_1187 = arith.constant 1 : i32
    %dma_start3A_1188 = arith.constant 0 : i32
    %dma_start3A_1189 = arith.constant 0 : i32
    %dma_start3A_1190 = tpu.memref_slice %arg17[%dma_start3A_1187, %dma_start3A_1188, %dma_start3A_1189] : memref<2x64x128xf32, #tpu.memory_space<vmem>> -> memref<1x64x128xf32, #tpu.memory_space<vmem>>
    %dma_start3A_1191 = tpu.memref_squeeze %dma_start3A_1190 : memref<1x64x128xf32, #tpu.memory_space<vmem>> -> memref<64x128xf32, #tpu.memory_space<vmem>>
    %dma_start3A_1192 = arith.constant 448 : i32
    %dma_start3A_1193 = tpu.memref_slice %arg13[%dma_start3A_1192] : memref<512xi32, #tpu.memory_space<vmem>> -> memref<64xi32, #tpu.memory_space<vmem>>
    %dma_start3A_1194 = arith.constant 0 : i32
    %dma_start3A_1195 = arith.constant 0 : i32
    %dma_start3A_1196 = tpu.memref_slice %arg7[%dma_start3A_1194, %dma_start3A_1195] : memref<253952x128xf32, #tpu.memory_space<hbm>> -> memref<253952x128xf32, #tpu.memory_space<hbm>>
    tpu.enqueue_indirect_dma source(%dma_start3A_1196 : memref<253952x128xf32, #tpu.memory_space<hbm>>) target(%dma_start3A_1191 : memref<64x128xf32, #tpu.memory_space<vmem>>) offsets(%dma_start3A_1193 : memref<64xi32, #tpu.memory_space<vmem>>) semaphore(%arg18 : memref<!tpu.dma_semaphore, #tpu.memory_space<semaphore_mem>>)
    %dma_wait3A_1197 = arith.constant 0 : i32
    %dma_wait3A_1198 = arith.constant 0 : i32
    %dma_wait3A_1199 = arith.constant 0 : i32
    %dma_wait3A_1200 = tpu.memref_slice %arg14[%dma_wait3A_1197, %dma_wait3A_1198, %dma_wait3A_1199] : memref<2x64x128xf32, #tpu.memory_space<vmem>> -> memref<1x64x128xf32, #tpu.memory_space<vmem>>
    %dma_wait3A_1201 = tpu.memref_squeeze %dma_wait3A_1200 : memref<1x64x128xf32, #tpu.memory_space<vmem>> -> memref<64x128xf32, #tpu.memory_space<vmem>>
    %dma_wait3A_1202 = arith.constant 384 : i32
    %dma_wait3A_1203 = tpu.memref_slice %arg12[%dma_wait3A_1202] : memref<512xi32, #tpu.memory_space<vmem>> -> memref<64xi32, #tpu.memory_space<vmem>>
    %dma_wait3A_1204 = arith.constant 0 : i32
    %dma_wait3A_1205 = arith.constant 0 : i32
    %dma_wait3A_1206 = tpu.memref_slice %arg4[%dma_wait3A_1204, %dma_wait3A_1205] : memref<253952x128xf32, #tpu.memory_space<hbm>> -> memref<253952x128xf32, #tpu.memory_space<hbm>>
    tpu.wait_indirect_dma semaphore(%arg18 : memref<!tpu.dma_semaphore, #tpu.memory_space<semaphore_mem>>) src(%dma_wait3A_1206 : memref<253952x128xf32, #tpu.memory_space<hbm>>) dst(%dma_wait3A_1201 : memref<64x128xf32, #tpu.memory_space<vmem>>)
    %dma_wait3A_1207 = arith.constant 0 : i32
    %dma_wait3A_1208 = arith.constant 0 : i32
    %dma_wait3A_1209 = arith.constant 0 : i32
    %dma_wait3A_1210 = tpu.memref_slice %arg16[%dma_wait3A_1207, %dma_wait3A_1208, %dma_wait3A_1209] : memref<2x64x128xf32, #tpu.memory_space<vmem>> -> memref<1x64x128xf32, #tpu.memory_space<vmem>>
    %dma_wait3A_1211 = tpu.memref_squeeze %dma_wait3A_1210 : memref<1x64x128xf32, #tpu.memory_space<vmem>> -> memref<64x128xf32, #tpu.memory_space<vmem>>
    %dma_wait3A_1212 = arith.constant 384 : i32
    %dma_wait3A_1213 = tpu.memref_slice %arg12[%dma_wait3A_1212] : memref<512xi32, #tpu.memory_space<vmem>> -> memref<64xi32, #tpu.memory_space<vmem>>
    %dma_wait3A_1214 = arith.constant 0 : i32
    %dma_wait3A_1215 = arith.constant 0 : i32
    %dma_wait3A_1216 = tpu.memref_slice %arg6[%dma_wait3A_1214, %dma_wait3A_1215] : memref<253952x128xf32, #tpu.memory_space<hbm>> -> memref<253952x128xf32, #tpu.memory_space<hbm>>
    tpu.wait_indirect_dma semaphore(%arg18 : memref<!tpu.dma_semaphore, #tpu.memory_space<semaphore_mem>>) src(%dma_wait3A_1216 : memref<253952x128xf32, #tpu.memory_space<hbm>>) dst(%dma_wait3A_1211 : memref<64x128xf32, #tpu.memory_space<vmem>>)
    %dma_wait3A_1217 = arith.constant 0 : i32
    %dma_wait3A_1218 = arith.constant 0 : i32
    %dma_wait3A_1219 = arith.constant 0 : i32
    %dma_wait3A_1220 = tpu.memref_slice %arg15[%dma_wait3A_1217, %dma_wait3A_1218, %dma_wait3A_1219] : memref<2x64x128xf32, #tpu.memory_space<vmem>> -> memref<1x64x128xf32, #tpu.memory_space<vmem>>
    %dma_wait3A_1221 = tpu.memref_squeeze %dma_wait3A_1220 : memref<1x64x128xf32, #tpu.memory_space<vmem>> -> memref<64x128xf32, #tpu.memory_space<vmem>>
    %dma_wait3A_1222 = arith.constant 384 : i32
    %dma_wait3A_1223 = tpu.memref_slice %arg13[%dma_wait3A_1222] : memref<512xi32, #tpu.memory_space<vmem>> -> memref<64xi32, #tpu.memory_space<vmem>>
    %dma_wait3A_1224 = arith.constant 0 : i32
    %dma_wait3A_1225 = arith.constant 0 : i32
    %dma_wait3A_1226 = tpu.memref_slice %arg5[%dma_wait3A_1224, %dma_wait3A_1225] : memref<253952x128xf32, #tpu.memory_space<hbm>> -> memref<253952x128xf32, #tpu.memory_space<hbm>>
    tpu.wait_indirect_dma semaphore(%arg18 : memref<!tpu.dma_semaphore, #tpu.memory_space<semaphore_mem>>) src(%dma_wait3A_1226 : memref<253952x128xf32, #tpu.memory_space<hbm>>) dst(%dma_wait3A_1221 : memref<64x128xf32, #tpu.memory_space<vmem>>)
    %dma_wait3A_1227 = arith.constant 0 : i32
    %dma_wait3A_1228 = arith.constant 0 : i32
    %dma_wait3A_1229 = arith.constant 0 : i32
    %dma_wait3A_1230 = tpu.memref_slice %arg17[%dma_wait3A_1227, %dma_wait3A_1228, %dma_wait3A_1229] : memref<2x64x128xf32, #tpu.memory_space<vmem>> -> memref<1x64x128xf32, #tpu.memory_space<vmem>>
    %dma_wait3A_1231 = tpu.memref_squeeze %dma_wait3A_1230 : memref<1x64x128xf32, #tpu.memory_space<vmem>> -> memref<64x128xf32, #tpu.memory_space<vmem>>
    %dma_wait3A_1232 = arith.constant 384 : i32
    %dma_wait3A_1233 = tpu.memref_slice %arg13[%dma_wait3A_1232] : memref<512xi32, #tpu.memory_space<vmem>> -> memref<64xi32, #tpu.memory_space<vmem>>
    %dma_wait3A_1234 = arith.constant 0 : i32
    %dma_wait3A_1235 = arith.constant 0 : i32
    %dma_wait3A_1236 = tpu.memref_slice %arg7[%dma_wait3A_1234, %dma_wait3A_1235] : memref<253952x128xf32, #tpu.memory_space<hbm>> -> memref<253952x128xf32, #tpu.memory_space<hbm>>
    tpu.wait_indirect_dma semaphore(%arg18 : memref<!tpu.dma_semaphore, #tpu.memory_space<semaphore_mem>>) src(%dma_wait3A_1236 : memref<253952x128xf32, #tpu.memory_space<hbm>>) dst(%dma_wait3A_1231 : memref<64x128xf32, #tpu.memory_space<vmem>>)
    %add3A_1237 = arith.constant 384 : i32
    %add3A_1238 = arith.addi %mul3A_2, %add3A_1237 : i32
    %dma_start3A_1239 = arith.constant 0 : i32
    %dma_start3A_1240 = arith.constant 0 : i32
    %dma_start3A_1241 = arith.constant 0 : i32
    %dma_start3A_1242 = tpu.memref_slice %arg14[%dma_start3A_1239, %dma_start3A_1240, %dma_start3A_1241] : memref<2x64x128xf32, #tpu.memory_space<vmem>> -> memref<1x64x128xf32, #tpu.memory_space<vmem>>
    %dma_start3A_1243 = tpu.memref_squeeze %dma_start3A_1242 : memref<1x64x128xf32, #tpu.memory_space<vmem>> -> memref<64x128xf32, #tpu.memory_space<vmem>>
    %dma_start3A_1244 = arith.constant 0 : i32
    %dma_start3A_1245 = tpu.memref_slice %arg8[%add3A_1238, %dma_start3A_1244] : memref<16384x128xf32, #tpu.memory_space<hbm>> -> memref<64x128xf32, #tpu.memory_space<hbm>>
    %dma_start3A_1246 = arith.constant 0 : i32
    %dma_start3A_1247 = tpu.memref_slice %arg8[%add3A_1238, %dma_start3A_1246] : memref<16384x128xf32, #tpu.memory_space<hbm>> -> memref<64x128xf32, #tpu.memory_space<hbm>>
    %dma_start3A_1248 = arith.constant 0 : i32
    %dma_start3A_1249 = arith.constant 0 : i32
    %dma_start3A_1250 = tpu.memref_slice %arg14[%dma_start3A_1239, %dma_start3A_1248, %dma_start3A_1249] : memref<2x64x128xf32, #tpu.memory_space<vmem>> -> memref<1x64x128xf32, #tpu.memory_space<vmem>>
    %dma_start3A_1251 = tpu.memref_squeeze %dma_start3A_1250 : memref<1x64x128xf32, #tpu.memory_space<vmem>> -> memref<64x128xf32, #tpu.memory_space<vmem>>
    tpu.enqueue_dma source(%dma_start3A_1251 : memref<64x128xf32, #tpu.memory_space<vmem>>) target(%dma_start3A_1247 : memref<64x128xf32, #tpu.memory_space<hbm>>) target_semaphore(%arg19 : memref<!tpu.dma_semaphore, #tpu.memory_space<semaphore_mem>>)
    %dma_start3A_1252 = arith.constant 0 : i32
    %dma_start3A_1253 = arith.constant 0 : i32
    %dma_start3A_1254 = arith.constant 0 : i32
    %dma_start3A_1255 = tpu.memref_slice %arg15[%dma_start3A_1252, %dma_start3A_1253, %dma_start3A_1254] : memref<2x64x128xf32, #tpu.memory_space<vmem>> -> memref<1x64x128xf32, #tpu.memory_space<vmem>>
    %dma_start3A_1256 = tpu.memref_squeeze %dma_start3A_1255 : memref<1x64x128xf32, #tpu.memory_space<vmem>> -> memref<64x128xf32, #tpu.memory_space<vmem>>
    %dma_start3A_1257 = arith.constant 0 : i32
    %dma_start3A_1258 = tpu.memref_slice %arg9[%add3A_1238, %dma_start3A_1257] : memref<16384x128xf32, #tpu.memory_space<hbm>> -> memref<64x128xf32, #tpu.memory_space<hbm>>
    %dma_start3A_1259 = arith.constant 0 : i32
    %dma_start3A_1260 = tpu.memref_slice %arg9[%add3A_1238, %dma_start3A_1259] : memref<16384x128xf32, #tpu.memory_space<hbm>> -> memref<64x128xf32, #tpu.memory_space<hbm>>
    %dma_start3A_1261 = arith.constant 0 : i32
    %dma_start3A_1262 = arith.constant 0 : i32
    %dma_start3A_1263 = tpu.memref_slice %arg15[%dma_start3A_1252, %dma_start3A_1261, %dma_start3A_1262] : memref<2x64x128xf32, #tpu.memory_space<vmem>> -> memref<1x64x128xf32, #tpu.memory_space<vmem>>
    %dma_start3A_1264 = tpu.memref_squeeze %dma_start3A_1263 : memref<1x64x128xf32, #tpu.memory_space<vmem>> -> memref<64x128xf32, #tpu.memory_space<vmem>>
    tpu.enqueue_dma source(%dma_start3A_1264 : memref<64x128xf32, #tpu.memory_space<vmem>>) target(%dma_start3A_1260 : memref<64x128xf32, #tpu.memory_space<hbm>>) target_semaphore(%arg19 : memref<!tpu.dma_semaphore, #tpu.memory_space<semaphore_mem>>)
    %dma_start3A_1265 = arith.constant 0 : i32
    %dma_start3A_1266 = arith.constant 0 : i32
    %dma_start3A_1267 = arith.constant 0 : i32
    %dma_start3A_1268 = tpu.memref_slice %arg16[%dma_start3A_1265, %dma_start3A_1266, %dma_start3A_1267] : memref<2x64x128xf32, #tpu.memory_space<vmem>> -> memref<1x64x128xf32, #tpu.memory_space<vmem>>
    %dma_start3A_1269 = tpu.memref_squeeze %dma_start3A_1268 : memref<1x64x128xf32, #tpu.memory_space<vmem>> -> memref<64x128xf32, #tpu.memory_space<vmem>>
    %dma_start3A_1270 = arith.constant 0 : i32
    %dma_start3A_1271 = tpu.memref_slice %arg10[%add3A_1238, %dma_start3A_1270] : memref<16384x128xf32, #tpu.memory_space<hbm>> -> memref<64x128xf32, #tpu.memory_space<hbm>>
    %dma_start3A_1272 = arith.constant 0 : i32
    %dma_start3A_1273 = tpu.memref_slice %arg10[%add3A_1238, %dma_start3A_1272] : memref<16384x128xf32, #tpu.memory_space<hbm>> -> memref<64x128xf32, #tpu.memory_space<hbm>>
    %dma_start3A_1274 = arith.constant 0 : i32
    %dma_start3A_1275 = arith.constant 0 : i32
    %dma_start3A_1276 = tpu.memref_slice %arg16[%dma_start3A_1265, %dma_start3A_1274, %dma_start3A_1275] : memref<2x64x128xf32, #tpu.memory_space<vmem>> -> memref<1x64x128xf32, #tpu.memory_space<vmem>>
    %dma_start3A_1277 = tpu.memref_squeeze %dma_start3A_1276 : memref<1x64x128xf32, #tpu.memory_space<vmem>> -> memref<64x128xf32, #tpu.memory_space<vmem>>
    tpu.enqueue_dma source(%dma_start3A_1277 : memref<64x128xf32, #tpu.memory_space<vmem>>) target(%dma_start3A_1273 : memref<64x128xf32, #tpu.memory_space<hbm>>) target_semaphore(%arg19 : memref<!tpu.dma_semaphore, #tpu.memory_space<semaphore_mem>>)
    %dma_start3A_1278 = arith.constant 0 : i32
    %dma_start3A_1279 = arith.constant 0 : i32
    %dma_start3A_1280 = arith.constant 0 : i32
    %dma_start3A_1281 = tpu.memref_slice %arg17[%dma_start3A_1278, %dma_start3A_1279, %dma_start3A_1280] : memref<2x64x128xf32, #tpu.memory_space<vmem>> -> memref<1x64x128xf32, #tpu.memory_space<vmem>>
    %dma_start3A_1282 = tpu.memref_squeeze %dma_start3A_1281 : memref<1x64x128xf32, #tpu.memory_space<vmem>> -> memref<64x128xf32, #tpu.memory_space<vmem>>
    %dma_start3A_1283 = arith.constant 0 : i32
    %dma_start3A_1284 = tpu.memref_slice %arg11[%add3A_1238, %dma_start3A_1283] : memref<16384x128xf32, #tpu.memory_space<hbm>> -> memref<64x128xf32, #tpu.memory_space<hbm>>
    %dma_start3A_1285 = arith.constant 0 : i32
    %dma_start3A_1286 = tpu.memref_slice %arg11[%add3A_1238, %dma_start3A_1285] : memref<16384x128xf32, #tpu.memory_space<hbm>> -> memref<64x128xf32, #tpu.memory_space<hbm>>
    %dma_start3A_1287 = arith.constant 0 : i32
    %dma_start3A_1288 = arith.constant 0 : i32
    %dma_start3A_1289 = tpu.memref_slice %arg17[%dma_start3A_1278, %dma_start3A_1287, %dma_start3A_1288] : memref<2x64x128xf32, #tpu.memory_space<vmem>> -> memref<1x64x128xf32, #tpu.memory_space<vmem>>
    %dma_start3A_1290 = tpu.memref_squeeze %dma_start3A_1289 : memref<1x64x128xf32, #tpu.memory_space<vmem>> -> memref<64x128xf32, #tpu.memory_space<vmem>>
    tpu.enqueue_dma source(%dma_start3A_1290 : memref<64x128xf32, #tpu.memory_space<vmem>>) target(%dma_start3A_1286 : memref<64x128xf32, #tpu.memory_space<hbm>>) target_semaphore(%arg19 : memref<!tpu.dma_semaphore, #tpu.memory_space<semaphore_mem>>)
    %dma_wait3A_1291 = arith.constant 1 : i32
    %dma_wait3A_1292 = arith.constant 0 : i32
    %dma_wait3A_1293 = arith.constant 0 : i32
    %dma_wait3A_1294 = tpu.memref_slice %arg14[%dma_wait3A_1291, %dma_wait3A_1292, %dma_wait3A_1293] : memref<2x64x128xf32, #tpu.memory_space<vmem>> -> memref<1x64x128xf32, #tpu.memory_space<vmem>>
    %dma_wait3A_1295 = tpu.memref_squeeze %dma_wait3A_1294 : memref<1x64x128xf32, #tpu.memory_space<vmem>> -> memref<64x128xf32, #tpu.memory_space<vmem>>
    %dma_wait3A_1296 = arith.constant 448 : i32
    %dma_wait3A_1297 = tpu.memref_slice %arg12[%dma_wait3A_1296] : memref<512xi32, #tpu.memory_space<vmem>> -> memref<64xi32, #tpu.memory_space<vmem>>
    %dma_wait3A_1298 = arith.constant 0 : i32
    %dma_wait3A_1299 = arith.constant 0 : i32
    %dma_wait3A_1300 = tpu.memref_slice %arg4[%dma_wait3A_1298, %dma_wait3A_1299] : memref<253952x128xf32, #tpu.memory_space<hbm>> -> memref<253952x128xf32, #tpu.memory_space<hbm>>
    tpu.wait_indirect_dma semaphore(%arg18 : memref<!tpu.dma_semaphore, #tpu.memory_space<semaphore_mem>>) src(%dma_wait3A_1300 : memref<253952x128xf32, #tpu.memory_space<hbm>>) dst(%dma_wait3A_1295 : memref<64x128xf32, #tpu.memory_space<vmem>>)
    %dma_wait3A_1301 = arith.constant 1 : i32
    %dma_wait3A_1302 = arith.constant 0 : i32
    %dma_wait3A_1303 = arith.constant 0 : i32
    %dma_wait3A_1304 = tpu.memref_slice %arg16[%dma_wait3A_1301, %dma_wait3A_1302, %dma_wait3A_1303] : memref<2x64x128xf32, #tpu.memory_space<vmem>> -> memref<1x64x128xf32, #tpu.memory_space<vmem>>
    %dma_wait3A_1305 = tpu.memref_squeeze %dma_wait3A_1304 : memref<1x64x128xf32, #tpu.memory_space<vmem>> -> memref<64x128xf32, #tpu.memory_space<vmem>>
    %dma_wait3A_1306 = arith.constant 448 : i32
    %dma_wait3A_1307 = tpu.memref_slice %arg12[%dma_wait3A_1306] : memref<512xi32, #tpu.memory_space<vmem>> -> memref<64xi32, #tpu.memory_space<vmem>>
    %dma_wait3A_1308 = arith.constant 0 : i32
    %dma_wait3A_1309 = arith.constant 0 : i32
    %dma_wait3A_1310 = tpu.memref_slice %arg6[%dma_wait3A_1308, %dma_wait3A_1309] : memref<253952x128xf32, #tpu.memory_space<hbm>> -> memref<253952x128xf32, #tpu.memory_space<hbm>>
    tpu.wait_indirect_dma semaphore(%arg18 : memref<!tpu.dma_semaphore, #tpu.memory_space<semaphore_mem>>) src(%dma_wait3A_1310 : memref<253952x128xf32, #tpu.memory_space<hbm>>) dst(%dma_wait3A_1305 : memref<64x128xf32, #tpu.memory_space<vmem>>)
    %dma_wait3A_1311 = arith.constant 1 : i32
    %dma_wait3A_1312 = arith.constant 0 : i32
    %dma_wait3A_1313 = arith.constant 0 : i32
    %dma_wait3A_1314 = tpu.memref_slice %arg15[%dma_wait3A_1311, %dma_wait3A_1312, %dma_wait3A_1313] : memref<2x64x128xf32, #tpu.memory_space<vmem>> -> memref<1x64x128xf32, #tpu.memory_space<vmem>>
    %dma_wait3A_1315 = tpu.memref_squeeze %dma_wait3A_1314 : memref<1x64x128xf32, #tpu.memory_space<vmem>> -> memref<64x128xf32, #tpu.memory_space<vmem>>
    %dma_wait3A_1316 = arith.constant 448 : i32
    %dma_wait3A_1317 = tpu.memref_slice %arg13[%dma_wait3A_1316] : memref<512xi32, #tpu.memory_space<vmem>> -> memref<64xi32, #tpu.memory_space<vmem>>
    %dma_wait3A_1318 = arith.constant 0 : i32
    %dma_wait3A_1319 = arith.constant 0 : i32
    %dma_wait3A_1320 = tpu.memref_slice %arg5[%dma_wait3A_1318, %dma_wait3A_1319] : memref<253952x128xf32, #tpu.memory_space<hbm>> -> memref<253952x128xf32, #tpu.memory_space<hbm>>
    tpu.wait_indirect_dma semaphore(%arg18 : memref<!tpu.dma_semaphore, #tpu.memory_space<semaphore_mem>>) src(%dma_wait3A_1320 : memref<253952x128xf32, #tpu.memory_space<hbm>>) dst(%dma_wait3A_1315 : memref<64x128xf32, #tpu.memory_space<vmem>>)
    %dma_wait3A_1321 = arith.constant 1 : i32
    %dma_wait3A_1322 = arith.constant 0 : i32
    %dma_wait3A_1323 = arith.constant 0 : i32
    %dma_wait3A_1324 = tpu.memref_slice %arg17[%dma_wait3A_1321, %dma_wait3A_1322, %dma_wait3A_1323] : memref<2x64x128xf32, #tpu.memory_space<vmem>> -> memref<1x64x128xf32, #tpu.memory_space<vmem>>
    %dma_wait3A_1325 = tpu.memref_squeeze %dma_wait3A_1324 : memref<1x64x128xf32, #tpu.memory_space<vmem>> -> memref<64x128xf32, #tpu.memory_space<vmem>>
    %dma_wait3A_1326 = arith.constant 448 : i32
    %dma_wait3A_1327 = tpu.memref_slice %arg13[%dma_wait3A_1326] : memref<512xi32, #tpu.memory_space<vmem>> -> memref<64xi32, #tpu.memory_space<vmem>>
    %dma_wait3A_1328 = arith.constant 0 : i32
    %dma_wait3A_1329 = arith.constant 0 : i32
    %dma_wait3A_1330 = tpu.memref_slice %arg7[%dma_wait3A_1328, %dma_wait3A_1329] : memref<253952x128xf32, #tpu.memory_space<hbm>> -> memref<253952x128xf32, #tpu.memory_space<hbm>>
    tpu.wait_indirect_dma semaphore(%arg18 : memref<!tpu.dma_semaphore, #tpu.memory_space<semaphore_mem>>) src(%dma_wait3A_1330 : memref<253952x128xf32, #tpu.memory_space<hbm>>) dst(%dma_wait3A_1325 : memref<64x128xf32, #tpu.memory_space<vmem>>)
    %add3A_1331 = arith.constant 448 : i32
    %add3A_1332 = arith.addi %mul3A_2, %add3A_1331 : i32
    %dma_start3A_1333 = arith.constant 1 : i32
    %dma_start3A_1334 = arith.constant 0 : i32
    %dma_start3A_1335 = arith.constant 0 : i32
    %dma_start3A_1336 = tpu.memref_slice %arg14[%dma_start3A_1333, %dma_start3A_1334, %dma_start3A_1335] : memref<2x64x128xf32, #tpu.memory_space<vmem>> -> memref<1x64x128xf32, #tpu.memory_space<vmem>>
    %dma_start3A_1337 = tpu.memref_squeeze %dma_start3A_1336 : memref<1x64x128xf32, #tpu.memory_space<vmem>> -> memref<64x128xf32, #tpu.memory_space<vmem>>
    %dma_start3A_1338 = arith.constant 0 : i32
    %dma_start3A_1339 = tpu.memref_slice %arg8[%add3A_1332, %dma_start3A_1338] : memref<16384x128xf32, #tpu.memory_space<hbm>> -> memref<64x128xf32, #tpu.memory_space<hbm>>
    %dma_start3A_1340 = arith.constant 0 : i32
    %dma_start3A_1341 = tpu.memref_slice %arg8[%add3A_1332, %dma_start3A_1340] : memref<16384x128xf32, #tpu.memory_space<hbm>> -> memref<64x128xf32, #tpu.memory_space<hbm>>
    %dma_start3A_1342 = arith.constant 0 : i32
    %dma_start3A_1343 = arith.constant 0 : i32
    %dma_start3A_1344 = tpu.memref_slice %arg14[%dma_start3A_1333, %dma_start3A_1342, %dma_start3A_1343] : memref<2x64x128xf32, #tpu.memory_space<vmem>> -> memref<1x64x128xf32, #tpu.memory_space<vmem>>
    %dma_start3A_1345 = tpu.memref_squeeze %dma_start3A_1344 : memref<1x64x128xf32, #tpu.memory_space<vmem>> -> memref<64x128xf32, #tpu.memory_space<vmem>>
    tpu.enqueue_dma source(%dma_start3A_1345 : memref<64x128xf32, #tpu.memory_space<vmem>>) target(%dma_start3A_1341 : memref<64x128xf32, #tpu.memory_space<hbm>>) target_semaphore(%arg19 : memref<!tpu.dma_semaphore, #tpu.memory_space<semaphore_mem>>)
    %dma_start3A_1346 = arith.constant 1 : i32
    %dma_start3A_1347 = arith.constant 0 : i32
    %dma_start3A_1348 = arith.constant 0 : i32
    %dma_start3A_1349 = tpu.memref_slice %arg15[%dma_start3A_1346, %dma_start3A_1347, %dma_start3A_1348] : memref<2x64x128xf32, #tpu.memory_space<vmem>> -> memref<1x64x128xf32, #tpu.memory_space<vmem>>
    %dma_start3A_1350 = tpu.memref_squeeze %dma_start3A_1349 : memref<1x64x128xf32, #tpu.memory_space<vmem>> -> memref<64x128xf32, #tpu.memory_space<vmem>>
    %dma_start3A_1351 = arith.constant 0 : i32
    %dma_start3A_1352 = tpu.memref_slice %arg9[%add3A_1332, %dma_start3A_1351] : memref<16384x128xf32, #tpu.memory_space<hbm>> -> memref<64x128xf32, #tpu.memory_space<hbm>>
    %dma_start3A_1353 = arith.constant 0 : i32
    %dma_start3A_1354 = tpu.memref_slice %arg9[%add3A_1332, %dma_start3A_1353] : memref<16384x128xf32, #tpu.memory_space<hbm>> -> memref<64x128xf32, #tpu.memory_space<hbm>>
    %dma_start3A_1355 = arith.constant 0 : i32
    %dma_start3A_1356 = arith.constant 0 : i32
    %dma_start3A_1357 = tpu.memref_slice %arg15[%dma_start3A_1346, %dma_start3A_1355, %dma_start3A_1356] : memref<2x64x128xf32, #tpu.memory_space<vmem>> -> memref<1x64x128xf32, #tpu.memory_space<vmem>>
    %dma_start3A_1358 = tpu.memref_squeeze %dma_start3A_1357 : memref<1x64x128xf32, #tpu.memory_space<vmem>> -> memref<64x128xf32, #tpu.memory_space<vmem>>
    tpu.enqueue_dma source(%dma_start3A_1358 : memref<64x128xf32, #tpu.memory_space<vmem>>) target(%dma_start3A_1354 : memref<64x128xf32, #tpu.memory_space<hbm>>) target_semaphore(%arg19 : memref<!tpu.dma_semaphore, #tpu.memory_space<semaphore_mem>>)
    %dma_start3A_1359 = arith.constant 1 : i32
    %dma_start3A_1360 = arith.constant 0 : i32
    %dma_start3A_1361 = arith.constant 0 : i32
    %dma_start3A_1362 = tpu.memref_slice %arg16[%dma_start3A_1359, %dma_start3A_1360, %dma_start3A_1361] : memref<2x64x128xf32, #tpu.memory_space<vmem>> -> memref<1x64x128xf32, #tpu.memory_space<vmem>>
    %dma_start3A_1363 = tpu.memref_squeeze %dma_start3A_1362 : memref<1x64x128xf32, #tpu.memory_space<vmem>> -> memref<64x128xf32, #tpu.memory_space<vmem>>
    %dma_start3A_1364 = arith.constant 0 : i32
    %dma_start3A_1365 = tpu.memref_slice %arg10[%add3A_1332, %dma_start3A_1364] : memref<16384x128xf32, #tpu.memory_space<hbm>> -> memref<64x128xf32, #tpu.memory_space<hbm>>
    %dma_start3A_1366 = arith.constant 0 : i32
    %dma_start3A_1367 = tpu.memref_slice %arg10[%add3A_1332, %dma_start3A_1366] : memref<16384x128xf32, #tpu.memory_space<hbm>> -> memref<64x128xf32, #tpu.memory_space<hbm>>
    %dma_start3A_1368 = arith.constant 0 : i32
    %dma_start3A_1369 = arith.constant 0 : i32
    %dma_start3A_1370 = tpu.memref_slice %arg16[%dma_start3A_1359, %dma_start3A_1368, %dma_start3A_1369] : memref<2x64x128xf32, #tpu.memory_space<vmem>> -> memref<1x64x128xf32, #tpu.memory_space<vmem>>
    %dma_start3A_1371 = tpu.memref_squeeze %dma_start3A_1370 : memref<1x64x128xf32, #tpu.memory_space<vmem>> -> memref<64x128xf32, #tpu.memory_space<vmem>>
    tpu.enqueue_dma source(%dma_start3A_1371 : memref<64x128xf32, #tpu.memory_space<vmem>>) target(%dma_start3A_1367 : memref<64x128xf32, #tpu.memory_space<hbm>>) target_semaphore(%arg19 : memref<!tpu.dma_semaphore, #tpu.memory_space<semaphore_mem>>)
    %dma_start3A_1372 = arith.constant 1 : i32
    %dma_start3A_1373 = arith.constant 0 : i32
    %dma_start3A_1374 = arith.constant 0 : i32
    %dma_start3A_1375 = tpu.memref_slice %arg17[%dma_start3A_1372, %dma_start3A_1373, %dma_start3A_1374] : memref<2x64x128xf32, #tpu.memory_space<vmem>> -> memref<1x64x128xf32, #tpu.memory_space<vmem>>
    %dma_start3A_1376 = tpu.memref_squeeze %dma_start3A_1375 : memref<1x64x128xf32, #tpu.memory_space<vmem>> -> memref<64x128xf32, #tpu.memory_space<vmem>>
    %dma_start3A_1377 = arith.constant 0 : i32
    %dma_start3A_1378 = tpu.memref_slice %arg11[%add3A_1332, %dma_start3A_1377] : memref<16384x128xf32, #tpu.memory_space<hbm>> -> memref<64x128xf32, #tpu.memory_space<hbm>>
    %dma_start3A_1379 = arith.constant 0 : i32
    %dma_start3A_1380 = tpu.memref_slice %arg11[%add3A_1332, %dma_start3A_1379] : memref<16384x128xf32, #tpu.memory_space<hbm>> -> memref<64x128xf32, #tpu.memory_space<hbm>>
    %dma_start3A_1381 = arith.constant 0 : i32
    %dma_start3A_1382 = arith.constant 0 : i32
    %dma_start3A_1383 = tpu.memref_slice %arg17[%dma_start3A_1372, %dma_start3A_1381, %dma_start3A_1382] : memref<2x64x128xf32, #tpu.memory_space<vmem>> -> memref<1x64x128xf32, #tpu.memory_space<vmem>>
    %dma_start3A_1384 = tpu.memref_squeeze %dma_start3A_1383 : memref<1x64x128xf32, #tpu.memory_space<vmem>> -> memref<64x128xf32, #tpu.memory_space<vmem>>
    tpu.enqueue_dma source(%dma_start3A_1384 : memref<64x128xf32, #tpu.memory_space<vmem>>) target(%dma_start3A_1380 : memref<64x128xf32, #tpu.memory_space<hbm>>) target_semaphore(%arg19 : memref<!tpu.dma_semaphore, #tpu.memory_space<semaphore_mem>>)
    %dma_wait3A_1385 = arith.constant 0 : i32
    %dma_wait3A_1386 = arith.constant 0 : i32
    %dma_wait3A_1387 = arith.constant 0 : i32
    %dma_wait3A_1388 = tpu.memref_slice %arg14[%dma_wait3A_1385, %dma_wait3A_1386, %dma_wait3A_1387] : memref<2x64x128xf32, #tpu.memory_space<vmem>> -> memref<1x64x128xf32, #tpu.memory_space<vmem>>
    %dma_wait3A_1389 = tpu.memref_squeeze %dma_wait3A_1388 : memref<1x64x128xf32, #tpu.memory_space<vmem>> -> memref<64x128xf32, #tpu.memory_space<vmem>>
    %dma_wait3A_1390 = arith.constant 0 : i32
    %dma_wait3A_1391 = tpu.memref_slice %arg8[%add3A_1238, %dma_wait3A_1390] : memref<16384x128xf32, #tpu.memory_space<hbm>> -> memref<64x128xf32, #tpu.memory_space<hbm>>
    %dma_wait3A_1392 = arith.constant 0 : i32
    %dma_wait3A_1393 = tpu.memref_slice %arg8[%add3A_1238, %dma_wait3A_1392] : memref<16384x128xf32, #tpu.memory_space<hbm>> -> memref<64x128xf32, #tpu.memory_space<hbm>>
    %dma_wait3A_1394 = arith.constant 0 : i32
    %dma_wait3A_1395 = arith.constant 0 : i32
    %dma_wait3A_1396 = tpu.memref_slice %arg14[%dma_wait3A_1385, %dma_wait3A_1394, %dma_wait3A_1395] : memref<2x64x128xf32, #tpu.memory_space<vmem>> -> memref<1x64x128xf32, #tpu.memory_space<vmem>>
    %dma_wait3A_1397 = tpu.memref_squeeze %dma_wait3A_1396 : memref<1x64x128xf32, #tpu.memory_space<vmem>> -> memref<64x128xf32, #tpu.memory_space<vmem>>
    tpu.wait_dma2 semaphore(%arg19 : memref<!tpu.dma_semaphore, #tpu.memory_space<semaphore_mem>>) src(%dma_wait3A_1397 : memref<64x128xf32, #tpu.memory_space<vmem>>) dst(%dma_wait3A_1393 : memref<64x128xf32, #tpu.memory_space<hbm>>)
    %dma_wait3A_1398 = arith.constant 0 : i32
    %dma_wait3A_1399 = arith.constant 0 : i32
    %dma_wait3A_1400 = arith.constant 0 : i32
    %dma_wait3A_1401 = tpu.memref_slice %arg15[%dma_wait3A_1398, %dma_wait3A_1399, %dma_wait3A_1400] : memref<2x64x128xf32, #tpu.memory_space<vmem>> -> memref<1x64x128xf32, #tpu.memory_space<vmem>>
    %dma_wait3A_1402 = tpu.memref_squeeze %dma_wait3A_1401 : memref<1x64x128xf32, #tpu.memory_space<vmem>> -> memref<64x128xf32, #tpu.memory_space<vmem>>
    %dma_wait3A_1403 = arith.constant 0 : i32
    %dma_wait3A_1404 = tpu.memref_slice %arg9[%add3A_1238, %dma_wait3A_1403] : memref<16384x128xf32, #tpu.memory_space<hbm>> -> memref<64x128xf32, #tpu.memory_space<hbm>>
    %dma_wait3A_1405 = arith.constant 0 : i32
    %dma_wait3A_1406 = tpu.memref_slice %arg9[%add3A_1238, %dma_wait3A_1405] : memref<16384x128xf32, #tpu.memory_space<hbm>> -> memref<64x128xf32, #tpu.memory_space<hbm>>
    %dma_wait3A_1407 = arith.constant 0 : i32
    %dma_wait3A_1408 = arith.constant 0 : i32
    %dma_wait3A_1409 = tpu.memref_slice %arg15[%dma_wait3A_1398, %dma_wait3A_1407, %dma_wait3A_1408] : memref<2x64x128xf32, #tpu.memory_space<vmem>> -> memref<1x64x128xf32, #tpu.memory_space<vmem>>
    %dma_wait3A_1410 = tpu.memref_squeeze %dma_wait3A_1409 : memref<1x64x128xf32, #tpu.memory_space<vmem>> -> memref<64x128xf32, #tpu.memory_space<vmem>>
    tpu.wait_dma2 semaphore(%arg19 : memref<!tpu.dma_semaphore, #tpu.memory_space<semaphore_mem>>) src(%dma_wait3A_1410 : memref<64x128xf32, #tpu.memory_space<vmem>>) dst(%dma_wait3A_1406 : memref<64x128xf32, #tpu.memory_space<hbm>>)
    %dma_wait3A_1411 = arith.constant 0 : i32
    %dma_wait3A_1412 = arith.constant 0 : i32
    %dma_wait3A_1413 = arith.constant 0 : i32
    %dma_wait3A_1414 = tpu.memref_slice %arg16[%dma_wait3A_1411, %dma_wait3A_1412, %dma_wait3A_1413] : memref<2x64x128xf32, #tpu.memory_space<vmem>> -> memref<1x64x128xf32, #tpu.memory_space<vmem>>
    %dma_wait3A_1415 = tpu.memref_squeeze %dma_wait3A_1414 : memref<1x64x128xf32, #tpu.memory_space<vmem>> -> memref<64x128xf32, #tpu.memory_space<vmem>>
    %dma_wait3A_1416 = arith.constant 0 : i32
    %dma_wait3A_1417 = tpu.memref_slice %arg10[%add3A_1238, %dma_wait3A_1416] : memref<16384x128xf32, #tpu.memory_space<hbm>> -> memref<64x128xf32, #tpu.memory_space<hbm>>
    %dma_wait3A_1418 = arith.constant 0 : i32
    %dma_wait3A_1419 = tpu.memref_slice %arg10[%add3A_1238, %dma_wait3A_1418] : memref<16384x128xf32, #tpu.memory_space<hbm>> -> memref<64x128xf32, #tpu.memory_space<hbm>>
    %dma_wait3A_1420 = arith.constant 0 : i32
    %dma_wait3A_1421 = arith.constant 0 : i32
    %dma_wait3A_1422 = tpu.memref_slice %arg16[%dma_wait3A_1411, %dma_wait3A_1420, %dma_wait3A_1421] : memref<2x64x128xf32, #tpu.memory_space<vmem>> -> memref<1x64x128xf32, #tpu.memory_space<vmem>>
    %dma_wait3A_1423 = tpu.memref_squeeze %dma_wait3A_1422 : memref<1x64x128xf32, #tpu.memory_space<vmem>> -> memref<64x128xf32, #tpu.memory_space<vmem>>
    tpu.wait_dma2 semaphore(%arg19 : memref<!tpu.dma_semaphore, #tpu.memory_space<semaphore_mem>>) src(%dma_wait3A_1423 : memref<64x128xf32, #tpu.memory_space<vmem>>) dst(%dma_wait3A_1419 : memref<64x128xf32, #tpu.memory_space<hbm>>)
    %dma_wait3A_1424 = arith.constant 0 : i32
    %dma_wait3A_1425 = arith.constant 0 : i32
    %dma_wait3A_1426 = arith.constant 0 : i32
    %dma_wait3A_1427 = tpu.memref_slice %arg17[%dma_wait3A_1424, %dma_wait3A_1425, %dma_wait3A_1426] : memref<2x64x128xf32, #tpu.memory_space<vmem>> -> memref<1x64x128xf32, #tpu.memory_space<vmem>>
    %dma_wait3A_1428 = tpu.memref_squeeze %dma_wait3A_1427 : memref<1x64x128xf32, #tpu.memory_space<vmem>> -> memref<64x128xf32, #tpu.memory_space<vmem>>
    %dma_wait3A_1429 = arith.constant 0 : i32
    %dma_wait3A_1430 = tpu.memref_slice %arg11[%add3A_1238, %dma_wait3A_1429] : memref<16384x128xf32, #tpu.memory_space<hbm>> -> memref<64x128xf32, #tpu.memory_space<hbm>>
    %dma_wait3A_1431 = arith.constant 0 : i32
    %dma_wait3A_1432 = tpu.memref_slice %arg11[%add3A_1238, %dma_wait3A_1431] : memref<16384x128xf32, #tpu.memory_space<hbm>> -> memref<64x128xf32, #tpu.memory_space<hbm>>
    %dma_wait3A_1433 = arith.constant 0 : i32
    %dma_wait3A_1434 = arith.constant 0 : i32
    %dma_wait3A_1435 = tpu.memref_slice %arg17[%dma_wait3A_1424, %dma_wait3A_1433, %dma_wait3A_1434] : memref<2x64x128xf32, #tpu.memory_space<vmem>> -> memref<1x64x128xf32, #tpu.memory_space<vmem>>
    %dma_wait3A_1436 = tpu.memref_squeeze %dma_wait3A_1435 : memref<1x64x128xf32, #tpu.memory_space<vmem>> -> memref<64x128xf32, #tpu.memory_space<vmem>>
    tpu.wait_dma2 semaphore(%arg19 : memref<!tpu.dma_semaphore, #tpu.memory_space<semaphore_mem>>) src(%dma_wait3A_1436 : memref<64x128xf32, #tpu.memory_space<vmem>>) dst(%dma_wait3A_1432 : memref<64x128xf32, #tpu.memory_space<hbm>>)
    %dma_wait3A_1437 = arith.constant 1 : i32
    %dma_wait3A_1438 = arith.constant 0 : i32
    %dma_wait3A_1439 = arith.constant 0 : i32
    %dma_wait3A_1440 = tpu.memref_slice %arg14[%dma_wait3A_1437, %dma_wait3A_1438, %dma_wait3A_1439] : memref<2x64x128xf32, #tpu.memory_space<vmem>> -> memref<1x64x128xf32, #tpu.memory_space<vmem>>
    %dma_wait3A_1441 = tpu.memref_squeeze %dma_wait3A_1440 : memref<1x64x128xf32, #tpu.memory_space<vmem>> -> memref<64x128xf32, #tpu.memory_space<vmem>>
    %dma_wait3A_1442 = arith.constant 0 : i32
    %dma_wait3A_1443 = tpu.memref_slice %arg8[%add3A_1332, %dma_wait3A_1442] : memref<16384x128xf32, #tpu.memory_space<hbm>> -> memref<64x128xf32, #tpu.memory_space<hbm>>
    %dma_wait3A_1444 = arith.constant 0 : i32
    %dma_wait3A_1445 = tpu.memref_slice %arg8[%add3A_1332, %dma_wait3A_1444] : memref<16384x128xf32, #tpu.memory_space<hbm>> -> memref<64x128xf32, #tpu.memory_space<hbm>>
    %dma_wait3A_1446 = arith.constant 0 : i32
    %dma_wait3A_1447 = arith.constant 0 : i32
    %dma_wait3A_1448 = tpu.memref_slice %arg14[%dma_wait3A_1437, %dma_wait3A_1446, %dma_wait3A_1447] : memref<2x64x128xf32, #tpu.memory_space<vmem>> -> memref<1x64x128xf32, #tpu.memory_space<vmem>>
    %dma_wait3A_1449 = tpu.memref_squeeze %dma_wait3A_1448 : memref<1x64x128xf32, #tpu.memory_space<vmem>> -> memref<64x128xf32, #tpu.memory_space<vmem>>
    tpu.wait_dma2 semaphore(%arg19 : memref<!tpu.dma_semaphore, #tpu.memory_space<semaphore_mem>>) src(%dma_wait3A_1449 : memref<64x128xf32, #tpu.memory_space<vmem>>) dst(%dma_wait3A_1445 : memref<64x128xf32, #tpu.memory_space<hbm>>)
    %dma_wait3A_1450 = arith.constant 1 : i32
    %dma_wait3A_1451 = arith.constant 0 : i32
    %dma_wait3A_1452 = arith.constant 0 : i32
    %dma_wait3A_1453 = tpu.memref_slice %arg15[%dma_wait3A_1450, %dma_wait3A_1451, %dma_wait3A_1452] : memref<2x64x128xf32, #tpu.memory_space<vmem>> -> memref<1x64x128xf32, #tpu.memory_space<vmem>>
    %dma_wait3A_1454 = tpu.memref_squeeze %dma_wait3A_1453 : memref<1x64x128xf32, #tpu.memory_space<vmem>> -> memref<64x128xf32, #tpu.memory_space<vmem>>
    %dma_wait3A_1455 = arith.constant 0 : i32
    %dma_wait3A_1456 = tpu.memref_slice %arg9[%add3A_1332, %dma_wait3A_1455] : memref<16384x128xf32, #tpu.memory_space<hbm>> -> memref<64x128xf32, #tpu.memory_space<hbm>>
    %dma_wait3A_1457 = arith.constant 0 : i32
    %dma_wait3A_1458 = tpu.memref_slice %arg9[%add3A_1332, %dma_wait3A_1457] : memref<16384x128xf32, #tpu.memory_space<hbm>> -> memref<64x128xf32, #tpu.memory_space<hbm>>
    %dma_wait3A_1459 = arith.constant 0 : i32
    %dma_wait3A_1460 = arith.constant 0 : i32
    %dma_wait3A_1461 = tpu.memref_slice %arg15[%dma_wait3A_1450, %dma_wait3A_1459, %dma_wait3A_1460] : memref<2x64x128xf32, #tpu.memory_space<vmem>> -> memref<1x64x128xf32, #tpu.memory_space<vmem>>
    %dma_wait3A_1462 = tpu.memref_squeeze %dma_wait3A_1461 : memref<1x64x128xf32, #tpu.memory_space<vmem>> -> memref<64x128xf32, #tpu.memory_space<vmem>>
    tpu.wait_dma2 semaphore(%arg19 : memref<!tpu.dma_semaphore, #tpu.memory_space<semaphore_mem>>) src(%dma_wait3A_1462 : memref<64x128xf32, #tpu.memory_space<vmem>>) dst(%dma_wait3A_1458 : memref<64x128xf32, #tpu.memory_space<hbm>>)
    %dma_wait3A_1463 = arith.constant 1 : i32
    %dma_wait3A_1464 = arith.constant 0 : i32
    %dma_wait3A_1465 = arith.constant 0 : i32
    %dma_wait3A_1466 = tpu.memref_slice %arg16[%dma_wait3A_1463, %dma_wait3A_1464, %dma_wait3A_1465] : memref<2x64x128xf32, #tpu.memory_space<vmem>> -> memref<1x64x128xf32, #tpu.memory_space<vmem>>
    %dma_wait3A_1467 = tpu.memref_squeeze %dma_wait3A_1466 : memref<1x64x128xf32, #tpu.memory_space<vmem>> -> memref<64x128xf32, #tpu.memory_space<vmem>>
    %dma_wait3A_1468 = arith.constant 0 : i32
    %dma_wait3A_1469 = tpu.memref_slice %arg10[%add3A_1332, %dma_wait3A_1468] : memref<16384x128xf32, #tpu.memory_space<hbm>> -> memref<64x128xf32, #tpu.memory_space<hbm>>
    %dma_wait3A_1470 = arith.constant 0 : i32
    %dma_wait3A_1471 = tpu.memref_slice %arg10[%add3A_1332, %dma_wait3A_1470] : memref<16384x128xf32, #tpu.memory_space<hbm>> -> memref<64x128xf32, #tpu.memory_space<hbm>>
    %dma_wait3A_1472 = arith.constant 0 : i32
    %dma_wait3A_1473 = arith.constant 0 : i32
    %dma_wait3A_1474 = tpu.memref_slice %arg16[%dma_wait3A_1463, %dma_wait3A_1472, %dma_wait3A_1473] : memref<2x64x128xf32, #tpu.memory_space<vmem>> -> memref<1x64x128xf32, #tpu.memory_space<vmem>>
    %dma_wait3A_1475 = tpu.memref_squeeze %dma_wait3A_1474 : memref<1x64x128xf32, #tpu.memory_space<vmem>> -> memref<64x128xf32, #tpu.memory_space<vmem>>
    tpu.wait_dma2 semaphore(%arg19 : memref<!tpu.dma_semaphore, #tpu.memory_space<semaphore_mem>>) src(%dma_wait3A_1475 : memref<64x128xf32, #tpu.memory_space<vmem>>) dst(%dma_wait3A_1471 : memref<64x128xf32, #tpu.memory_space<hbm>>)
    %dma_wait3A_1476 = arith.constant 1 : i32
    %dma_wait3A_1477 = arith.constant 0 : i32
    %dma_wait3A_1478 = arith.constant 0 : i32
    %dma_wait3A_1479 = tpu.memref_slice %arg17[%dma_wait3A_1476, %dma_wait3A_1477, %dma_wait3A_1478] : memref<2x64x128xf32, #tpu.memory_space<vmem>> -> memref<1x64x128xf32, #tpu.memory_space<vmem>>
    %dma_wait3A_1480 = tpu.memref_squeeze %dma_wait3A_1479 : memref<1x64x128xf32, #tpu.memory_space<vmem>> -> memref<64x128xf32, #tpu.memory_space<vmem>>
    %dma_wait3A_1481 = arith.constant 0 : i32
    %dma_wait3A_1482 = tpu.memref_slice %arg11[%add3A_1332, %dma_wait3A_1481] : memref<16384x128xf32, #tpu.memory_space<hbm>> -> memref<64x128xf32, #tpu.memory_space<hbm>>
    %dma_wait3A_1483 = arith.constant 0 : i32
    %dma_wait3A_1484 = tpu.memref_slice %arg11[%add3A_1332, %dma_wait3A_1483] : memref<16384x128xf32, #tpu.memory_space<hbm>> -> memref<64x128xf32, #tpu.memory_space<hbm>>
    %dma_wait3A_1485 = arith.constant 0 : i32
    %dma_wait3A_1486 = arith.constant 0 : i32
    %dma_wait3A_1487 = tpu.memref_slice %arg17[%dma_wait3A_1476, %dma_wait3A_1485, %dma_wait3A_1486] : memref<2x64x128xf32, #tpu.memory_space<vmem>> -> memref<1x64x128xf32, #tpu.memory_space<vmem>>
    %dma_wait3A_1488 = tpu.memref_squeeze %dma_wait3A_1487 : memref<1x64x128xf32, #tpu.memory_space<vmem>> -> memref<64x128xf32, #tpu.memory_space<vmem>>
    tpu.wait_dma2 semaphore(%arg19 : memref<!tpu.dma_semaphore, #tpu.memory_space<semaphore_mem>>) src(%dma_wait3A_1488 : memref<64x128xf32, #tpu.memory_space<vmem>>) dst(%dma_wait3A_1484 : memref<64x128xf32, #tpu.memory_space<hbm>>)
    return
  }
}

module attributes {stable_mosaic.version = 14 : i64} {
  func.func @_repack_body(%arg0: i32, %arg1: memref<32x16384xf32, #tpu.memory_space<vmem>>, %arg2: memref<32x16384xf32, #tpu.memory_space<vmem>>, %arg3: memref<32x16384xf32, #tpu.memory_space<vmem>>, %arg4: memref<32x16384xf32, #tpu.memory_space<vmem>>, %arg5: memref<4096x128xf32, #tpu.memory_space<vmem>>, %arg6: memref<4096x128xf32, #tpu.memory_space<vmem>>, %arg7: memref<4096x128xf32, #tpu.memory_space<vmem>>, %arg8: memref<4096x128xf32, #tpu.memory_space<vmem>>) attributes {dimension_semantics = [#tpu.dimension_semantics<arbitrary>], iteration_bounds = array<i64: 62>, scalar_prefetch = 0 : i64, scratch_operands = 0 : i64, tpu.core_type = #tpu.core_type<tc>, window_params = [{transform_indices = @transform_0, window_bounds = array<i64: 32, 16384>}, {transform_indices = @transform_1, window_bounds = array<i64: 32, 16384>}, {transform_indices = @transform_2, window_bounds = array<i64: 32, 16384>}, {transform_indices = @transform_3, window_bounds = array<i64: 32, 16384>}, {transform_indices = @transform_4, window_bounds = array<i64: 4096, 128>}, {transform_indices = @transform_5, window_bounds = array<i64: 4096, 128>}, {transform_indices = @transform_6, window_bounds = array<i64: 4096, 128>}, {transform_indices = @transform_7, window_bounds = array<i64: 4096, 128>}]} {
    %get3A = arith.constant 0 : index
    %get3A_0 = arith.constant 0 : index
    %get3A_1 = vector.load %arg1[%get3A, %get3A_0] : memref<32x16384xf32, #tpu.memory_space<vmem>>, vector<32x16384xf32>
    %slice3A = vector.extract_strided_slice %get3A_1 {offsets = [0, 0], sizes = [32, 4096], strides = [1, 1]} : vector<32x16384xf32> to vector<32x4096xf32>
    %slice3A_2 = vector.extract_strided_slice %get3A_1 {offsets = [0, 4096], sizes = [32, 4096], strides = [1, 1]} : vector<32x16384xf32> to vector<32x4096xf32>
    %slice3A_3 = vector.extract_strided_slice %get3A_1 {offsets = [0, 8192], sizes = [32, 4096], strides = [1, 1]} : vector<32x16384xf32> to vector<32x4096xf32>
    %slice3A_4 = vector.extract_strided_slice %get3A_1 {offsets = [0, 12288], sizes = [32, 4096], strides = [1, 1]} : vector<32x16384xf32> to vector<32x4096xf32>
    %concatenate3A = tpu.concatenate %slice3A, %slice3A_2, %slice3A_3, %slice3A_4 in 0 : vector<32x4096xf32>, vector<32x4096xf32>, vector<32x4096xf32>, vector<32x4096xf32> -> vector<128x4096xf32>
    %transpose3A = tpu.transpose %concatenate3A, [1, 0] : vector<128x4096xf32> -> vector<4096x128xf32>
    %swap3A = arith.constant 0 : index
    %swap3A_5 = arith.constant 0 : index
    %swap3A_6 = vector.load %arg5[%swap3A, %swap3A_5] : memref<4096x128xf32, #tpu.memory_space<vmem>>, vector<4096x128xf32>
    tpu.vector_store %arg5[%swap3A, %swap3A_5], %transpose3A {strides = array<i32>} : memref<4096x128xf32, #tpu.memory_space<vmem>>, vector<4096x128xf32>,
    %get3A_7 = arith.constant 0 : index
    %get3A_8 = arith.constant 0 : index
    %get3A_9 = vector.load %arg2[%get3A_7, %get3A_8] : memref<32x16384xf32, #tpu.memory_space<vmem>>, vector<32x16384xf32>
    %slice3A_10 = vector.extract_strided_slice %get3A_9 {offsets = [0, 0], sizes = [32, 4096], strides = [1, 1]} : vector<32x16384xf32> to vector<32x4096xf32>
    %slice3A_11 = vector.extract_strided_slice %get3A_9 {offsets = [0, 4096], sizes = [32, 4096], strides = [1, 1]} : vector<32x16384xf32> to vector<32x4096xf32>
    %slice3A_12 = vector.extract_strided_slice %get3A_9 {offsets = [0, 8192], sizes = [32, 4096], strides = [1, 1]} : vector<32x16384xf32> to vector<32x4096xf32>
    %slice3A_13 = vector.extract_strided_slice %get3A_9 {offsets = [0, 12288], sizes = [32, 4096], strides = [1, 1]} : vector<32x16384xf32> to vector<32x4096xf32>
    %concatenate3A_14 = tpu.concatenate %slice3A_10, %slice3A_11, %slice3A_12, %slice3A_13 in 0 : vector<32x4096xf32>, vector<32x4096xf32>, vector<32x4096xf32>, vector<32x4096xf32> -> vector<128x4096xf32>
    %transpose3A_15 = tpu.transpose %concatenate3A_14, [1, 0] : vector<128x4096xf32> -> vector<4096x128xf32>
    %swap3A_16 = arith.constant 0 : index
    %swap3A_17 = arith.constant 0 : index
    %swap3A_18 = vector.load %arg6[%swap3A_16, %swap3A_17] : memref<4096x128xf32, #tpu.memory_space<vmem>>, vector<4096x128xf32>
    tpu.vector_store %arg6[%swap3A_16, %swap3A_17], %transpose3A_15 {strides = array<i32>} : memref<4096x128xf32, #tpu.memory_space<vmem>>, vector<4096x128xf32>,
    %get3A_19 = arith.constant 0 : index
    %get3A_20 = arith.constant 0 : index
    %get3A_21 = vector.load %arg3[%get3A_19, %get3A_20] : memref<32x16384xf32, #tpu.memory_space<vmem>>, vector<32x16384xf32>
    %slice3A_22 = vector.extract_strided_slice %get3A_21 {offsets = [0, 0], sizes = [32, 4096], strides = [1, 1]} : vector<32x16384xf32> to vector<32x4096xf32>
    %slice3A_23 = vector.extract_strided_slice %get3A_21 {offsets = [0, 4096], sizes = [32, 4096], strides = [1, 1]} : vector<32x16384xf32> to vector<32x4096xf32>
    %slice3A_24 = vector.extract_strided_slice %get3A_21 {offsets = [0, 8192], sizes = [32, 4096], strides = [1, 1]} : vector<32x16384xf32> to vector<32x4096xf32>
    %slice3A_25 = vector.extract_strided_slice %get3A_21 {offsets = [0, 12288], sizes = [32, 4096], strides = [1, 1]} : vector<32x16384xf32> to vector<32x4096xf32>
    %concatenate3A_26 = tpu.concatenate %slice3A_22, %slice3A_23, %slice3A_24, %slice3A_25 in 0 : vector<32x4096xf32>, vector<32x4096xf32>, vector<32x4096xf32>, vector<32x4096xf32> -> vector<128x4096xf32>
    %transpose3A_27 = tpu.transpose %concatenate3A_26, [1, 0] : vector<128x4096xf32> -> vector<4096x128xf32>
    %swap3A_28 = arith.constant 0 : index
    %swap3A_29 = arith.constant 0 : index
    %swap3A_30 = vector.load %arg7[%swap3A_28, %swap3A_29] : memref<4096x128xf32, #tpu.memory_space<vmem>>, vector<4096x128xf32>
    tpu.vector_store %arg7[%swap3A_28, %swap3A_29], %transpose3A_27 {strides = array<i32>} : memref<4096x128xf32, #tpu.memory_space<vmem>>, vector<4096x128xf32>,
    %get3A_31 = arith.constant 0 : index
    %get3A_32 = arith.constant 0 : index
    %get3A_33 = vector.load %arg4[%get3A_31, %get3A_32] : memref<32x16384xf32, #tpu.memory_space<vmem>>, vector<32x16384xf32>
    %slice3A_34 = vector.extract_strided_slice %get3A_33 {offsets = [0, 0], sizes = [32, 4096], strides = [1, 1]} : vector<32x16384xf32> to vector<32x4096xf32>
    %slice3A_35 = vector.extract_strided_slice %get3A_33 {offsets = [0, 4096], sizes = [32, 4096], strides = [1, 1]} : vector<32x16384xf32> to vector<32x4096xf32>
    %slice3A_36 = vector.extract_strided_slice %get3A_33 {offsets = [0, 8192], sizes = [32, 4096], strides = [1, 1]} : vector<32x16384xf32> to vector<32x4096xf32>
    %slice3A_37 = vector.extract_strided_slice %get3A_33 {offsets = [0, 12288], sizes = [32, 4096], strides = [1, 1]} : vector<32x16384xf32> to vector<32x4096xf32>
    %concatenate3A_38 = tpu.concatenate %slice3A_34, %slice3A_35, %slice3A_36, %slice3A_37 in 0 : vector<32x4096xf32>, vector<32x4096xf32>, vector<32x4096xf32>, vector<32x4096xf32> -> vector<128x4096xf32>
    %transpose3A_39 = tpu.transpose %concatenate3A_38, [1, 0] : vector<128x4096xf32> -> vector<4096x128xf32>
    %swap3A_40 = arith.constant 0 : index
    %swap3A_41 = arith.constant 0 : index
    %swap3A_42 = vector.load %arg8[%swap3A_40, %swap3A_41] : memref<4096x128xf32, #tpu.memory_space<vmem>>, vector<4096x128xf32>
    tpu.vector_store %arg8[%swap3A_40, %swap3A_41], %transpose3A_39 {strides = array<i32>} : memref<4096x128xf32, #tpu.memory_space<vmem>>, vector<4096x128xf32>,
    return
  }
  func.func @transform_0(%arg0: i32) -> (i32, i32) {
    %c0_i32 = arith.constant 0 : i32
    %c0_i32_0 = arith.constant 0 : i32
    return %c0_i32, %arg0 : i32, i32
  }
  func.func @transform_1(%arg0: i32) -> (i32, i32) {
    %c0_i32 = arith.constant 0 : i32
    %c0_i32_0 = arith.constant 0 : i32
    return %c0_i32, %arg0 : i32, i32
  }
  func.func @transform_2(%arg0: i32) -> (i32, i32) {
    %c0_i32 = arith.constant 0 : i32
    %c0_i32_0 = arith.constant 0 : i32
    return %c0_i32, %arg0 : i32, i32
  }
  func.func @transform_3(%arg0: i32) -> (i32, i32) {
    %c0_i32 = arith.constant 0 : i32
    %c0_i32_0 = arith.constant 0 : i32
    return %c0_i32, %arg0 : i32, i32
  }
  func.func @transform_4(%arg0: i32) -> (i32, i32) {
    %c0_i32 = arith.constant 0 : i32
    %c0_i32_0 = arith.constant 0 : i32
    return %arg0, %c0_i32 : i32, i32
  }
  func.func @transform_5(%arg0: i32) -> (i32, i32) {
    %c0_i32 = arith.constant 0 : i32
    %c0_i32_0 = arith.constant 0 : i32
    return %arg0, %c0_i32 : i32, i32
  }
  func.func @transform_6(%arg0: i32) -> (i32, i32) {
    %c0_i32 = arith.constant 0 : i32
    %c0_i32_0 = arith.constant 0 : i32
    return %arg0, %c0_i32 : i32, i32
  }
  func.func @transform_7(%arg0: i32) -> (i32, i32) {
    %c0_i32 = arith.constant 0 : i32
    %c0_i32_0 = arith.constant 0 : i32
    return %arg0, %c0_i32 : i32, i32
  }
}

module attributes {stable_mosaic.version = 14 : i64} {
  func.func @_mlp_body(%arg0: i32, %arg1: memref<2048x128xf32, #tpu.memory_space<vmem>>, %arg2: memref<2048x128xf32, #tpu.memory_space<vmem>>, %arg3: memref<2048x128xf32, #tpu.memory_space<vmem>>, %arg4: memref<2048x128xf32, #tpu.memory_space<vmem>>, %arg5: memref<2048x1xi32, #tpu.memory_space<vmem>>, %arg6: memref<2048x1xi32, #tpu.memory_space<vmem>>, %arg7: memref<64x64xf32, #tpu.memory_space<vmem>>, %arg8: memref<1x64xf32, #tpu.memory_space<vmem>>, %arg9: memref<64x32xf32, #tpu.memory_space<vmem>>, %arg10: memref<1x32xf32, #tpu.memory_space<vmem>>, %arg11: memref<32x16xf32, #tpu.memory_space<vmem>>, %arg12: memref<1x16xf32, #tpu.memory_space<vmem>>, %arg13: memref<48x1xf32, #tpu.memory_space<vmem>>, %arg14: memref<2048x1xf32, #tpu.memory_space<vmem>>) attributes {dimension_semantics = [#tpu.dimension_semantics<arbitrary>], iteration_bounds = array<i64: 8>, scalar_prefetch = 0 : i64, scratch_operands = 0 : i64, tpu.core_type = #tpu.core_type<tc>, window_params = [{transform_indices = @transform_0, window_bounds = array<i64: 2048, 128>}, {transform_indices = @transform_1, window_bounds = array<i64: 2048, 128>}, {transform_indices = @transform_2, window_bounds = array<i64: 2048, 128>}, {transform_indices = @transform_3, window_bounds = array<i64: 2048, 128>}, {transform_indices = @transform_4, window_bounds = array<i64: 2048, 1>}, {transform_indices = @transform_5, window_bounds = array<i64: 2048, 1>}, {pipeline_mode = #tpu.pipeline_mode<synchronous>, transform_indices = @transform_6, window_bounds = array<i64: 64, 64>}, {pipeline_mode = #tpu.pipeline_mode<synchronous>, transform_indices = @transform_7, window_bounds = array<i64: 1, 64>}, {pipeline_mode = #tpu.pipeline_mode<synchronous>, transform_indices = @transform_8, window_bounds = array<i64: 64, 32>}, {pipeline_mode = #tpu.pipeline_mode<synchronous>, transform_indices = @transform_9, window_bounds = array<i64: 1, 32>}, {pipeline_mode = #tpu.pipeline_mode<synchronous>, transform_indices = @transform_10, window_bounds = array<i64: 32, 16>}, {pipeline_mode = #tpu.pipeline_mode<synchronous>, transform_indices = @transform_11, window_bounds = array<i64: 1, 16>}, {pipeline_mode = #tpu.pipeline_mode<synchronous>, transform_indices = @transform_12, window_bounds = array<i64: 48, 1>}, {transform_indices = @transform_13, window_bounds = array<i64: 2048, 1>}]} {
    %get3A = arith.constant 0 : index
    %get3A_0 = arith.constant 0 : index
    %get3A_1 = vector.load %arg5[%get3A, %get3A_0] : memref<2048x1xi32, #tpu.memory_space<vmem>>, vector<2048x1xi32>
    %get3A_2 = arith.constant 0 : index
    %get3A_3 = arith.constant 0 : index
    %get3A_4 = vector.load %arg6[%get3A_2, %get3A_3] : memref<2048x1xi32, #tpu.memory_space<vmem>>, vector<2048x1xi32>
    %get3A_5 = arith.constant 0 : index
    %get3A_6 = arith.constant 0 : index
    %get3A_7 = vector.load %arg1[%get3A_5, %get3A_6] : memref<2048x128xf32, #tpu.memory_space<vmem>>, vector<2048x128xf32>
    %broadcast_in_dim3A = arith.constant 0.000000e+00 : f32
    %broadcast_in_dim3A_8 = vector.broadcast %broadcast_in_dim3A : f32 to vector<2048x32xf32>
    %eq3A = arith.constant 0 : i32
    %eq3A_9 = vector.broadcast %eq3A : i32 to vector<2048x1xi32>
    %eq3A_10 = arith.cmpi eq, %get3A_1, %eq3A_9 : vector<2048x1xi32>
    %slice3A = vector.extract_strided_slice %get3A_7 {offsets = [0, 0], sizes = [2048, 32], strides = [1, 1]} : vector<2048x128xf32> to vector<2048x32xf32>
    %broadcast_in_dim3A_11 = vector.shape_cast %eq3A_10 : vector<2048x1xi1> to vector<2048x1xi1>
    %broadcast_in_dim3A_12 = vector.broadcast %broadcast_in_dim3A_11 : vector<2048x1xi1> to vector<2048x32xi1>
    %select_n3A = arith.select %broadcast_in_dim3A_12, %slice3A, %broadcast_in_dim3A_8 : vector<2048x32xi1>, vector<2048x32xf32>
    %eq3A_13 = arith.constant 32 : i32
    %eq3A_14 = vector.broadcast %eq3A_13 : i32 to vector<2048x1xi32>
    %eq3A_15 = arith.cmpi eq, %get3A_1, %eq3A_14 : vector<2048x1xi32>
    %slice3A_16 = vector.extract_strided_slice %get3A_7 {offsets = [0, 32], sizes = [2048, 32], strides = [1, 1]} : vector<2048x128xf32> to vector<2048x32xf32>
    %broadcast_in_dim3A_17 = vector.shape_cast %eq3A_15 : vector<2048x1xi1> to vector<2048x1xi1>
    %broadcast_in_dim3A_18 = vector.broadcast %broadcast_in_dim3A_17 : vector<2048x1xi1> to vector<2048x32xi1>
    %select_n3A_19 = arith.select %broadcast_in_dim3A_18, %slice3A_16, %select_n3A : vector<2048x32xi1>, vector<2048x32xf32>
    %eq3A_20 = arith.constant 64 : i32
    %eq3A_21 = vector.broadcast %eq3A_20 : i32 to vector<2048x1xi32>
    %eq3A_22 = arith.cmpi eq, %get3A_1, %eq3A_21 : vector<2048x1xi32>
    %slice3A_23 = vector.extract_strided_slice %get3A_7 {offsets = [0, 64], sizes = [2048, 32], strides = [1, 1]} : vector<2048x128xf32> to vector<2048x32xf32>
    %broadcast_in_dim3A_24 = vector.shape_cast %eq3A_22 : vector<2048x1xi1> to vector<2048x1xi1>
    %broadcast_in_dim3A_25 = vector.broadcast %broadcast_in_dim3A_24 : vector<2048x1xi1> to vector<2048x32xi1>
    %select_n3A_26 = arith.select %broadcast_in_dim3A_25, %slice3A_23, %select_n3A_19 : vector<2048x32xi1>, vector<2048x32xf32>
    %eq3A_27 = arith.constant 96 : i32
    %eq3A_28 = vector.broadcast %eq3A_27 : i32 to vector<2048x1xi32>
    %eq3A_29 = arith.cmpi eq, %get3A_1, %eq3A_28 : vector<2048x1xi32>
    %slice3A_30 = vector.extract_strided_slice %get3A_7 {offsets = [0, 96], sizes = [2048, 32], strides = [1, 1]} : vector<2048x128xf32> to vector<2048x32xf32>
    %broadcast_in_dim3A_31 = vector.shape_cast %eq3A_29 : vector<2048x1xi1> to vector<2048x1xi1>
    %broadcast_in_dim3A_32 = vector.broadcast %broadcast_in_dim3A_31 : vector<2048x1xi1> to vector<2048x32xi1>
    %select_n3A_33 = arith.select %broadcast_in_dim3A_32, %slice3A_30, %select_n3A_26 : vector<2048x32xi1>, vector<2048x32xf32>
    %get3A_34 = arith.constant 0 : index
    %get3A_35 = arith.constant 0 : index
    %get3A_36 = vector.load %arg2[%get3A_34, %get3A_35] : memref<2048x128xf32, #tpu.memory_space<vmem>>, vector<2048x128xf32>
    %broadcast_in_dim3A_37 = arith.constant 0.000000e+00 : f32
    %broadcast_in_dim3A_38 = vector.broadcast %broadcast_in_dim3A_37 : f32 to vector<2048x32xf32>
    %eq3A_39 = arith.constant 0 : i32
    %eq3A_40 = vector.broadcast %eq3A_39 : i32 to vector<2048x1xi32>
    %eq3A_41 = arith.cmpi eq, %get3A_4, %eq3A_40 : vector<2048x1xi32>
    %slice3A_42 = vector.extract_strided_slice %get3A_36 {offsets = [0, 0], sizes = [2048, 32], strides = [1, 1]} : vector<2048x128xf32> to vector<2048x32xf32>
    %broadcast_in_dim3A_43 = vector.shape_cast %eq3A_41 : vector<2048x1xi1> to vector<2048x1xi1>
    %broadcast_in_dim3A_44 = vector.broadcast %broadcast_in_dim3A_43 : vector<2048x1xi1> to vector<2048x32xi1>
    %select_n3A_45 = arith.select %broadcast_in_dim3A_44, %slice3A_42, %broadcast_in_dim3A_38 : vector<2048x32xi1>, vector<2048x32xf32>
    %eq3A_46 = arith.constant 32 : i32
    %eq3A_47 = vector.broadcast %eq3A_46 : i32 to vector<2048x1xi32>
    %eq3A_48 = arith.cmpi eq, %get3A_4, %eq3A_47 : vector<2048x1xi32>
    %slice3A_49 = vector.extract_strided_slice %get3A_36 {offsets = [0, 32], sizes = [2048, 32], strides = [1, 1]} : vector<2048x128xf32> to vector<2048x32xf32>
    %broadcast_in_dim3A_50 = vector.shape_cast %eq3A_48 : vector<2048x1xi1> to vector<2048x1xi1>
    %broadcast_in_dim3A_51 = vector.broadcast %broadcast_in_dim3A_50 : vector<2048x1xi1> to vector<2048x32xi1>
    %select_n3A_52 = arith.select %broadcast_in_dim3A_51, %slice3A_49, %select_n3A_45 : vector<2048x32xi1>, vector<2048x32xf32>
    %eq3A_53 = arith.constant 64 : i32
    %eq3A_54 = vector.broadcast %eq3A_53 : i32 to vector<2048x1xi32>
    %eq3A_55 = arith.cmpi eq, %get3A_4, %eq3A_54 : vector<2048x1xi32>
    %slice3A_56 = vector.extract_strided_slice %get3A_36 {offsets = [0, 64], sizes = [2048, 32], strides = [1, 1]} : vector<2048x128xf32> to vector<2048x32xf32>
    %broadcast_in_dim3A_57 = vector.shape_cast %eq3A_55 : vector<2048x1xi1> to vector<2048x1xi1>
    %broadcast_in_dim3A_58 = vector.broadcast %broadcast_in_dim3A_57 : vector<2048x1xi1> to vector<2048x32xi1>
    %select_n3A_59 = arith.select %broadcast_in_dim3A_58, %slice3A_56, %select_n3A_52 : vector<2048x32xi1>, vector<2048x32xf32>
    %eq3A_60 = arith.constant 96 : i32
    %eq3A_61 = vector.broadcast %eq3A_60 : i32 to vector<2048x1xi32>
    %eq3A_62 = arith.cmpi eq, %get3A_4, %eq3A_61 : vector<2048x1xi32>
    %slice3A_63 = vector.extract_strided_slice %get3A_36 {offsets = [0, 96], sizes = [2048, 32], strides = [1, 1]} : vector<2048x128xf32> to vector<2048x32xf32>
    %broadcast_in_dim3A_64 = vector.shape_cast %eq3A_62 : vector<2048x1xi1> to vector<2048x1xi1>
    %broadcast_in_dim3A_65 = vector.broadcast %broadcast_in_dim3A_64 : vector<2048x1xi1> to vector<2048x32xi1>
    %select_n3A_66 = arith.select %broadcast_in_dim3A_65, %slice3A_63, %select_n3A_59 : vector<2048x32xi1>, vector<2048x32xf32>
    %get3A_67 = arith.constant 0 : index
    %get3A_68 = arith.constant 0 : index
    %get3A_69 = vector.load %arg3[%get3A_67, %get3A_68] : memref<2048x128xf32, #tpu.memory_space<vmem>>, vector<2048x128xf32>
    %broadcast_in_dim3A_70 = arith.constant 0.000000e+00 : f32
    %broadcast_in_dim3A_71 = vector.broadcast %broadcast_in_dim3A_70 : f32 to vector<2048x32xf32>
    %eq3A_72 = arith.constant 0 : i32
    %eq3A_73 = vector.broadcast %eq3A_72 : i32 to vector<2048x1xi32>
    %eq3A_74 = arith.cmpi eq, %get3A_1, %eq3A_73 : vector<2048x1xi32>
    %slice3A_75 = vector.extract_strided_slice %get3A_69 {offsets = [0, 0], sizes = [2048, 32], strides = [1, 1]} : vector<2048x128xf32> to vector<2048x32xf32>
    %broadcast_in_dim3A_76 = vector.shape_cast %eq3A_74 : vector<2048x1xi1> to vector<2048x1xi1>
    %broadcast_in_dim3A_77 = vector.broadcast %broadcast_in_dim3A_76 : vector<2048x1xi1> to vector<2048x32xi1>
    %select_n3A_78 = arith.select %broadcast_in_dim3A_77, %slice3A_75, %broadcast_in_dim3A_71 : vector<2048x32xi1>, vector<2048x32xf32>
    %eq3A_79 = arith.constant 32 : i32
    %eq3A_80 = vector.broadcast %eq3A_79 : i32 to vector<2048x1xi32>
    %eq3A_81 = arith.cmpi eq, %get3A_1, %eq3A_80 : vector<2048x1xi32>
    %slice3A_82 = vector.extract_strided_slice %get3A_69 {offsets = [0, 32], sizes = [2048, 32], strides = [1, 1]} : vector<2048x128xf32> to vector<2048x32xf32>
    %broadcast_in_dim3A_83 = vector.shape_cast %eq3A_81 : vector<2048x1xi1> to vector<2048x1xi1>
    %broadcast_in_dim3A_84 = vector.broadcast %broadcast_in_dim3A_83 : vector<2048x1xi1> to vector<2048x32xi1>
    %select_n3A_85 = arith.select %broadcast_in_dim3A_84, %slice3A_82, %select_n3A_78 : vector<2048x32xi1>, vector<2048x32xf32>
    %eq3A_86 = arith.constant 64 : i32
    %eq3A_87 = vector.broadcast %eq3A_86 : i32 to vector<2048x1xi32>
    %eq3A_88 = arith.cmpi eq, %get3A_1, %eq3A_87 : vector<2048x1xi32>
    %slice3A_89 = vector.extract_strided_slice %get3A_69 {offsets = [0, 64], sizes = [2048, 32], strides = [1, 1]} : vector<2048x128xf32> to vector<2048x32xf32>
    %broadcast_in_dim3A_90 = vector.shape_cast %eq3A_88 : vector<2048x1xi1> to vector<2048x1xi1>
    %broadcast_in_dim3A_91 = vector.broadcast %broadcast_in_dim3A_90 : vector<2048x1xi1> to vector<2048x32xi1>
    %select_n3A_92 = arith.select %broadcast_in_dim3A_91, %slice3A_89, %select_n3A_85 : vector<2048x32xi1>, vector<2048x32xf32>
    %eq3A_93 = arith.constant 96 : i32
    %eq3A_94 = vector.broadcast %eq3A_93 : i32 to vector<2048x1xi32>
    %eq3A_95 = arith.cmpi eq, %get3A_1, %eq3A_94 : vector<2048x1xi32>
    %slice3A_96 = vector.extract_strided_slice %get3A_69 {offsets = [0, 96], sizes = [2048, 32], strides = [1, 1]} : vector<2048x128xf32> to vector<2048x32xf32>
    %broadcast_in_dim3A_97 = vector.shape_cast %eq3A_95 : vector<2048x1xi1> to vector<2048x1xi1>
    %broadcast_in_dim3A_98 = vector.broadcast %broadcast_in_dim3A_97 : vector<2048x1xi1> to vector<2048x32xi1>
    %select_n3A_99 = arith.select %broadcast_in_dim3A_98, %slice3A_96, %select_n3A_92 : vector<2048x32xi1>, vector<2048x32xf32>
    %get3A_100 = arith.constant 0 : index
    %get3A_101 = arith.constant 0 : index
    %get3A_102 = vector.load %arg4[%get3A_100, %get3A_101] : memref<2048x128xf32, #tpu.memory_space<vmem>>, vector<2048x128xf32>
    %broadcast_in_dim3A_103 = arith.constant 0.000000e+00 : f32
    %broadcast_in_dim3A_104 = vector.broadcast %broadcast_in_dim3A_103 : f32 to vector<2048x32xf32>
    %eq3A_105 = arith.constant 0 : i32
    %eq3A_106 = vector.broadcast %eq3A_105 : i32 to vector<2048x1xi32>
    %eq3A_107 = arith.cmpi eq, %get3A_4, %eq3A_106 : vector<2048x1xi32>
    %slice3A_108 = vector.extract_strided_slice %get3A_102 {offsets = [0, 0], sizes = [2048, 32], strides = [1, 1]} : vector<2048x128xf32> to vector<2048x32xf32>
    %broadcast_in_dim3A_109 = vector.shape_cast %eq3A_107 : vector<2048x1xi1> to vector<2048x1xi1>
    %broadcast_in_dim3A_110 = vector.broadcast %broadcast_in_dim3A_109 : vector<2048x1xi1> to vector<2048x32xi1>
    %select_n3A_111 = arith.select %broadcast_in_dim3A_110, %slice3A_108, %broadcast_in_dim3A_104 : vector<2048x32xi1>, vector<2048x32xf32>
    %eq3A_112 = arith.constant 32 : i32
    %eq3A_113 = vector.broadcast %eq3A_112 : i32 to vector<2048x1xi32>
    %eq3A_114 = arith.cmpi eq, %get3A_4, %eq3A_113 : vector<2048x1xi32>
    %slice3A_115 = vector.extract_strided_slice %get3A_102 {offsets = [0, 32], sizes = [2048, 32], strides = [1, 1]} : vector<2048x128xf32> to vector<2048x32xf32>
    %broadcast_in_dim3A_116 = vector.shape_cast %eq3A_114 : vector<2048x1xi1> to vector<2048x1xi1>
    %broadcast_in_dim3A_117 = vector.broadcast %broadcast_in_dim3A_116 : vector<2048x1xi1> to vector<2048x32xi1>
    %select_n3A_118 = arith.select %broadcast_in_dim3A_117, %slice3A_115, %select_n3A_111 : vector<2048x32xi1>, vector<2048x32xf32>
    %eq3A_119 = arith.constant 64 : i32
    %eq3A_120 = vector.broadcast %eq3A_119 : i32 to vector<2048x1xi32>
    %eq3A_121 = arith.cmpi eq, %get3A_4, %eq3A_120 : vector<2048x1xi32>
    %slice3A_122 = vector.extract_strided_slice %get3A_102 {offsets = [0, 64], sizes = [2048, 32], strides = [1, 1]} : vector<2048x128xf32> to vector<2048x32xf32>
    %broadcast_in_dim3A_123 = vector.shape_cast %eq3A_121 : vector<2048x1xi1> to vector<2048x1xi1>
    %broadcast_in_dim3A_124 = vector.broadcast %broadcast_in_dim3A_123 : vector<2048x1xi1> to vector<2048x32xi1>
    %select_n3A_125 = arith.select %broadcast_in_dim3A_124, %slice3A_122, %select_n3A_118 : vector<2048x32xi1>, vector<2048x32xf32>
    %eq3A_126 = arith.constant 96 : i32
    %eq3A_127 = vector.broadcast %eq3A_126 : i32 to vector<2048x1xi32>
    %eq3A_128 = arith.cmpi eq, %get3A_4, %eq3A_127 : vector<2048x1xi32>
    %slice3A_129 = vector.extract_strided_slice %get3A_102 {offsets = [0, 96], sizes = [2048, 32], strides = [1, 1]} : vector<2048x128xf32> to vector<2048x32xf32>
    %broadcast_in_dim3A_130 = vector.shape_cast %eq3A_128 : vector<2048x1xi1> to vector<2048x1xi1>
    %broadcast_in_dim3A_131 = vector.broadcast %broadcast_in_dim3A_130 : vector<2048x1xi1> to vector<2048x32xi1>
    %select_n3A_132 = arith.select %broadcast_in_dim3A_131, %slice3A_129, %select_n3A_125 : vector<2048x32xi1>, vector<2048x32xf32>
    %mul3A = arith.mulf %select_n3A_33, %select_n3A_66 : vector<2048x32xf32>
    %get3A_133 = arith.constant 0 : index
    %get3A_134 = arith.constant 0 : index
    %get3A_135 = vector.load %arg7[%get3A_133, %get3A_134] : memref<64x64xf32, #tpu.memory_space<vmem>>, vector<64x64xf32>
    %slice3A_136 = vector.extract_strided_slice %get3A_135 {offsets = [0, 0], sizes = [32, 64], strides = [1, 1]} : vector<64x64xf32> to vector<32x64xf32>
    %dot_general3A = arith.constant dense<0.000000e+00> : vector<2048x64xf32>
    %dot_general3A_137 = tpu.matmul %select_n3A_99, %slice3A_136, %dot_general3A {dimension_numbers = #tpu.dot_dimension_numbers<[1], [0], [0], [1], [0, 0, 1, 1], [], []>, precision = #tpu.contract_precision<fp32>, transpose_lhs_hint = false} : vector<2048x32xf32>, vector<32x64xf32>, vector<2048x64xf32> -> vector<2048x64xf32>
    %slice3A_138 = vector.extract_strided_slice %get3A_135 {offsets = [32, 0], sizes = [32, 64], strides = [1, 1]} : vector<64x64xf32> to vector<32x64xf32>
    %dot_general3A_139 = arith.constant dense<0.000000e+00> : vector<2048x64xf32>
    %dot_general3A_140 = tpu.matmul %select_n3A_132, %slice3A_138, %dot_general3A_139 {dimension_numbers = #tpu.dot_dimension_numbers<[1], [0], [0], [1], [0, 0, 1, 1], [], []>, precision = #tpu.contract_precision<fp32>, transpose_lhs_hint = false} : vector<2048x32xf32>, vector<32x64xf32>, vector<2048x64xf32> -> vector<2048x64xf32>
    %add3A = arith.addf %dot_general3A_137, %dot_general3A_140 : vector<2048x64xf32>
    %get3A_141 = arith.constant 0 : index
    %get3A_142 = arith.constant 0 : index
    %get3A_143 = vector.load %arg8[%get3A_141, %get3A_142] : memref<1x64xf32, #tpu.memory_space<vmem>>, vector<1x64xf32>
    %add3A_144 = vector.broadcast %get3A_143 : vector<1x64xf32> to vector<2048x64xf32>
    %add3A_145 = arith.addf %add3A, %add3A_144 : vector<2048x64xf32>
    %max3A = arith.constant 0.000000e+00 : f32
    %max3A_146 = vector.broadcast %max3A : f32 to vector<2048x64xf32>
    %max3A_147 = arith.maximumf %add3A_145, %max3A_146 : vector<2048x64xf32>
    %get3A_148 = arith.constant 0 : index
    %get3A_149 = arith.constant 0 : index
    %get3A_150 = vector.load %arg9[%get3A_148, %get3A_149] : memref<64x32xf32, #tpu.memory_space<vmem>>, vector<64x32xf32>
    %dot_general3A_151 = arith.constant dense<0.000000e+00> : vector<2048x32xf32>
    %dot_general3A_152 = tpu.matmul %max3A_147, %get3A_150, %dot_general3A_151 {dimension_numbers = #tpu.dot_dimension_numbers<[1], [0], [0], [1], [0, 0, 1, 1], [], []>, precision = #tpu.contract_precision<fp32>, transpose_lhs_hint = false} : vector<2048x64xf32>, vector<64x32xf32>, vector<2048x32xf32> -> vector<2048x32xf32>
    %get3A_153 = arith.constant 0 : index
    %get3A_154 = arith.constant 0 : index
    %get3A_155 = vector.load %arg10[%get3A_153, %get3A_154] : memref<1x32xf32, #tpu.memory_space<vmem>>, vector<1x32xf32>
    %add3A_156 = vector.broadcast %get3A_155 : vector<1x32xf32> to vector<2048x32xf32>
    %add3A_157 = arith.addf %dot_general3A_152, %add3A_156 : vector<2048x32xf32>
    %max3A_158 = arith.constant 0.000000e+00 : f32
    %max3A_159 = vector.broadcast %max3A_158 : f32 to vector<2048x32xf32>
    %max3A_160 = arith.maximumf %add3A_157, %max3A_159 : vector<2048x32xf32>
    %get3A_161 = arith.constant 0 : index
    %get3A_162 = arith.constant 0 : index
    %get3A_163 = vector.load %arg11[%get3A_161, %get3A_162] : memref<32x16xf32, #tpu.memory_space<vmem>>, vector<32x16xf32>
    %dot_general3A_164 = arith.constant dense<0.000000e+00> : vector<2048x16xf32>
    %dot_general3A_165 = tpu.matmul %max3A_160, %get3A_163, %dot_general3A_164 {dimension_numbers = #tpu.dot_dimension_numbers<[1], [0], [0], [1], [0, 0, 1, 1], [], []>, precision = #tpu.contract_precision<fp32>, transpose_lhs_hint = false} : vector<2048x32xf32>, vector<32x16xf32>, vector<2048x16xf32> -> vector<2048x16xf32>
    %get3A_166 = arith.constant 0 : index
    %get3A_167 = arith.constant 0 : index
    %get3A_168 = vector.load %arg12[%get3A_166, %get3A_167] : memref<1x16xf32, #tpu.memory_space<vmem>>, vector<1x16xf32>
    %add3A_169 = vector.broadcast %get3A_168 : vector<1x16xf32> to vector<2048x16xf32>
    %add3A_170 = arith.addf %dot_general3A_165, %add3A_169 : vector<2048x16xf32>
    %max3A_171 = arith.constant 0.000000e+00 : f32
    %max3A_172 = vector.broadcast %max3A_171 : f32 to vector<2048x16xf32>
    %max3A_173 = arith.maximumf %add3A_170, %max3A_172 : vector<2048x16xf32>
    %get3A_174 = arith.constant 0 : index
    %get3A_175 = arith.constant 0 : index
    %get3A_176 = vector.load %arg13[%get3A_174, %get3A_175] : memref<48x1xf32, #tpu.memory_space<vmem>>, vector<48x1xf32>
    %slice3A_177 = vector.extract_strided_slice %get3A_176 {offsets = [0, 0], sizes = [32, 1], strides = [1, 1]} : vector<48x1xf32> to vector<32x1xf32>
    %dot_general3A_178 = arith.constant dense<0.000000e+00> : vector<2048x1xf32>
    %dot_general3A_179 = tpu.matmul %mul3A, %slice3A_177, %dot_general3A_178 {dimension_numbers = #tpu.dot_dimension_numbers<[1], [0], [0], [1], [0, 0, 1, 1], [], []>, precision = #tpu.contract_precision<fp32>, transpose_lhs_hint = false} : vector<2048x32xf32>, vector<32x1xf32>, vector<2048x1xf32> -> vector<2048x1xf32>
    %slice3A_180 = vector.extract_strided_slice %get3A_176 {offsets = [32, 0], sizes = [16, 1], strides = [1, 1]} : vector<48x1xf32> to vector<16x1xf32>
    %dot_general3A_181 = arith.constant dense<0.000000e+00> : vector<2048x1xf32>
    %dot_general3A_182 = tpu.matmul %max3A_173, %slice3A_180, %dot_general3A_181 {dimension_numbers = #tpu.dot_dimension_numbers<[1], [0], [0], [1], [0, 0, 1, 1], [], []>, precision = #tpu.contract_precision<fp32>, transpose_lhs_hint = false} : vector<2048x16xf32>, vector<16x1xf32>, vector<2048x1xf32> -> vector<2048x1xf32>
    %add3A_183 = arith.addf %dot_general3A_179, %dot_general3A_182 : vector<2048x1xf32>
    %swap3A = arith.constant 0 : index
    %swap3A_184 = arith.constant 0 : index
    %swap3A_185 = vector.load %arg14[%swap3A, %swap3A_184] : memref<2048x1xf32, #tpu.memory_space<vmem>>, vector<2048x1xf32>
    tpu.vector_store %arg14[%swap3A, %swap3A_184], %add3A_183 {strides = array<i32>} : memref<2048x1xf32, #tpu.memory_space<vmem>>, vector<2048x1xf32>,
    return
  }
  func.func @transform_0(%arg0: i32) -> (i32, i32) {
    %c0_i32 = arith.constant 0 : i32
    %c0_i32_0 = arith.constant 0 : i32
    return %arg0, %c0_i32 : i32, i32
  }
  func.func @transform_1(%arg0: i32) -> (i32, i32) {
    %c0_i32 = arith.constant 0 : i32
    %c0_i32_0 = arith.constant 0 : i32
    return %arg0, %c0_i32 : i32, i32
  }
  func.func @transform_2(%arg0: i32) -> (i32, i32) {
    %c0_i32 = arith.constant 0 : i32
    %c0_i32_0 = arith.constant 0 : i32
    return %arg0, %c0_i32 : i32, i32
  }
  func.func @transform_3(%arg0: i32) -> (i32, i32) {
    %c0_i32 = arith.constant 0 : i32
    %c0_i32_0 = arith.constant 0 : i32
    return %arg0, %c0_i32 : i32, i32
  }
  func.func @transform_4(%arg0: i32) -> (i32, i32) {
    %c0_i32 = arith.constant 0 : i32
    %c0_i32_0 = arith.constant 0 : i32
    return %arg0, %c0_i32 : i32, i32
  }
  func.func @transform_5(%arg0: i32) -> (i32, i32) {
    %c0_i32 = arith.constant 0 : i32
    %c0_i32_0 = arith.constant 0 : i32
    return %arg0, %c0_i32 : i32, i32
  }
  func.func @transform_6(%arg0: i32) -> (i32, i32) {
    %c0_i32 = arith.constant 0 : i32
    %c0_i32_0 = arith.constant 0 : i32
    %c0_i32_1 = arith.constant 0 : i32
    return %c0_i32, %c0_i32_0 : i32, i32
  }
  func.func @transform_7(%arg0: i32) -> (i32, i32) {
    %c0_i32 = arith.constant 0 : i32
    %c0_i32_0 = arith.constant 0 : i32
    %c0_i32_1 = arith.constant 0 : i32
    return %c0_i32, %c0_i32_0 : i32, i32
  }
  func.func @transform_8(%arg0: i32) -> (i32, i32) {
    %c0_i32 = arith.constant 0 : i32
    %c0_i32_0 = arith.constant 0 : i32
    %c0_i32_1 = arith.constant 0 : i32
    return %c0_i32, %c0_i32_0 : i32, i32
  }
  func.func @transform_9(%arg0: i32) -> (i32, i32) {
    %c0_i32 = arith.constant 0 : i32
    %c0_i32_0 = arith.constant 0 : i32
    %c0_i32_1 = arith.constant 0 : i32
    return %c0_i32, %c0_i32_0 : i32, i32
  }
  func.func @transform_10(%arg0: i32) -> (i32, i32) {
    %c0_i32 = arith.constant 0 : i32
    %c0_i32_0 = arith.constant 0 : i32
    %c0_i32_1 = arith.constant 0 : i32
    return %c0_i32, %c0_i32_0 : i32, i32
  }
  func.func @transform_11(%arg0: i32) -> (i32, i32) {
    %c0_i32 = arith.constant 0 : i32
    %c0_i32_0 = arith.constant 0 : i32
    %c0_i32_1 = arith.constant 0 : i32
    return %c0_i32, %c0_i32_0 : i32, i32
  }
  func.func @transform_12(%arg0: i32) -> (i32, i32) {
    %c0_i32 = arith.constant 0 : i32
    %c0_i32_0 = arith.constant 0 : i32
    %c0_i32_1 = arith.constant 0 : i32
    return %c0_i32, %c0_i32_0 : i32, i32
  }
  func.func @transform_13(%arg0: i32) -> (i32, i32) {
    %c0_i32 = arith.constant 0 : i32
    %c0_i32_0 = arith.constant 0 : i32
    return %arg0, %c0_i32 : i32, i32
  }
}

</mosaic_0001>

<sc_bundles>
// kernel: kernel.5.cloned.1.call-start
scs
__scs_entry_jumppad:
0x0: {  	(pc) =	sbr.rel $0x88, $3  }
0x1: {  	(tag) =	ssettag $0x0;
	lr =	simm.s32 $0x1  }
0x2: {  	[smem:$0x3F94] =	sst lr;
	_ =	strace $0xD0000000  }
0x3: {  	_ = 	snop  }
0x4: {  	_ = 	snop  }
0x5: {  	_ = 	snop  }
0x6: {  	_ = 	snop  }
0x7: {  	_ = 	snop  }
__scs_overlays_trampoline_lowered:
0x8: {  	[smem:$0x3FA3] =	sst s0  }
0x9: {  	[smem:$0x3FA4] =	sst s1  }
0xa: {  	[smem:$0x3FA5] =	sst s2  }
0xb: {  	[smem:$0x3FA6] =	sst s3  }
0xc: {  	[smem:$0x3FA7] =	sst s4  }
0xd: {  	[smem:$0x3FA8] =	sst s5  }
0xe: {  	[smem:$0x3FA9] =	sst s6  }
0xf: {  	[smem:$0x3FAA] =	sst s7  }
0x10: {  	[smem:$0x3FAB] =	sst s8  }
0x11: {  	[smem:$0x3FAC] =	sst s9;
	s0 =	simm.s32 @!p0 $0x0  }
0x12: {  	s1 =	sld [smem:$0x3F92];
	s0 =	simm.s32 @p0 $0x1  }
0x13: {  	[smem:$0x3FAD] =	sst s0;
	s0 =	simm.s32 @!p1 $0x0  }
0x14: {  	s2 =	sld [smem:$0x3F91];
	s0 =	simm.s32 @p1 $0x1  }
0x15: {  	[smem:$0x3FAE] =	sst s0;
	s0 =	simm.s32 @!p2 $0x0  }
0x16: {  	s3 =	sld [smem:$0x3FDB];
	s0 =	simm.s32 @p2 $0x1  }
0x17: {  	s4 =	simm.s32 $0x1BF5;
	[smem:$0x3FB0] =	sst s0  }
0x18: {  	s0 =	sld [smem:$0x3F93];
	_ =	swait.ge [sflag:s4], $0x0  }
0x19: {  	s7 =	sld [smem:$0x3F94]  }
0x1a: {  	s8 =	sadd.s32 $0xFFFFE003, lr  }
0x1b: {  	s9 =	sadd.s32 $0xFFFFFEF7, lr;
	s5 =	simm.s32 $0xFFFFFFFF;
	p2 =	slt.u32 s8, $0xFFFFF086  }
0x1c: {  	p1 =	slt.u32 s9, $0xF7A;
	s5 =	simm.s32 @!p2 $0x0  }
0x1d: {  	s5 =	simm.s32 @p1 $0x1;
	p0 =	seq.s32 s7, s2  }
0x1e: {  	s7 =	smul.u32 @!p0 $0xF7A, s2;
	p2 =	seq.s32 @!p0 s5, $0x0  }
0x1f: {  	s9 =	smul.u32 $0xF7A, s1;
	s8 =	simm.s32 @!p0 $0x1BF5;
	p2 =	por !p2, p0  }
0x20: {  	[sflag:s8] =	ssyncset.s32 @!p0 $0xFFFFF086;
	s6 =	sadd.s32 @!p0 s3, s7;
	s7 =	simm.s32 @!p0 $0x108  }
0x21: {  	s3 =	sadd.s32 s3, s9;
	s6 =	sadd.s32 @!p0 $0x88, s6;
	s7 =	simm.s32 @p2 $0x1082  }
0x22: {  	[simem:s7], [sflag:s8] =	dma.local @!p0 [hbm:s6], $0xF7A  }
0x23: {  	s9 =	sor.u32 $0xD0000000, s2;
	s6 =	simm.s32 $0x108;
	_ =	swait.ge @!p0 [sflag:s8], $0x0  }
0x24: {  	s3 =	sadd.s32 $0x88, s3;
	s6 =	simm.s32 @!p1 $0x1082;
	[sflag:s4] =	ssyncset.s32 $0xFFFFF086  }
0x25: {  	[simem:s6], [sflag:s4] =	dma.local [hbm:s3], $0xF7A  }
0x26: {  	[smem:$0x3F94] =	sst s1;
	(tag) =	ssettag s2;
	_ =	strace s9  }
0x27: {  	s1 =	sld [smem:$0x3FA4]  }
0x28: {  	s2 =	sld [smem:$0x3FA5]  }
0x29: {  	s4 =	sld [smem:$0x3FA7]  }
0x2a: {  	p0 =	seq.s32 s5, $0x0;
	s5 =	sld [smem:$0x3FA8]  }
0x2b: {  	s6 =	sld [smem:$0x3FA9]  }
0x2c: {  	s7 =	sld [smem:$0x3FAA]  }
0x2d: {  	s3 =	simm.s32 $0x108;
	s8 =	sld [smem:$0x3FAB]  }
0x2e: {  	s3 =	simm.s32 @!p0 $0x1082;
	s9 =	sld [smem:$0x3FAC]  }
0x2f: {  	lr =	sadd.s32 s0, s3;
	s0 =	sld [smem:$0x3FA3]  }
0x30: {  	s3 =	sld [smem:$0x3FA6]  }
0x31: {  	[smem:$0x3FAF] =	sst s10  }
0x32: {  	s10 =	sld [smem:$0x3FAD];
	_ =	sdelay $0x3  }
0x33: {  	p0 =	seq.s32 s10, $0x1;
	s10 =	sld [smem:$0x3FAF];
	_ =	sdelay $0x3  }
0x34: {  	[smem:$0x3FAF] =	sst s10  }
0x35: {  	s10 =	sld [smem:$0x3FAE];
	_ =	sdelay $0x3  }
0x36: {  	p1 =	seq.s32 s10, $0x1;
	s10 =	sld [smem:$0x3FAF];
	_ =	sdelay $0x3  }
0x37: {  	[smem:$0x3FAF] =	sst s10  }
0x38: {  	s10 =	sld [smem:$0x3FB0]  }
0x39: {  	_ = 	snop;
	(pc) =	sbr.ind lr, $3  }
0x3a: {  	_ = 	snop  }
0x3b: {  	_ = 	snop  }
0x3c: {  	p2 =	seq.s32 s10, $0x1;
	s10 =	sld [smem:$0x3FAF]  }
0x3d: {  	_ =	shalt  }
0x3e: {  	_ =	shalt  }
0x3f: {  	_ =	shalt  }
0x40: {  	_ =	shalt  }
0x41: {  	_ =	shalt  }
0x42: {  	_ =	shalt  }
0x43: {  	_ =	shalt  }
0x44: {  	_ =	shalt  }
0x45: {  	_ =	shalt  }
0x46: {  	_ =	shalt  }
0x47: {  	_ =	shalt  }
0x48: {  	_ =	shalt  }
0x49: {  	_ =	shalt  }
0x4a: {  	_ =	shalt  }
0x4b: {  	_ =	shalt  }
0x4c: {  	_ =	shalt  }
0x4d: {  	_ =	shalt  }
0x4e: {  	_ =	shalt  }
0x4f: {  	_ =	shalt  }
0x50: {  	_ =	shalt  }
0x51: {  	_ =	shalt  }
0x52: {  	_ =	shalt  }
0x53: {  	_ =	shalt  }
0x54: {  	_ =	shalt  }
0x55: {  	_ =	shalt  }
0x56: {  	_ =	shalt  }
0x57: {  	_ =	shalt  }
0x58: {  	_ =	shalt  }
0x59: {  	_ =	shalt  }
0x5a: {  	_ =	shalt  }
0x5b: {  	_ =	shalt  }
0x5c: {  	_ =	shalt  }
0x5d: {  	_ =	shalt  }
0x5e: {  	_ =	shalt  }
0x5f: {  	_ =	shalt  }
0x60: {  	_ =	shalt  }
0x61: {  	_ =	shalt  }
0x62: {  	_ =	shalt  }
0x63: {  	_ =	shalt  }
0x64: {  	_ =	shalt  }
0x65: {  	_ =	shalt  }
0x66: {  	_ =	shalt  }
0x67: {  	_ =	shalt  }
0x68: {  	_ =	shalt  }
0x69: {  	_ =	shalt  }
0x6a: {  	_ =	shalt  }
0x6b: {  	_ =	shalt  }
0x6c: {  	_ =	shalt  }
0x6d: {  	_ =	shalt  }
0x6e: {  	_ =	shalt  }
0x6f: {  	_ =	shalt  }
0x70: {  	_ =	shalt  }
0x71: {  	_ =	shalt  }
0x72: {  	_ =	shalt  }
0x73: {  	_ =	shalt  }
0x74: {  	_ =	shalt  }
0x75: {  	_ =	shalt  }
0x76: {  	_ =	shalt  }
0x77: {  	_ =	shalt  }
0x78: {  	_ =	shalt  }
0x79: {  	_ =	shalt  }
0x7a: {  	_ =	shalt  }
0x7b: {  	_ =	shalt  }
0x7c: {  	_ =	shalt  }
0x7d: {  	_ =	shalt  }
0x7e: {  	_ =	shalt  }
0x7f: {  	_ =	shalt  }
0x80: {  	_ =	shalt  }
0x81: {  	_ =	shalt  }
0x82: {  	_ =	shalt  }
0x83: {  	_ =	shalt  }
0x84: {  	_ =	shalt  }
0x85: {  	_ =	shalt  }
0x86: {  	_ =	shalt  }
0x87: {  	_ =	shalt  }
.Lfunc_end0:
.L_simem_size_0:
called_computation_lowered:
.L_overlay_start_0:
0x88: {  	s2 =	sld [smem:$0x3FD9]  }
0x89: {  	s3 =	sld [smem:$0x3FFE];
	_ =	sdelay $0x1  }
0x8a: {  	s1 =	srdreg.scid  }
0x8b: {  	s0 =	sand.u32 $0x1, s1  }
0x8c: {  	s16 =	sshll.u32 s0, $0xA;
	s2 =	sadd.s32 s3, s2  }
0x8d: {  	s2 =	sadd.s32 s2, s16  }
0x8e: {  	[smem:$0x3FBB] =	sst s2  }
0x8f: {  	_ = 	snop  }
0x90: {  	(tm) =	ssettm $0x1  }
0x91: {  	s17 =	sld [smem:$0x3FFB];
	_ =	sdelay $0x3  }
0x92: {  	_ =	strace s17  }
0x93: {  	s2 =	sld [smem:$0x3FFC];
	_ =	sdelay $0x3  }
0x94: {  	_ =	strace s2  }
0x95: {  	s2 =	sld [smem:$0x3FFD];
	_ =	sdelay $0x3  }
0x96: {  	_ =	strace s2  }
0x97: {  	_ =	strace $0x8FFFFFFF  }
0x98: {  	s18 =	sld [smem:$0x3FDB];
	_ =	sdelay $0x1  }
0x99: {  	s19 =	simm.s32 $_scs_section_size  }
0x9a: {  	s4 =	simm.s32 $_size__tile_overlayer_lowered;
	s5 =	simm.s32 $_tile_overlayer_lowered  }
0x9b: {  	s22 =	simm.s32 $0x1BFF;
	s21 =	sshll.u32 s5, $0x1;
	s2 =	sadd.s32 s19, s18  }
0x9c: {  	s6 =	simm.s32 $0x0;
	s20 =	sshll.u32 s4, $0x1;
	s4 =	sadd.s32 s21, s2  }
0x9d: {  	[timem:s6], [sflag:s22] =	dma.local [hbm:s4], s20  }
0x9e: {  	_ =	swait.ge [sflag:s22], s20  }
0x9f: {  	s3 =	ssub.s32 $0x0, s20;
	[sflag:s22] =	ssyncset.done $0x0  }
0xa0: {  	[sflag:s22] =	ssyncadd.s32 s3;
	_ =	sdelay $0x1  }
0xa1: {  	s23 =	simm.s32 $0x1B8B  }
0xa2: {  	_ =	swait.ge [sflag:s23], $0x1  }
0xa3: {  	[sflag:s23] =	ssyncset.done $0x0  }
0xa4: {  	s25 =	simm.s32 $0x1B8E;
	s24 =	sld [smem:$0x3FFE];
	[sflag:s23] =	ssyncadd.s32 $0xFFFFFFFF  }
0xa5: {  	s26 =	simm.s32 $execute0_lowered;
	[smem:$0x3FD2] =	sst s25  }
0xa6: {  	s4 =	sshll.u32 s26, $0x1;
	_ =	strace $0x80000046;
	[dreg:$0x1] =	wrdreg $0xFFFFFFFF  }
0xa7: {  	s28 =	simm.s32 $_size_execute0_lowered;
	s2 =	sadd.s32 s2, s4;
	[dreg:$0x0] =	wrdreg $0x0  }
0xa8: {  	s4 =	sshll.u32 s28, $0x1;
	[dreg:$0x2] =	wrdreg s2  }
0xa9: {  	[dreg:$0x3] =	wrdreg s4  }
0xaa: {  	[dreg:$0x4] =	wrdreg $0xC0  }
0xab: {  	_ =	task [dreg:s6], $0x5FFFF  }
0xac: {  	[dreg:$0x1] =	wrdreg $0xFFFFFFFF  }
0xad: {  	[dreg:$0x0] =	wrdreg $0x60  }
0xae: {  	[dreg:$0x2] =	wrdreg s24  }
0xaf: {  	[dreg:$0x3] =	wrdreg $0x9  }
0xb0: {  	_ =	task.clear_ibuf [dreg:s6], $0x4FFFF;
	_ =	strace $0x90000046  }
0xb1: {  	s29 =	simm.s32 $0x9;
	_ =	strace $0x80000048  }
0xb2: {  	_ =	swait.ge [sflag:s29], $0x1  }
0xb3: {  	[sflag:s29] =	ssyncadd.s32 $0xFFFFFFFF  }
0xb4: {  	_ =	strace $0x90000048  }
0xb5: {  	_ =	sfence  }
0xb6: {  	s30 =	sld [smem:$0x0];
	_ =	sdelay $0x2  }
0xb7: {  	s31 =	sshll.u32 s1, $0xD;
	s1 =	sshrl.u32 s1, $0x2  }
0xb8: {  	s3 =	sand.u32 $0x4000, s31;
	s1 =	sadd.s32 s1, s30  }
0xb9: {  	s0 =	sor.u32 s3, s0;
	s1 =	sshll.u32 s1, $0x11  }
0xba: {  	s0 =	sor.u32 s1, s0  }
0xbb: {  	s0 =	sadd.s32 $0x8F2B, s0  }
0xbc: {  	[sflag:s0] =	ssyncadd.remote.s32 $0x1  }
0xbd: {  	_ =	sfence.sel $0xFFFF  }
0xbe: {  	[dreg:$0x0] =	wrdreg $0xFFFFFFFF;
	(pc) =	sbr.abs _section_cstart, $3  }
0xbf: {  	[dreg:$0x1] =	wrdreg $0xFFFFFFFF  }
0xc0: {  	_ =	task.clear_ibuf [dreg:s6], $0x2FFFF;
	_ =	strace $0x9FFFFFFF  }
0xc1: {  	(tm) =	ssettm $0x7FFFFFFF  }
tec
execute0_lowered:
.L_overlay_start_1:
0x0: {  	(tag) =	ssettag $0x1  }
0x1: {  	s0 =	srdreg.scid  }
0x2: {  	s20 =	stileid.u32;
	s1 =	sand.u32 $0x1, s0  }
0x3: {  	s3 =	sshll.u32 s20, $0xA;
	s4 =	sshll.u32 s1, $0x9  }
0x4: {  	s2 =	simm.s32 $0x0;
	s0 =	rddreg [dreg:$0x0];
	s4 =	sor.u32 s4, s3  }
0x5: {  	s3 =	sshrl.u32 s4, $0x3;
	s7 =	sshll.u32 s4, $0x4;
	s4 =	sadd.s32 $0xFC3800, s0  }
0x6: {  	[smem:$0x7FF] =	sst s2;
	s5 =	sadd.s32 s3, s0;
	s8 =	sadd.s32 s4, s7  }
0x7: {  	_ =	strace $0x80000047;
	s6 =	sadd.s32 $0x2800, s5;
	[dreg:$0x5] =	wrdreg s8  }
0x8: {  	s3 =	sadd.s32 $0xF83800, s0;
	s5 =	sadd.s32 $0x3000, s5;
	[dreg:$0x2] =	wrdreg s6  }
0x9: {  	s9 =	sor.u32 $0x400, s7;
	s10 =	sadd.s32 s3, s7;
	[dreg:$0x3] =	wrdreg s5  }
0xa: {  	s31 =	simm.s32 $0x200;
	s13 =	sadd.s32 s3, s9;
	[dreg:$0x4] =	wrdreg s10  }
0xb: {  	s17 =	sor.u32 $0x800, s7;
	s14 =	sadd.s32 s4, s9;
	[dreg:$0x8] =	wrdreg s13  }
0xc: {  	s30 =	simm.s32 $0x2C0;
	s18 =	sadd.s32 s3, s17;
	[dreg:$0x9] =	wrdreg s14  }
0xd: {  	s23 =	sor.u32 $0xC00, s7;
	s19 =	sadd.s32 s4, s17;
	[dreg:$0xc] =	wrdreg s18  }
0xe: {  	p0 =	por $0x0, $0x0;
	s24 =	sadd.s32 s3, s23;
	[dreg:$0xd] =	wrdreg s19  }
0xf: {  	s25 =	sadd.s32 s4, s23;
	s5 =	sadd.s32 $0x1003800, s0;
	[dreg:$0x10] =	wrdreg s24  }
0x10: {  	s6 =	sadd.s32 $0x1043800, s0;
	[dreg:$0x11] =	wrdreg s25;
	s11 =	sadd.s32 s5, s7  }
0x11: {  	s29 =	simm.s32 $0x100;
	s12 =	sadd.s32 s6, s7;
	[dreg:$0x6] =	wrdreg s11  }
0x12: {  	s28 =	simm.s32 $0x300;
	s15 =	sadd.s32 s5, s9;
	[dreg:$0x7] =	wrdreg s12  }
0x13: {  	s1 =	ssub.s32 $0x2, s1;
	s16 =	sadd.s32 s6, s9;
	[dreg:$0xa] =	wrdreg s15  }
0x14: {  	s8 =	sadd.s32 $0x3800, s0;
	s21 =	sadd.s32 s5, s17;
	[dreg:$0xb] =	wrdreg s16  }
0x15: {  	s10 =	sor.u32 $0x1000, s7;
	s22 =	sadd.s32 s6, s17;
	[dreg:$0xe] =	wrdreg s21  }
0x16: {  	s24 =	sshrl.u32 s1, $0x1;
	s26 =	sadd.s32 s5, s23;
	[dreg:$0xf] =	wrdreg s22  }
0x17: {  	s9 =	sadd.s32 s6, s23;
	s13 =	sadd.s32 s5, s10;
	[dreg:$0x12] =	wrdreg s26  }
0x18: {  	s14 =	sadd.s32 s6, s10;
	s1 =	ssub.s32 s1, s24;
	[dreg:$0x13] =	wrdreg s9  }
0x19: {  	s24 =	simm.s32 $0x180;
	s11 =	sadd.s32 s3, s10;
	[dreg:$0x16] =	wrdreg s13  }
0x1a: {  	s12 =	sadd.s32 s4, s10;
	s15 =	sor.u32 $0x1400, s7;
	[dreg:$0x17] =	wrdreg s14  }
0x1b: {  	s21 =	sor.u32 $0x1800, s7;
	s7 =	sor.u32 $0x1C00, s7;
	[dreg:$0x14] =	wrdreg s11  }
0x1c: {  	s13 =	sadd.s32 $0x7C3800, s0;
	[dreg:$0x15] =	wrdreg s12;
	s16 =	sadd.s32 s3, s15  }
0x1d: {  	s14 =	simm.s32 $0x400;
	s17 =	sadd.s32 s4, s15;
	[dreg:$0x18] =	wrdreg s16  }
0x1e: {  	s18 =	sadd.s32 s5, s15;
	s19 =	sadd.s32 s6, s15;
	[dreg:$0x19] =	wrdreg s17  }
0x1f: {  	s10 =	sadd.s32 s3, s21;
	s11 =	sadd.s32 s4, s21;
	[dreg:$0x1a] =	wrdreg s18  }
0x20: {  	s22 =	sadd.s32 s5, s21;
	s9 =	sadd.s32 s6, s21;
	[dreg:$0x1b] =	wrdreg s19  }
0x21: {  	s3 =	sadd.s32 s3, s7;
	s23 =	sadd.s32 s4, s7;
	[dreg:$0x1c] =	wrdreg s10  }
0x22: {  	s25 =	sadd.s32 s5, s7;
	s26 =	sadd.s32 s6, s7;
	[dreg:$0x1d] =	wrdreg s11  }
0x23: {  	s15 =	simm.s32 $0x4400;
	s12 =	simm.s32 $0xC400;
	[dreg:$0x1e] =	wrdreg s22  }
0x24: {  	s6 =	simm.s32 $0x2400;
	s4 =	simm.s32 $0xA400;
	[dreg:$0x1f] =	wrdreg s9  }
0x25: {  	s7 =	simm.s32 $0x6400;
	s5 =	simm.s32 $0xE400;
	[smem:$0x7FA] =	sst s3  }
0x26: {  	s21 =	simm.s32 $0x3C0;
	[smem:$0x7FB] =	sst s23;
	s18 =	smax.u32 s1, $0x1  }
0x27: {  	s10 =	sadd.s32 $0x3E3800, s0;
	[smem:$0x7FC] =	sst s25;
	p1 =	sne.s32 s18, $0x1  }
.Ltmp0:
0x28: {  	s16 =	sadd.s32 $0xBA3800, s0;
	[smem:$0x7FD] =	sst s26;
	(pc) =	sbr.rel @!p1 .LBB2_5-.Ltmp0, $4  }
0x29: {  	s1 =	simm.s32 $0x3;
	s17 =	simm.s32 $0x40;
	s11 =	simm.s32 $0x8400  }
0x2a: {  	s9 =	simm.s32 $0x1;
	s3 =	simm.s32 $0x2;
	s0 =	simm.s32 $0xC0  }
0x2b: {  	s26 =	simm.s32 $0x140;
	s25 =	simm.s32 $0x340;
	s23 =	simm.s32 $0x380  }
0x2c: {  	s22 =	simm.s32 $0x1C0;
	s19 =	rddreg [dreg:$0x2];
	s18 =	sadd.s32 $0xFFFFFFFF, s18  }
0x2d: {  	[tilespmem:s2], [sflag:$0x3] =	stream.linear.gather [hbm4b:s19+s2], $0x200, $0x38;
	[tilespmem:$0x10400] =	vst v63  }
0x2e: {  	_ =	swait.ge [sflag:s1], $0x200  }
0x2f: {  	[sflag:s1] =	ssyncset.done $0x0  }
0x30: {  	s20 =	rddreg [dreg:$0x3];
	[sflag:s1] =	ssyncadd.s32 $0xFFFFFE00  }
0x31: {  	[tilespmem:s31], [sflag:$0x3] =	stream.linear.gather [hbm4b:s20+s2], $0x200, $0x38;
	[tilespmem:$0x10400] =	vst v63  }
0x32: {  	_ =	swait.ge [sflag:s1], $0x200  }
0x33: {  	[sflag:s1] =	ssyncset.done $0x0  }
0x34: {  	[sflag:s1] =	ssyncadd.s32 $0xFFFFFE00  }
0x35: {  	[tilespmem:s14], [sflag:$0x1] =	stream.indirect.gather [hbm4b:s8+s17], $0x80, s2, s17, $0xb8;
	[tilespmem:$0x10400] =	vst v63  }
0x36: {  	_ = 	snop  }
0x37: {  	[tilespmem:s11], [sflag:$0x1] =	stream.indirect.gather [hbm4b:s13+s17], $0x80, s2, s17, $0xb8;
	[tilespmem:$0x10400] =	vst v63  }
0x38: {  	_ = 	snop  }
0x39: {  	[tilespmem:s15], [sflag:$0x1] =	stream.indirect.gather [hbm4b:s10+s17], $0x80, s31, s17, $0xb8;
	[tilespmem:$0x10400] =	vst v63  }
0x3a: {  	_ = 	snop  }
0x3b: {  	[tilespmem:s12], [sflag:$0x1] =	stream.indirect.gather [hbm4b:s16+s17], $0x80, s31, s17, $0xb8;
	[tilespmem:$0x10400] =	vst v63  }
0x3c: {  	_ = 	snop  }
0x3d: {  	[tilespmem:s6], [sflag:$0x1] =	stream.indirect.gather [hbm4b:s8+s17], $0x80, s17, s17, $0xb8;
	[tilespmem:$0x10400] =	vst v63  }
0x3e: {  	_ = 	snop  }
0x3f: {  	[tilespmem:s4], [sflag:$0x1] =	stream.indirect.gather [hbm4b:s13+s17], $0x80, s17, s17, $0xb8;
	[tilespmem:$0x10400] =	vst v63  }
0x40: {  	s19 =	simm.s32 $0x240  }
0x41: {  	[tilespmem:s7], [sflag:$0x1] =	stream.indirect.gather [hbm4b:s10+s17], $0x80, s19, s17, $0xb8;
	[tilespmem:$0x10400] =	vst v63  }
0x42: {  	_ = 	snop  }
0x43: {  	[tilespmem:s5], [sflag:$0x1] =	stream.indirect.gather [hbm4b:s16+s17], $0x80, s19, s17, $0xb8;
	[tilespmem:$0x10400] =	vst v63  }
0x44: {  	_ =	swait.ge [sflag:s9], $0x2000  }
0x45: {  	[sflag:s9] =	ssyncset.done $0x0  }
0x46: {  	[sflag:s9] =	ssyncadd.s32 $0xFFFFE000  }
0x47: {  	_ =	swait.ge [sflag:s9], $0x2000  }
0x48: {  	[sflag:s9] =	ssyncset.done $0x0  }
0x49: {  	[sflag:s9] =	ssyncadd.s32 $0xFFFFE000  }
0x4a: {  	_ =	swait.ge [sflag:s9], $0x2000  }
0x4b: {  	[sflag:s9] =	ssyncset.done $0x0  }
0x4c: {  	[sflag:s9] =	ssyncadd.s32 $0xFFFFE000  }
0x4d: {  	_ =	swait.ge [sflag:s9], $0x2000  }
0x4e: {  	[sflag:s9] =	ssyncset.done $0x0  }
0x4f: {  	s19 =	rddreg [dreg:$0x4];
	[sflag:s9] =	ssyncadd.s32 $0xFFFFE000  }
0x50: {  	[hbm4b:s19+s2] =	stream.linear.scatter [tilespmem:s14], [sflag:$0x2], $0x2000, $0x38;
	[tilespmem:$0x10400] =	vst v63  }
0x51: {  	s20 =	smov.u32 s18;
	s18 =	rddreg [dreg:$0x5]  }
0x52: {  	[hbm4b:s18+s2] =	stream.linear.scatter [tilespmem:s15], [sflag:$0x2], $0x2000, $0x38;
	[tilespmem:$0x10400] =	vst v63  }
0x53: {  	s19 =	rddreg [dreg:$0x6]  }
0x54: {  	[hbm4b:s19+s2] =	stream.linear.scatter [tilespmem:s11], [sflag:$0x2], $0x2000, $0x38;
	[tilespmem:$0x10400] =	vst v63  }
0x55: {  	s18 =	rddreg [dreg:$0x7]  }
0x56: {  	[hbm4b:s18+s2] =	stream.linear.scatter [tilespmem:s12], [sflag:$0x2], $0x2000, $0x38;
	[tilespmem:$0x10400] =	vst v63  }
0x57: {  	_ =	swait.ge [sflag:s3], $0x2000  }
0x58: {  	[sflag:s3] =	ssyncset.done $0x0  }
0x59: {  	[sflag:s3] =	ssyncadd.s32 $0xFFFFE000  }
0x5a: {  	_ =	swait.ge [sflag:s3], $0x2000  }
0x5b: {  	[sflag:s3] =	ssyncset.done $0x0  }
0x5c: {  	[sflag:s3] =	ssyncadd.s32 $0xFFFFE000  }
0x5d: {  	_ =	swait.ge [sflag:s3], $0x2000  }
0x5e: {  	[sflag:s3] =	ssyncset.done $0x0  }
0x5f: {  	[sflag:s3] =	ssyncadd.s32 $0xFFFFE000  }
0x60: {  	_ =	swait.ge [sflag:s3], $0x2000  }
0x61: {  	[sflag:s3] =	ssyncset.done $0x0  }
0x62: {  	s19 =	simm.s32 $0x80;
	[sflag:s3] =	ssyncadd.s32 $0xFFFFE000  }
0x63: {  	[tilespmem:s14], [sflag:$0x1] =	stream.indirect.gather [hbm4b:s8+s17], $0x80, s19, s17, $0xb8;
	[tilespmem:$0x10400] =	vst v63  }
0x64: {  	_ = 	snop  }
0x65: {  	[tilespmem:s11], [sflag:$0x1] =	stream.indirect.gather [hbm4b:s13+s17], $0x80, s19, s17, $0xb8;
	[tilespmem:$0x10400] =	vst v63  }
0x66: {  	s19 =	simm.s32 $0x280  }
0x67: {  	[tilespmem:s15], [sflag:$0x1] =	stream.indirect.gather [hbm4b:s10+s17], $0x80, s19, s17, $0xb8;
	[tilespmem:$0x10400] =	vst v63  }
0x68: {  	_ = 	snop  }
0x69: {  	[tilespmem:s12], [sflag:$0x1] =	stream.indirect.gather [hbm4b:s16+s17], $0x80, s19, s17, $0xb8;
	[tilespmem:$0x10400] =	vst v63  }
0x6a: {  	_ =	swait.ge [sflag:s9], $0x2000  }
0x6b: {  	[sflag:s9] =	ssyncset.done $0x0  }
0x6c: {  	[sflag:s9] =	ssyncadd.s32 $0xFFFFE000  }
0x6d: {  	_ =	swait.ge [sflag:s9], $0x2000  }
0x6e: {  	[sflag:s9] =	ssyncset.done $0x0  }
0x6f: {  	[sflag:s9] =	ssyncadd.s32 $0xFFFFE000  }
0x70: {  	_ =	swait.ge [sflag:s9], $0x2000  }
0x71: {  	[sflag:s9] =	ssyncset.done $0x0  }
0x72: {  	[sflag:s9] =	ssyncadd.s32 $0xFFFFE000  }
0x73: {  	_ =	swait.ge [sflag:s9], $0x2000  }
0x74: {  	[sflag:s9] =	ssyncset.done $0x0  }
0x75: {  	s18 =	rddreg [dreg:$0x8];
	[sflag:s9] =	ssyncadd.s32 $0xFFFFE000  }
0x76: {  	[hbm4b:s18+s2] =	stream.linear.scatter [tilespmem:s6], [sflag:$0x2], $0x2000, $0x38;
	[tilespmem:$0x10400] =	vst v63  }
0x77: {  	s19 =	rddreg [dreg:$0x9]  }
0x78: {  	[hbm4b:s19+s2] =	stream.linear.scatter [tilespmem:s7], [sflag:$0x2], $0x2000, $0x38;
	[tilespmem:$0x10400] =	vst v63  }
0x79: {  	s18 =	rddreg [dreg:$0xa]  }
0x7a: {  	[hbm4b:s18+s2] =	stream.linear.scatter [tilespmem:s4], [sflag:$0x2], $0x2000, $0x38;
	[tilespmem:$0x10400] =	vst v63  }
0x7b: {  	s19 =	rddreg [dreg:$0xb]  }
0x7c: {  	[hbm4b:s19+s2] =	stream.linear.scatter [tilespmem:s5], [sflag:$0x2], $0x2000, $0x38;
	[tilespmem:$0x10400] =	vst v63  }
0x7d: {  	_ =	swait.ge [sflag:s3], $0x2000  }
0x7e: {  	[sflag:s3] =	ssyncset.done $0x0  }
0x7f: {  	[sflag:s3] =	ssyncadd.s32 $0xFFFFE000  }
0x80: {  	_ =	swait.ge [sflag:s3], $0x2000  }
0x81: {  	[sflag:s3] =	ssyncset.done $0x0  }
0x82: {  	[sflag:s3] =	ssyncadd.s32 $0xFFFFE000  }
0x83: {  	_ =	swait.ge [sflag:s3], $0x2000  }
0x84: {  	[sflag:s3] =	ssyncset.done $0x0  }
0x85: {  	[sflag:s3] =	ssyncadd.s32 $0xFFFFE000  }
0x86: {  	_ =	swait.ge [sflag:s3], $0x2000  }
0x87: {  	[sflag:s3] =	ssyncset.done $0x0  }
0x88: {  	[sflag:s3] =	ssyncadd.s32 $0xFFFFE000  }
0x89: {  	[tilespmem:s6], [sflag:$0x1] =	stream.indirect.gather [hbm4b:s8+s17], $0x80, s0, s17, $0xb8;
	[tilespmem:$0x10400] =	vst v63  }
0x8a: {  	_ = 	snop  }
0x8b: {  	[tilespmem:s4], [sflag:$0x1] =	stream.indirect.gather [hbm4b:s13+s17], $0x80, s0, s17, $0xb8;
	[tilespmem:$0x10400] =	vst v63  }
0x8c: {  	_ = 	snop  }
0x8d: {  	[tilespmem:s7], [sflag:$0x1] =	stream.indirect.gather [hbm4b:s10+s17], $0x80, s30, s17, $0xb8;
	[tilespmem:$0x10400] =	vst v63  }
0x8e: {  	_ = 	snop  }
0x8f: {  	[tilespmem:s5], [sflag:$0x1] =	stream.indirect.gather [hbm4b:s16+s17], $0x80, s30, s17, $0xb8;
	[tilespmem:$0x10400] =	vst v63  }
0x90: {  	_ =	swait.ge [sflag:s9], $0x2000  }
0x91: {  	[sflag:s9] =	ssyncset.done $0x0  }
0x92: {  	[sflag:s9] =	ssyncadd.s32 $0xFFFFE000  }
0x93: {  	_ =	swait.ge [sflag:s9], $0x2000  }
0x94: {  	[sflag:s9] =	ssyncset.done $0x0  }
0x95: {  	[sflag:s9] =	ssyncadd.s32 $0xFFFFE000  }
0x96: {  	_ =	swait.ge [sflag:s9], $0x2000  }
0x97: {  	[sflag:s9] =	ssyncset.done $0x0  }
0x98: {  	[sflag:s9] =	ssyncadd.s32 $0xFFFFE000  }
0x99: {  	_ =	swait.ge [sflag:s9], $0x2000  }
0x9a: {  	[sflag:s9] =	ssyncset.done $0x0  }
0x9b: {  	s18 =	rddreg [dreg:$0xc];
	[sflag:s9] =	ssyncadd.s32 $0xFFFFE000  }
0x9c: {  	[hbm4b:s18+s2] =	stream.linear.scatter [tilespmem:s14], [sflag:$0x2], $0x2000, $0x38;
	[tilespmem:$0x10400] =	vst v63  }
0x9d: {  	s19 =	rddreg [dreg:$0xd]  }
0x9e: {  	[hbm4b:s19+s2] =	stream.linear.scatter [tilespmem:s15], [sflag:$0x2], $0x2000, $0x38;
	[tilespmem:$0x10400] =	vst v63  }
0x9f: {  	s18 =	rddreg [dreg:$0xe]  }
0xa0: {  	[hbm4b:s18+s2] =	stream.linear.scatter [tilespmem:s11], [sflag:$0x2], $0x2000, $0x38;
	[tilespmem:$0x10400] =	vst v63  }
0xa1: {  	s19 =	rddreg [dreg:$0xf]  }
0xa2: {  	[hbm4b:s19+s2] =	stream.linear.scatter [tilespmem:s12], [sflag:$0x2], $0x2000, $0x38;
	[tilespmem:$0x10400] =	vst v63  }
0xa3: {  	_ =	swait.ge [sflag:s3], $0x2000  }
0xa4: {  	[sflag:s3] =	ssyncset.done $0x0  }
0xa5: {  	[sflag:s3] =	ssyncadd.s32 $0xFFFFE000  }
0xa6: {  	_ =	swait.ge [sflag:s3], $0x2000  }
0xa7: {  	[sflag:s3] =	ssyncset.done $0x0  }
0xa8: {  	[sflag:s3] =	ssyncadd.s32 $0xFFFFE000  }
0xa9: {  	_ =	swait.ge [sflag:s3], $0x2000  }
0xaa: {  	[sflag:s3] =	ssyncset.done $0x0  }
0xab: {  	[sflag:s3] =	ssyncadd.s32 $0xFFFFE000  }
0xac: {  	_ =	swait.ge [sflag:s3], $0x2000  }
0xad: {  	[sflag:s3] =	ssyncset.done $0x0  }
0xae: {  	[sflag:s3] =	ssyncadd.s32 $0xFFFFE000  }
0xaf: {  	[tilespmem:s14], [sflag:$0x1] =	stream.indirect.gather [hbm4b:s8+s17], $0x80, s29, s17, $0xb8;
	[tilespmem:$0x10400] =	vst v63  }
0xb0: {  	_ = 	snop  }
0xb1: {  	[tilespmem:s11], [sflag:$0x1] =	stream.indirect.gather [hbm4b:s13+s17], $0x80, s29, s17, $0xb8;
	[tilespmem:$0x10400] =	vst v63  }
0xb2: {  	_ = 	snop  }
0xb3: {  	[tilespmem:s15], [sflag:$0x1] =	stream.indirect.gather [hbm4b:s10+s17], $0x80, s28, s17, $0xb8;
	[tilespmem:$0x10400] =	vst v63  }
0xb4: {  	_ = 	snop  }
0xb5: {  	[tilespmem:s12], [sflag:$0x1] =	stream.indirect.gather [hbm4b:s16+s17], $0x80, s28, s17, $0xb8;
	[tilespmem:$0x10400] =	vst v63  }
0xb6: {  	_ =	swait.ge [sflag:s9], $0x2000  }
0xb7: {  	[sflag:s9] =	ssyncset.done $0x0  }
0xb8: {  	[sflag:s9] =	ssyncadd.s32 $0xFFFFE000  }
0xb9: {  	_ =	swait.ge [sflag:s9], $0x2000  }
0xba: {  	[sflag:s9] =	ssyncset.done $0x0  }
0xbb: {  	[sflag:s9] =	ssyncadd.s32 $0xFFFFE000  }
0xbc: {  	_ =	swait.ge [sflag:s9], $0x2000  }
0xbd: {  	[sflag:s9] =	ssyncset.done $0x0  }
0xbe: {  	[sflag:s9] =	ssyncadd.s32 $0xFFFFE000  }
0xbf: {  	_ =	swait.ge [sflag:s9], $0x2000  }
0xc0: {  	[sflag:s9] =	ssyncset.done $0x0  }
0xc1: {  	s18 =	rddreg [dreg:$0x10];
	[sflag:s9] =	ssyncadd.s32 $0xFFFFE000  }
0xc2: {  	[hbm4b:s18+s2] =	stream.linear.scatter [tilespmem:s6], [sflag:$0x2], $0x2000, $0x38;
	[tilespmem:$0x10400] =	vst v63  }
0xc3: {  	s19 =	rddreg [dreg:$0x11]  }
0xc4: {  	[hbm4b:s19+s2] =	stream.linear.scatter [tilespmem:s7], [sflag:$0x2], $0x2000, $0x38;
	[tilespmem:$0x10400] =	vst v63  }
0xc5: {  	s18 =	rddreg [dreg:$0x12]  }
0xc6: {  	[hbm4b:s18+s2] =	stream.linear.scatter [tilespmem:s4], [sflag:$0x2], $0x2000, $0x38;
	[tilespmem:$0x10400] =	vst v63  }
0xc7: {  	s19 =	rddreg [dreg:$0x13]  }
0xc8: {  	[hbm4b:s19+s2] =	stream.linear.scatter [tilespmem:s5], [sflag:$0x2], $0x2000, $0x38;
	[tilespmem:$0x10400] =	vst v63  }
0xc9: {  	_ =	swait.ge [sflag:s3], $0x2000  }
0xca: {  	[sflag:s3] =	ssyncset.done $0x0  }
0xcb: {  	[sflag:s3] =	ssyncadd.s32 $0xFFFFE000  }
0xcc: {  	_ =	swait.ge [sflag:s3], $0x2000  }
0xcd: {  	[sflag:s3] =	ssyncset.done $0x0  }
0xce: {  	[sflag:s3] =	ssyncadd.s32 $0xFFFFE000  }
0xcf: {  	_ =	swait.ge [sflag:s3], $0x2000  }
0xd0: {  	[sflag:s3] =	ssyncset.done $0x0  }
0xd1: {  	[sflag:s3] =	ssyncadd.s32 $0xFFFFE000  }
0xd2: {  	_ =	swait.ge [sflag:s3], $0x2000  }
0xd3: {  	[sflag:s3] =	ssyncset.done $0x0  }
0xd4: {  	[sflag:s3] =	ssyncadd.s32 $0xFFFFE000  }
0xd5: {  	[tilespmem:s6], [sflag:$0x1] =	stream.indirect.gather [hbm4b:s8+s17], $0x80, s26, s17, $0xb8;
	[tilespmem:$0x10400] =	vst v63  }
0xd6: {  	_ = 	snop  }
0xd7: {  	[tilespmem:s4], [sflag:$0x1] =	stream.indirect.gather [hbm4b:s13+s17], $0x80, s26, s17, $0xb8;
	[tilespmem:$0x10400] =	vst v63  }
0xd8: {  	_ = 	snop  }
0xd9: {  	[tilespmem:s7], [sflag:$0x1] =	stream.indirect.gather [hbm4b:s10+s17], $0x80, s25, s17, $0xb8;
	[tilespmem:$0x10400] =	vst v63  }
0xda: {  	_ = 	snop  }
0xdb: {  	[tilespmem:s5], [sflag:$0x1] =	stream.indirect.gather [hbm4b:s16+s17], $0x80, s25, s17, $0xb8;
	[tilespmem:$0x10400] =	vst v63  }
0xdc: {  	_ =	swait.ge [sflag:s9], $0x2000  }
0xdd: {  	[sflag:s9] =	ssyncset.done $0x0  }
0xde: {  	[sflag:s9] =	ssyncadd.s32 $0xFFFFE000  }
0xdf: {  	_ =	swait.ge [sflag:s9], $0x2000  }
0xe0: {  	[sflag:s9] =	ssyncset.done $0x0  }
0xe1: {  	[sflag:s9] =	ssyncadd.s32 $0xFFFFE000  }
0xe2: {  	_ =	swait.ge [sflag:s9], $0x2000  }
0xe3: {  	[sflag:s9] =	ssyncset.done $0x0  }
0xe4: {  	[sflag:s9] =	ssyncadd.s32 $0xFFFFE000  }
0xe5: {  	_ =	swait.ge [sflag:s9], $0x2000  }
0xe6: {  	[sflag:s9] =	ssyncset.done $0x0  }
0xe7: {  	s18 =	rddreg [dreg:$0x14];
	[sflag:s9] =	ssyncadd.s32 $0xFFFFE000  }
0xe8: {  	[hbm4b:s18+s2] =	stream.linear.scatter [tilespmem:s14], [sflag:$0x2], $0x2000, $0x38;
	[tilespmem:$0x10400] =	vst v63  }
0xe9: {  	s19 =	rddreg [dreg:$0x15]  }
0xea: {  	[hbm4b:s19+s2] =	stream.linear.scatter [tilespmem:s15], [sflag:$0x2], $0x2000, $0x38;
	[tilespmem:$0x10400] =	vst v63  }
0xeb: {  	s18 =	rddreg [dreg:$0x16]  }
0xec: {  	[hbm4b:s18+s2] =	stream.linear.scatter [tilespmem:s11], [sflag:$0x2], $0x2000, $0x38;
	[tilespmem:$0x10400] =	vst v63  }
0xed: {  	s19 =	rddreg [dreg:$0x17]  }
0xee: {  	[hbm4b:s19+s2] =	stream.linear.scatter [tilespmem:s12], [sflag:$0x2], $0x2000, $0x38;
	[tilespmem:$0x10400] =	vst v63  }
0xef: {  	_ =	swait.ge [sflag:s3], $0x2000  }
0xf0: {  	[sflag:s3] =	ssyncset.done $0x0  }
0xf1: {  	[sflag:s3] =	ssyncadd.s32 $0xFFFFE000  }
0xf2: {  	_ =	swait.ge [sflag:s3], $0x2000  }
0xf3: {  	[sflag:s3] =	ssyncset.done $0x0  }
0xf4: {  	[sflag:s3] =	ssyncadd.s32 $0xFFFFE000  }
0xf5: {  	_ =	swait.ge [sflag:s3], $0x2000  }
0xf6: {  	[sflag:s3] =	ssyncset.done $0x0  }
0xf7: {  	[sflag:s3] =	ssyncadd.s32 $0xFFFFE000  }
0xf8: {  	_ =	swait.ge [sflag:s3], $0x2000  }
0xf9: {  	[sflag:s3] =	ssyncset.done $0x0  }
0xfa: {  	[sflag:s3] =	ssyncadd.s32 $0xFFFFE000  }
0xfb: {  	[tilespmem:s14], [sflag:$0x1] =	stream.indirect.gather [hbm4b:s8+s17], $0x80, s24, s17, $0xb8;
	[tilespmem:$0x10400] =	vst v63  }
0xfc: {  	_ = 	snop  }
0xfd: {  	[tilespmem:s11], [sflag:$0x1] =	stream.indirect.gather [hbm4b:s13+s17], $0x80, s24, s17, $0xb8;
	[tilespmem:$0x10400] =	vst v63  }
0xfe: {  	_ = 	snop  }
0xff: {  	[tilespmem:s15], [sflag:$0x1] =	stream.indirect.gather [hbm4b:s10+s17], $0x80, s23, s17, $0xb8;
	[tilespmem:$0x10400] =	vst v63  }
0x100: {  	_ = 	snop  }
0x101: {  	[tilespmem:s12], [sflag:$0x1] =	stream.indirect.gather [hbm4b:s16+s17], $0x80, s23, s17, $0xb8;
	[tilespmem:$0x10400] =	vst v63  }
0x102: {  	_ =	swait.ge [sflag:s9], $0x2000  }
0x103: {  	[sflag:s9] =	ssyncset.done $0x0  }
0x104: {  	[sflag:s9] =	ssyncadd.s32 $0xFFFFE000  }
0x105: {  	_ =	swait.ge [sflag:s9], $0x2000  }
0x106: {  	[sflag:s9] =	ssyncset.done $0x0  }
0x107: {  	[sflag:s9] =	ssyncadd.s32 $0xFFFFE000  }
0x108: {  	_ =	swait.ge [sflag:s9], $0x2000  }
0x109: {  	[sflag:s9] =	ssyncset.done $0x0  }
0x10a: {  	[sflag:s9] =	ssyncadd.s32 $0xFFFFE000  }
0x10b: {  	_ =	swait.ge [sflag:s9], $0x2000  }
0x10c: {  	[sflag:s9] =	ssyncset.done $0x0  }
0x10d: {  	s18 =	rddreg [dreg:$0x18];
	[sflag:s9] =	ssyncadd.s32 $0xFFFFE000  }
0x10e: {  	[hbm4b:s18+s2] =	stream.linear.scatter [tilespmem:s6], [sflag:$0x2], $0x2000, $0x38;
	[tilespmem:$0x10400] =	vst v63  }
0x10f: {  	s19 =	rddreg [dreg:$0x19]  }
0x110: {  	[hbm4b:s19+s2] =	stream.linear.scatter [tilespmem:s7], [sflag:$0x2], $0x2000, $0x38;
	[tilespmem:$0x10400] =	vst v63  }
0x111: {  	s18 =	rddreg [dreg:$0x1a]  }
0x112: {  	[hbm4b:s18+s2] =	stream.linear.scatter [tilespmem:s4], [sflag:$0x2], $0x2000, $0x38;
	[tilespmem:$0x10400] =	vst v63  }
0x113: {  	s19 =	rddreg [dreg:$0x1b]  }
0x114: {  	[hbm4b:s19+s2] =	stream.linear.scatter [tilespmem:s5], [sflag:$0x2], $0x2000, $0x38;
	[tilespmem:$0x10400] =	vst v63  }
0x115: {  	_ =	swait.ge [sflag:s3], $0x2000  }
0x116: {  	[sflag:s3] =	ssyncset.done $0x0  }
0x117: {  	[sflag:s3] =	ssyncadd.s32 $0xFFFFE000  }
0x118: {  	_ =	swait.ge [sflag:s3], $0x2000  }
0x119: {  	[sflag:s3] =	ssyncset.done $0x0  }
0x11a: {  	[sflag:s3] =	ssyncadd.s32 $0xFFFFE000  }
0x11b: {  	_ =	swait.ge [sflag:s3], $0x2000  }
0x11c: {  	[sflag:s3] =	ssyncset.done $0x0  }
0x11d: {  	[sflag:s3] =	ssyncadd.s32 $0xFFFFE000  }
0x11e: {  	_ =	swait.ge [sflag:s3], $0x2000  }
0x11f: {  	[sflag:s3] =	ssyncset.done $0x0  }
0x120: {  	[sflag:s3] =	ssyncadd.s32 $0xFFFFE000  }
0x121: {  	[tilespmem:s6], [sflag:$0x1] =	stream.indirect.gather [hbm4b:s8+s17], $0x80, s22, s17, $0xb8;
	[tilespmem:$0x10400] =	vst v63  }
0x122: {  	_ = 	snop  }
0x123: {  	[tilespmem:s4], [sflag:$0x1] =	stream.indirect.gather [hbm4b:s13+s17], $0x80, s22, s17, $0xb8;
	[tilespmem:$0x10400] =	vst v63  }
0x124: {  	_ = 	snop  }
0x125: {  	[tilespmem:s7], [sflag:$0x1] =	stream.indirect.gather [hbm4b:s10+s17], $0x80, s21, s17, $0xb8;
	[tilespmem:$0x10400] =	vst v63  }
0x126: {  	_ = 	snop  }
0x127: {  	[tilespmem:s5], [sflag:$0x1] =	stream.indirect.gather [hbm4b:s16+s17], $0x80, s21, s17, $0xb8;
	[tilespmem:$0x10400] =	vst v63  }
0x128: {  	_ =	swait.ge [sflag:s9], $0x2000  }
0x129: {  	[sflag:s9] =	ssyncset.done $0x0  }
0x12a: {  	[sflag:s9] =	ssyncadd.s32 $0xFFFFE000  }
0x12b: {  	_ =	swait.ge [sflag:s9], $0x2000  }
0x12c: {  	[sflag:s9] =	ssyncset.done $0x0  }
0x12d: {  	[sflag:s9] =	ssyncadd.s32 $0xFFFFE000  }
0x12e: {  	_ =	swait.ge [sflag:s9], $0x2000  }
0x12f: {  	[sflag:s9] =	ssyncset.done $0x0  }
0x130: {  	[sflag:s9] =	ssyncadd.s32 $0xFFFFE000  }
0x131: {  	_ =	swait.ge [sflag:s9], $0x2000  }
0x132: {  	[sflag:s9] =	ssyncset.done $0x0  }
0x133: {  	s18 =	rddreg [dreg:$0x1c];
	[sflag:s9] =	ssyncadd.s32 $0xFFFFE000  }
0x134: {  	[hbm4b:s18+s2] =	stream.linear.scatter [tilespmem:s14], [sflag:$0x2], $0x2000, $0x38;
	[tilespmem:$0x10400] =	vst v63  }
0x135: {  	s19 =	rddreg [dreg:$0x1d]  }
0x136: {  	[hbm4b:s19+s2] =	stream.linear.scatter [tilespmem:s15], [sflag:$0x2], $0x2000, $0x38;
	[tilespmem:$0x10400] =	vst v63  }
0x137: {  	s18 =	rddreg [dreg:$0x1e]  }
0x138: {  	[hbm4b:s18+s2] =	stream.linear.scatter [tilespmem:s11], [sflag:$0x2], $0x2000, $0x38;
	[tilespmem:$0x10400] =	vst v63  }
0x139: {  	s19 =	rddreg [dreg:$0x1f]  }
0x13a: {  	[hbm4b:s19+s2] =	stream.linear.scatter [tilespmem:s12], [sflag:$0x2], $0x2000, $0x38;
	[tilespmem:$0x10400] =	vst v63  }
0x13b: {  	_ =	swait.ge [sflag:s9], $0x2000  }
0x13c: {  	[sflag:s9] =	ssyncset.done $0x0  }
0x13d: {  	[sflag:s9] =	ssyncadd.s32 $0xFFFFE000  }
0x13e: {  	_ =	swait.ge [sflag:s9], $0x2000  }
0x13f: {  	[sflag:s9] =	ssyncset.done $0x0  }
0x140: {  	[sflag:s9] =	ssyncadd.s32 $0xFFFFE000  }
0x141: {  	_ =	swait.ge [sflag:s9], $0x2000  }
0x142: {  	[sflag:s9] =	ssyncset.done $0x0  }
0x143: {  	[sflag:s9] =	ssyncadd.s32 $0xFFFFE000  }
0x144: {  	_ =	swait.ge [sflag:s9], $0x2000  }
0x145: {  	s18 =	sld [smem:$0x7FA]  }
0x146: {  	[sflag:s9] =	ssyncset.done $0x0  }
0x147: {  	s19 =	sld [smem:$0x7FB];
	[sflag:s9] =	ssyncadd.s32 $0xFFFFE000  }
0x148: {  	[hbm4b:s18+s2] =	stream.linear.scatter [tilespmem:s6], [sflag:$0x2], $0x2000, $0x38;
	[tilespmem:$0x10400] =	vst v63  }
0x149: {  	s18 =	sld [smem:$0x7FC]  }
0x14a: {  	[hbm4b:s19+s2] =	stream.linear.scatter [tilespmem:s7], [sflag:$0x2], $0x2000, $0x38;
	[tilespmem:$0x10400] =	vst v63  }
0x14b: {  	s19 =	sld [smem:$0x7FD]  }
0x14c: {  	[hbm4b:s18+s2] =	stream.linear.scatter [tilespmem:s4], [sflag:$0x2], $0x2000, $0x38;
	[tilespmem:$0x10400] =	vst v63  }
0x14d: {  	_ = 	snop  }
0x14e: {  	[hbm4b:s19+s2] =	stream.linear.scatter [tilespmem:s5], [sflag:$0x2], $0x2000, $0x38;
	[tilespmem:$0x10400] =	vst v63  }
0x14f: {  	_ =	swait.ge [sflag:s3], $0x2000  }
0x150: {  	[sflag:s3] =	ssyncset.done $0x0  }
0x151: {  	[sflag:s3] =	ssyncadd.s32 $0xFFFFE000  }
0x152: {  	_ =	swait.ge [sflag:s3], $0x2000  }
0x153: {  	[sflag:s3] =	ssyncset.done $0x0  }
0x154: {  	[sflag:s3] =	ssyncadd.s32 $0xFFFFE000  }
0x155: {  	_ =	swait.ge [sflag:s3], $0x2000  }
0x156: {  	[sflag:s3] =	ssyncset.done $0x0  }
0x157: {  	[sflag:s3] =	ssyncadd.s32 $0xFFFFE000  }
0x158: {  	_ =	swait.ge [sflag:s3], $0x2000  }
0x159: {  	[sflag:s3] =	ssyncset.done $0x0  }
0x15a: {  	[sflag:s3] =	ssyncadd.s32 $0xFFFFE000  }
0x15b: {  	_ =	swait.ge [sflag:s3], $0x2000  }
0x15c: {  	[sflag:s3] =	ssyncset.done $0x0  }
0x15d: {  	[sflag:s3] =	ssyncadd.s32 $0xFFFFE000  }
0x15e: {  	_ =	swait.ge [sflag:s3], $0x2000  }
0x15f: {  	[sflag:s3] =	ssyncset.done $0x0  }
0x160: {  	p1 =	sne.s32 s20, $0x1;
	[sflag:s3] =	ssyncadd.s32 $0xFFFFE000  }
.Ltmp1:
0x161: {  	_ =	swait.ge [sflag:s3], $0x2000;
	(pc) =	sbr.rel @!p1 .LBB2_2-.Ltmp1, $4  }
0x162: {  	[sflag:s3] =	ssyncset.done $0x0  }
0x163: {  	[sflag:s3] =	ssyncadd.s32 $0xFFFFE000  }
0x164: {  	p0 =	por $0x1, $0x1;
	_ =	swait.ge [sflag:s3], $0x2000  }
0x165: {  	s18 =	sadd.s32 $0xFFFFFFFF, s20;
	s19 =	rddreg [dreg:$0x2];
	[sflag:s3] =	ssyncset.done $0x0  }
.LBB2_3:
0x166: {  	[sflag:s3] =	ssyncadd.s32 $0xFFFFE000  }
0x167: {  	[tilespmem:s2], [sflag:$0x3] =	stream.linear.gather [hbm4b:s19+s2], $0x200, $0x38;
	[tilespmem:$0x10400] =	vst v63  }
0x168: {  	_ =	swait.ge [sflag:s1], $0x200  }
0x169: {  	[sflag:s1] =	ssyncset.done $0x0  }
0x16a: {  	s20 =	rddreg [dreg:$0x3];
	[sflag:s1] =	ssyncadd.s32 $0xFFFFFE00  }
0x16b: {  	[tilespmem:s31], [sflag:$0x3] =	stream.linear.gather [hbm4b:s20+s2], $0x200, $0x38;
	[tilespmem:$0x10400] =	vst v63  }
0x16c: {  	_ =	swait.ge [sflag:s1], $0x200  }
0x16d: {  	[sflag:s1] =	ssyncset.done $0x0  }
0x16e: {  	[sflag:s1] =	ssyncadd.s32 $0xFFFFFE00  }
0x16f: {  	[tilespmem:s14], [sflag:$0x1] =	stream.indirect.gather [hbm4b:s8+s17], $0x80, s2, s17, $0xb8;
	[tilespmem:$0x10400] =	vst v63  }
0x170: {  	_ = 	snop  }
0x171: {  	[tilespmem:s11], [sflag:$0x1] =	stream.indirect.gather [hbm4b:s13+s17], $0x80, s2, s17, $0xb8;
	[tilespmem:$0x10400] =	vst v63  }
0x172: {  	_ = 	snop  }
0x173: {  	[tilespmem:s15], [sflag:$0x1] =	stream.indirect.gather [hbm4b:s10+s17], $0x80, s31, s17, $0xb8;
	[tilespmem:$0x10400] =	vst v63  }
0x174: {  	_ = 	snop  }
0x175: {  	[tilespmem:s12], [sflag:$0x1] =	stream.indirect.gather [hbm4b:s16+s17], $0x80, s31, s17, $0xb8;
	[tilespmem:$0x10400] =	vst v63  }
0x176: {  	_ = 	snop  }
0x177: {  	[tilespmem:s6], [sflag:$0x1] =	stream.indirect.gather [hbm4b:s8+s17], $0x80, s17, s17, $0xb8;
	[tilespmem:$0x10400] =	vst v63  }
0x178: {  	_ = 	snop  }
0x179: {  	[tilespmem:s4], [sflag:$0x1] =	stream.indirect.gather [hbm4b:s13+s17], $0x80, s17, s17, $0xb8;
	[tilespmem:$0x10400] =	vst v63  }
0x17a: {  	s20 =	simm.s32 $0x240  }
0x17b: {  	[tilespmem:s7], [sflag:$0x1] =	stream.indirect.gather [hbm4b:s10+s17], $0x80, s20, s17, $0xb8;
	[tilespmem:$0x10400] =	vst v63  }
0x17c: {  	_ = 	snop  }
0x17d: {  	[tilespmem:s5], [sflag:$0x1] =	stream.indirect.gather [hbm4b:s16+s17], $0x80, s20, s17, $0xb8;
	[tilespmem:$0x10400] =	vst v63  }
0x17e: {  	_ =	swait.ge [sflag:s9], $0x2000  }
0x17f: {  	[sflag:s9] =	ssyncset.done $0x0  }
0x180: {  	[sflag:s9] =	ssyncadd.s32 $0xFFFFE000  }
0x181: {  	_ =	swait.ge [sflag:s9], $0x2000  }
0x182: {  	[sflag:s9] =	ssyncset.done $0x0  }
0x183: {  	[sflag:s9] =	ssyncadd.s32 $0xFFFFE000  }
0x184: {  	_ =	swait.ge [sflag:s9], $0x2000  }
0x185: {  	[sflag:s9] =	ssyncset.done $0x0  }
0x186: {  	[sflag:s9] =	ssyncadd.s32 $0xFFFFE000  }
0x187: {  	_ =	swait.ge [sflag:s9], $0x2000  }
0x188: {  	[sflag:s9] =	ssyncset.done $0x0  }
0x189: {  	s19 =	rddreg [dreg:$0x4];
	[sflag:s9] =	ssyncadd.s32 $0xFFFFE000  }
0x18a: {  	[hbm4b:s19+s2] =	stream.linear.scatter [tilespmem:s14], [sflag:$0x2], $0x2000, $0x38;
	[tilespmem:$0x10400] =	vst v63  }
0x18b: {  	s20 =	rddreg [dreg:$0x5]  }
0x18c: {  	[hbm4b:s20+s2] =	stream.linear.scatter [tilespmem:s15], [sflag:$0x2], $0x2000, $0x38;
	[tilespmem:$0x10400] =	vst v63  }
0x18d: {  	s19 =	rddreg [dreg:$0x6]  }
0x18e: {  	[hbm4b:s19+s2] =	stream.linear.scatter [tilespmem:s11], [sflag:$0x2], $0x2000, $0x38;
	[tilespmem:$0x10400] =	vst v63  }
0x18f: {  	s20 =	rddreg [dreg:$0x7]  }
0x190: {  	[hbm4b:s20+s2] =	stream.linear.scatter [tilespmem:s12], [sflag:$0x2], $0x2000, $0x38;
	[tilespmem:$0x10400] =	vst v63  }
0x191: {  	_ =	swait.ge [sflag:s3], $0x2000  }
0x192: {  	[sflag:s3] =	ssyncset.done $0x0  }
0x193: {  	[sflag:s3] =	ssyncadd.s32 $0xFFFFE000  }
0x194: {  	_ =	swait.ge [sflag:s3], $0x2000  }
0x195: {  	[sflag:s3] =	ssyncset.done $0x0  }
0x196: {  	[sflag:s3] =	ssyncadd.s32 $0xFFFFE000  }
0x197: {  	_ =	swait.ge [sflag:s3], $0x2000  }
0x198: {  	[sflag:s3] =	ssyncset.done $0x0  }
0x199: {  	[sflag:s3] =	ssyncadd.s32 $0xFFFFE000  }
0x19a: {  	_ =	swait.ge [sflag:s3], $0x2000  }
0x19b: {  	[sflag:s3] =	ssyncset.done $0x0  }
0x19c: {  	s20 =	simm.s32 $0x80;
	[sflag:s3] =	ssyncadd.s32 $0xFFFFE000  }
0x19d: {  	[tilespmem:s14], [sflag:$0x1] =	stream.indirect.gather [hbm4b:s8+s17], $0x80, s20, s17, $0xb8;
	[tilespmem:$0x10400] =	vst v63  }
0x19e: {  	_ = 	snop  }
0x19f: {  	[tilespmem:s11], [sflag:$0x1] =	stream.indirect.gather [hbm4b:s13+s17], $0x80, s20, s17, $0xb8;
	[tilespmem:$0x10400] =	vst v63  }
0x1a0: {  	s20 =	simm.s32 $0x280  }
0x1a1: {  	[tilespmem:s15], [sflag:$0x1] =	stream.indirect.gather [hbm4b:s10+s17], $0x80, s20, s17, $0xb8;
	[tilespmem:$0x10400] =	vst v63  }
0x1a2: {  	_ = 	snop  }
0x1a3: {  	[tilespmem:s12], [sflag:$0x1] =	stream.indirect.gather [hbm4b:s16+s17], $0x80, s20, s17, $0xb8;
	[tilespmem:$0x10400] =	vst v63  }
0x1a4: {  	_ =	swait.ge [sflag:s9], $0x2000  }
0x1a5: {  	[sflag:s9] =	ssyncset.done $0x0  }
0x1a6: {  	[sflag:s9] =	ssyncadd.s32 $0xFFFFE000  }
0x1a7: {  	_ =	swait.ge [sflag:s9], $0x2000  }
0x1a8: {  	[sflag:s9] =	ssyncset.done $0x0  }
0x1a9: {  	[sflag:s9] =	ssyncadd.s32 $0xFFFFE000  }
0x1aa: {  	_ =	swait.ge [sflag:s9], $0x2000  }
0x1ab: {  	[sflag:s9] =	ssyncset.done $0x0  }
0x1ac: {  	[sflag:s9] =	ssyncadd.s32 $0xFFFFE000  }
0x1ad: {  	_ =	swait.ge [sflag:s9], $0x2000  }
0x1ae: {  	[sflag:s9] =	ssyncset.done $0x0  }
0x1af: {  	s19 =	rddreg [dreg:$0x8];
	[sflag:s9] =	ssyncadd.s32 $0xFFFFE000  }
0x1b0: {  	[hbm4b:s19+s2] =	stream.linear.scatter [tilespmem:s6], [sflag:$0x2], $0x2000, $0x38;
	[tilespmem:$0x10400] =	vst v63  }
0x1b1: {  	s20 =	rddreg [dreg:$0x9]  }
0x1b2: {  	[hbm4b:s20+s2] =	stream.linear.scatter [tilespmem:s7], [sflag:$0x2], $0x2000, $0x38;
	[tilespmem:$0x10400] =	vst v63  }
0x1b3: {  	s19 =	rddreg [dreg:$0xa]  }
0x1b4: {  	[hbm4b:s19+s2] =	stream.linear.scatter [tilespmem:s4], [sflag:$0x2], $0x2000, $0x38;
	[tilespmem:$0x10400] =	vst v63  }
0x1b5: {  	s20 =	rddreg [dreg:$0xb]  }
0x1b6: {  	[hbm4b:s20+s2] =	stream.linear.scatter [tilespmem:s5], [sflag:$0x2], $0x2000, $0x38;
	[tilespmem:$0x10400] =	vst v63  }
0x1b7: {  	_ =	swait.ge [sflag:s3], $0x2000  }
0x1b8: {  	[sflag:s3] =	ssyncset.done $0x0  }
0x1b9: {  	[sflag:s3] =	ssyncadd.s32 $0xFFFFE000  }
0x1ba: {  	_ =	swait.ge [sflag:s3], $0x2000  }
0x1bb: {  	[sflag:s3] =	ssyncset.done $0x0  }
0x1bc: {  	[sflag:s3] =	ssyncadd.s32 $0xFFFFE000  }
0x1bd: {  	_ =	swait.ge [sflag:s3], $0x2000  }
0x1be: {  	[sflag:s3] =	ssyncset.done $0x0  }
0x1bf: {  	[sflag:s3] =	ssyncadd.s32 $0xFFFFE000  }
0x1c0: {  	_ =	swait.ge [sflag:s3], $0x2000  }
0x1c1: {  	[sflag:s3] =	ssyncset.done $0x0  }
0x1c2: {  	[sflag:s3] =	ssyncadd.s32 $0xFFFFE000  }
0x1c3: {  	[tilespmem:s6], [sflag:$0x1] =	stream.indirect.gather [hbm4b:s8+s17], $0x80, s0, s17, $0xb8;
	[tilespmem:$0x10400] =	vst v63  }
0x1c4: {  	_ = 	snop  }
0x1c5: {  	[tilespmem:s4], [sflag:$0x1] =	stream.indirect.gather [hbm4b:s13+s17], $0x80, s0, s17, $0xb8;
	[tilespmem:$0x10400] =	vst v63  }
0x1c6: {  	_ = 	snop  }
0x1c7: {  	[tilespmem:s7], [sflag:$0x1] =	stream.indirect.gather [hbm4b:s10+s17], $0x80, s30, s17, $0xb8;
	[tilespmem:$0x10400] =	vst v63  }
0x1c8: {  	_ = 	snop  }
0x1c9: {  	[tilespmem:s5], [sflag:$0x1] =	stream.indirect.gather [hbm4b:s16+s17], $0x80, s30, s17, $0xb8;
	[tilespmem:$0x10400] =	vst v63  }
0x1ca: {  	_ =	swait.ge [sflag:s9], $0x2000  }
0x1cb: {  	[sflag:s9] =	ssyncset.done $0x0  }
0x1cc: {  	[sflag:s9] =	ssyncadd.s32 $0xFFFFE000  }
0x1cd: {  	_ =	swait.ge [sflag:s9], $0x2000  }
0x1ce: {  	[sflag:s9] =	ssyncset.done $0x0  }
0x1cf: {  	[sflag:s9] =	ssyncadd.s32 $0xFFFFE000  }
0x1d0: {  	_ =	swait.ge [sflag:s9], $0x2000  }
0x1d1: {  	[sflag:s9] =	ssyncset.done $0x0  }
0x1d2: {  	[sflag:s9] =	ssyncadd.s32 $0xFFFFE000  }
0x1d3: {  	_ =	swait.ge [sflag:s9], $0x2000  }
0x1d4: {  	[sflag:s9] =	ssyncset.done $0x0  }
0x1d5: {  	s19 =	rddreg [dreg:$0xc];
	[sflag:s9] =	ssyncadd.s32 $0xFFFFE000  }
0x1d6: {  	[hbm4b:s19+s2] =	stream.linear.scatter [tilespmem:s14], [sflag:$0x2], $0x2000, $0x38;
	[tilespmem:$0x10400] =	vst v63  }
0x1d7: {  	s20 =	rddreg [dreg:$0xd]  }
0x1d8: {  	[hbm4b:s20+s2] =	stream.linear.scatter [tilespmem:s15], [sflag:$0x2], $0x2000, $0x38;
	[tilespmem:$0x10400] =	vst v63  }
0x1d9: {  	s19 =	rddreg [dreg:$0xe]  }
0x1da: {  	[hbm4b:s19+s2] =	stream.linear.scatter [tilespmem:s11], [sflag:$0x2], $0x2000, $0x38;
	[tilespmem:$0x10400] =	vst v63  }
0x1db: {  	s20 =	rddreg [dreg:$0xf]  }
0x1dc: {  	[hbm4b:s20+s2] =	stream.linear.scatter [tilespmem:s12], [sflag:$0x2], $0x2000, $0x38;
	[tilespmem:$0x10400] =	vst v63  }
0x1dd: {  	_ =	swait.ge [sflag:s3], $0x2000  }
0x1de: {  	[sflag:s3] =	ssyncset.done $0x0  }
0x1df: {  	[sflag:s3] =	ssyncadd.s32 $0xFFFFE000  }
0x1e0: {  	_ =	swait.ge [sflag:s3], $0x2000  }
0x1e1: {  	[sflag:s3] =	ssyncset.done $0x0  }
0x1e2: {  	[sflag:s3] =	ssyncadd.s32 $0xFFFFE000  }
0x1e3: {  	_ =	swait.ge [sflag:s3], $0x2000  }
0x1e4: {  	[sflag:s3] =	ssyncset.done $0x0  }
0x1e5: {  	[sflag:s3] =	ssyncadd.s32 $0xFFFFE000  }
0x1e6: {  	_ =	swait.ge [sflag:s3], $0x2000  }
0x1e7: {  	[sflag:s3] =	ssyncset.done $0x0  }
0x1e8: {  	[sflag:s3] =	ssyncadd.s32 $0xFFFFE000  }
0x1e9: {  	[tilespmem:s14], [sflag:$0x1] =	stream.indirect.gather [hbm4b:s8+s17], $0x80, s29, s17, $0xb8;
	[tilespmem:$0x10400] =	vst v63  }
0x1ea: {  	_ = 	snop  }
0x1eb: {  	[tilespmem:s11], [sflag:$0x1] =	stream.indirect.gather [hbm4b:s13+s17], $0x80, s29, s17, $0xb8;
	[tilespmem:$0x10400] =	vst v63  }
0x1ec: {  	_ = 	snop  }
0x1ed: {  	[tilespmem:s15], [sflag:$0x1] =	stream.indirect.gather [hbm4b:s10+s17], $0x80, s28, s17, $0xb8;
	[tilespmem:$0x10400] =	vst v63  }
0x1ee: {  	_ = 	snop  }
0x1ef: {  	[tilespmem:s12], [sflag:$0x1] =	stream.indirect.gather [hbm4b:s16+s17], $0x80, s28, s17, $0xb8;
	[tilespmem:$0x10400] =	vst v63  }
0x1f0: {  	_ =	swait.ge [sflag:s9], $0x2000  }
0x1f1: {  	[sflag:s9] =	ssyncset.done $0x0  }
0x1f2: {  	[sflag:s9] =	ssyncadd.s32 $0xFFFFE000  }
0x1f3: {  	_ =	swait.ge [sflag:s9], $0x2000  }
0x1f4: {  	[sflag:s9] =	ssyncset.done $0x0  }
0x1f5: {  	[sflag:s9] =	ssyncadd.s32 $0xFFFFE000  }
0x1f6: {  	_ =	swait.ge [sflag:s9], $0x2000  }
0x1f7: {  	[sflag:s9] =	ssyncset.done $0x0  }
0x1f8: {  	[sflag:s9] =	ssyncadd.s32 $0xFFFFE000  }
0x1f9: {  	_ =	swait.ge [sflag:s9], $0x2000  }
0x1fa: {  	[sflag:s9] =	ssyncset.done $0x0  }
0x1fb: {  	s19 =	rddreg [dreg:$0x10];
	[sflag:s9] =	ssyncadd.s32 $0xFFFFE000  }
0x1fc: {  	[hbm4b:s19+s2] =	stream.linear.scatter [tilespmem:s6], [sflag:$0x2], $0x2000, $0x38;
	[tilespmem:$0x10400] =	vst v63  }
0x1fd: {  	s20 =	rddreg [dreg:$0x11]  }
0x1fe: {  	[hbm4b:s20+s2] =	stream.linear.scatter [tilespmem:s7], [sflag:$0x2], $0x2000, $0x38;
	[tilespmem:$0x10400] =	vst v63  }
0x1ff: {  	s19 =	rddreg [dreg:$0x12]  }
0x200: {  	[hbm4b:s19+s2] =	stream.linear.scatter [tilespmem:s4], [sflag:$0x2], $0x2000, $0x38;
	[tilespmem:$0x10400] =	vst v63  }
0x201: {  	s20 =	rddreg [dreg:$0x13]  }
0x202: {  	[hbm4b:s20+s2] =	stream.linear.scatter [tilespmem:s5], [sflag:$0x2], $0x2000, $0x38;
	[tilespmem:$0x10400] =	vst v63  }
0x203: {  	_ =	swait.ge [sflag:s3], $0x2000  }
0x204: {  	[sflag:s3] =	ssyncset.done $0x0  }
0x205: {  	[sflag:s3] =	ssyncadd.s32 $0xFFFFE000  }
0x206: {  	_ =	swait.ge [sflag:s3], $0x2000  }
0x207: {  	[sflag:s3] =	ssyncset.done $0x0  }
0x208: {  	[sflag:s3] =	ssyncadd.s32 $0xFFFFE000  }
0x209: {  	_ =	swait.ge [sflag:s3], $0x2000  }
0x20a: {  	[sflag:s3] =	ssyncset.done $0x0  }
0x20b: {  	[sflag:s3] =	ssyncadd.s32 $0xFFFFE000  }
0x20c: {  	_ =	swait.ge [sflag:s3], $0x2000  }
0x20d: {  	[sflag:s3] =	ssyncset.done $0x0  }
0x20e: {  	[sflag:s3] =	ssyncadd.s32 $0xFFFFE000  }
0x20f: {  	[tilespmem:s6], [sflag:$0x1] =	stream.indirect.gather [hbm4b:s8+s17], $0x80, s26, s17, $0xb8;
	[tilespmem:$0x10400] =	vst v63  }
0x210: {  	_ = 	snop  }
0x211: {  	[tilespmem:s4], [sflag:$0x1] =	stream.indirect.gather [hbm4b:s13+s17], $0x80, s26, s17, $0xb8;
	[tilespmem:$0x10400] =	vst v63  }
0x212: {  	_ = 	snop  }
0x213: {  	[tilespmem:s7], [sflag:$0x1] =	stream.indirect.gather [hbm4b:s10+s17], $0x80, s25, s17, $0xb8;
	[tilespmem:$0x10400] =	vst v63  }
0x214: {  	_ = 	snop  }
0x215: {  	[tilespmem:s5], [sflag:$0x1] =	stream.indirect.gather [hbm4b:s16+s17], $0x80, s25, s17, $0xb8;
	[tilespmem:$0x10400] =	vst v63  }
0x216: {  	_ =	swait.ge [sflag:s9], $0x2000  }
0x217: {  	[sflag:s9] =	ssyncset.done $0x0  }
0x218: {  	[sflag:s9] =	ssyncadd.s32 $0xFFFFE000  }
0x219: {  	_ =	swait.ge [sflag:s9], $0x2000  }
0x21a: {  	[sflag:s9] =	ssyncset.done $0x0  }
0x21b: {  	[sflag:s9] =	ssyncadd.s32 $0xFFFFE000  }
0x21c: {  	_ =	swait.ge [sflag:s9], $0x2000  }
0x21d: {  	[sflag:s9] =	ssyncset.done $0x0  }
0x21e: {  	[sflag:s9] =	ssyncadd.s32 $0xFFFFE000  }
0x21f: {  	_ =	swait.ge [sflag:s9], $0x2000  }
0x220: {  	[sflag:s9] =	ssyncset.done $0x0  }
0x221: {  	s19 =	rddreg [dreg:$0x14];
	[sflag:s9] =	ssyncadd.s32 $0xFFFFE000  }
0x222: {  	[hbm4b:s19+s2] =	stream.linear.scatter [tilespmem:s14], [sflag:$0x2], $0x2000, $0x38;
	[tilespmem:$0x10400] =	vst v63  }
0x223: {  	s20 =	rddreg [dreg:$0x15]  }
0x224: {  	[hbm4b:s20+s2] =	stream.linear.scatter [tilespmem:s15], [sflag:$0x2], $0x2000, $0x38;
	[tilespmem:$0x10400] =	vst v63  }
0x225: {  	s19 =	rddreg [dreg:$0x16]  }
0x226: {  	[hbm4b:s19+s2] =	stream.linear.scatter [tilespmem:s11], [sflag:$0x2], $0x2000, $0x38;
	[tilespmem:$0x10400] =	vst v63  }
0x227: {  	s20 =	rddreg [dreg:$0x17]  }
0x228: {  	[hbm4b:s20+s2] =	stream.linear.scatter [tilespmem:s12], [sflag:$0x2], $0x2000, $0x38;
	[tilespmem:$0x10400] =	vst v63  }
0x229: {  	_ =	swait.ge [sflag:s3], $0x2000  }
0x22a: {  	[sflag:s3] =	ssyncset.done $0x0  }
0x22b: {  	[sflag:s3] =	ssyncadd.s32 $0xFFFFE000  }
0x22c: {  	_ =	swait.ge [sflag:s3], $0x2000  }
0x22d: {  	[sflag:s3] =	ssyncset.done $0x0  }
0x22e: {  	[sflag:s3] =	ssyncadd.s32 $0xFFFFE000  }
0x22f: {  	_ =	swait.ge [sflag:s3], $0x2000  }
0x230: {  	[sflag:s3] =	ssyncset.done $0x0  }
0x231: {  	[sflag:s3] =	ssyncadd.s32 $0xFFFFE000  }
0x232: {  	_ =	swait.ge [sflag:s3], $0x2000  }
0x233: {  	[sflag:s3] =	ssyncset.done $0x0  }
0x234: {  	[sflag:s3] =	ssyncadd.s32 $0xFFFFE000  }
0x235: {  	[tilespmem:s14], [sflag:$0x1] =	stream.indirect.gather [hbm4b:s8+s17], $0x80, s24, s17, $0xb8;
	[tilespmem:$0x10400] =	vst v63  }
0x236: {  	_ = 	snop  }
0x237: {  	[tilespmem:s11], [sflag:$0x1] =	stream.indirect.gather [hbm4b:s13+s17], $0x80, s24, s17, $0xb8;
	[tilespmem:$0x10400] =	vst v63  }
0x238: {  	_ = 	snop  }
0x239: {  	[tilespmem:s15], [sflag:$0x1] =	stream.indirect.gather [hbm4b:s10+s17], $0x80, s23, s17, $0xb8;
	[tilespmem:$0x10400] =	vst v63  }
0x23a: {  	_ = 	snop  }
0x23b: {  	[tilespmem:s12], [sflag:$0x1] =	stream.indirect.gather [hbm4b:s16+s17], $0x80, s23, s17, $0xb8;
	[tilespmem:$0x10400] =	vst v63  }
0x23c: {  	_ =	swait.ge [sflag:s9], $0x2000  }
0x23d: {  	[sflag:s9] =	ssyncset.done $0x0  }
0x23e: {  	[sflag:s9] =	ssyncadd.s32 $0xFFFFE000  }
0x23f: {  	_ =	swait.ge [sflag:s9], $0x2000  }
0x240: {  	[sflag:s9] =	ssyncset.done $0x0  }
0x241: {  	[sflag:s9] =	ssyncadd.s32 $0xFFFFE000  }
0x242: {  	_ =	swait.ge [sflag:s9], $0x2000  }
0x243: {  	[sflag:s9] =	ssyncset.done $0x0  }
0x244: {  	[sflag:s9] =	ssyncadd.s32 $0xFFFFE000  }
0x245: {  	_ =	swait.ge [sflag:s9], $0x2000  }
0x246: {  	[sflag:s9] =	ssyncset.done $0x0  }
0x247: {  	s19 =	rddreg [dreg:$0x18];
	[sflag:s9] =	ssyncadd.s32 $0xFFFFE000  }
0x248: {  	[hbm4b:s19+s2] =	stream.linear.scatter [tilespmem:s6], [sflag:$0x2], $0x2000, $0x38;
	[tilespmem:$0x10400] =	vst v63  }
0x249: {  	s20 =	rddreg [dreg:$0x19]  }
0x24a: {  	[hbm4b:s20+s2] =	stream.linear.scatter [tilespmem:s7], [sflag:$0x2], $0x2000, $0x38;
	[tilespmem:$0x10400] =	vst v63  }
0x24b: {  	s19 =	rddreg [dreg:$0x1a]  }
0x24c: {  	[hbm4b:s19+s2] =	stream.linear.scatter [tilespmem:s4], [sflag:$0x2], $0x2000, $0x38;
	[tilespmem:$0x10400] =	vst v63  }
0x24d: {  	s20 =	rddreg [dreg:$0x1b]  }
0x24e: {  	[hbm4b:s20+s2] =	stream.linear.scatter [tilespmem:s5], [sflag:$0x2], $0x2000, $0x38;
	[tilespmem:$0x10400] =	vst v63  }
0x24f: {  	_ =	swait.ge [sflag:s3], $0x2000  }
0x250: {  	[sflag:s3] =	ssyncset.done $0x0  }
0x251: {  	[sflag:s3] =	ssyncadd.s32 $0xFFFFE000  }
0x252: {  	_ =	swait.ge [sflag:s3], $0x2000  }
0x253: {  	[sflag:s3] =	ssyncset.done $0x0  }
0x254: {  	[sflag:s3] =	ssyncadd.s32 $0xFFFFE000  }
0x255: {  	_ =	swait.ge [sflag:s3], $0x2000  }
0x256: {  	[sflag:s3] =	ssyncset.done $0x0  }
0x257: {  	[sflag:s3] =	ssyncadd.s32 $0xFFFFE000  }
0x258: {  	_ =	swait.ge [sflag:s3], $0x2000  }
0x259: {  	[sflag:s3] =	ssyncset.done $0x0  }
0x25a: {  	[sflag:s3] =	ssyncadd.s32 $0xFFFFE000  }
0x25b: {  	[tilespmem:s6], [sflag:$0x1] =	stream.indirect.gather [hbm4b:s8+s17], $0x80, s22, s17, $0xb8;
	[tilespmem:$0x10400] =	vst v63  }
0x25c: {  	_ = 	snop  }
0x25d: {  	[tilespmem:s4], [sflag:$0x1] =	stream.indirect.gather [hbm4b:s13+s17], $0x80, s22, s17, $0xb8;
	[tilespmem:$0x10400] =	vst v63  }
0x25e: {  	_ = 	snop  }
0x25f: {  	[tilespmem:s7], [sflag:$0x1] =	stream.indirect.gather [hbm4b:s10+s17], $0x80, s21, s17, $0xb8;
	[tilespmem:$0x10400] =	vst v63  }
0x260: {  	_ = 	snop  }
0x261: {  	[tilespmem:s5], [sflag:$0x1] =	stream.indirect.gather [hbm4b:s16+s17], $0x80, s21, s17, $0xb8;
	[tilespmem:$0x10400] =	vst v63  }
0x262: {  	_ =	swait.ge [sflag:s9], $0x2000  }
0x263: {  	[sflag:s9] =	ssyncset.done $0x0  }
0x264: {  	[sflag:s9] =	ssyncadd.s32 $0xFFFFE000  }
0x265: {  	_ =	swait.ge [sflag:s9], $0x2000  }
0x266: {  	[sflag:s9] =	ssyncset.done $0x0  }
0x267: {  	[sflag:s9] =	ssyncadd.s32 $0xFFFFE000  }
0x268: {  	_ =	swait.ge [sflag:s9], $0x2000  }
0x269: {  	[sflag:s9] =	ssyncset.done $0x0  }
0x26a: {  	[sflag:s9] =	ssyncadd.s32 $0xFFFFE000  }
0x26b: {  	_ =	swait.ge [sflag:s9], $0x2000  }
0x26c: {  	[sflag:s9] =	ssyncset.done $0x0  }
0x26d: {  	s19 =	rddreg [dreg:$0x1c];
	[sflag:s9] =	ssyncadd.s32 $0xFFFFE000  }
0x26e: {  	[hbm4b:s19+s2] =	stream.linear.scatter [tilespmem:s14], [sflag:$0x2], $0x2000, $0x38;
	[tilespmem:$0x10400] =	vst v63  }
0x26f: {  	s20 =	rddreg [dreg:$0x1d]  }
0x270: {  	[hbm4b:s20+s2] =	stream.linear.scatter [tilespmem:s15], [sflag:$0x2], $0x2000, $0x38;
	[tilespmem:$0x10400] =	vst v63  }
0x271: {  	s19 =	rddreg [dreg:$0x1e]  }
0x272: {  	[hbm4b:s19+s2] =	stream.linear.scatter [tilespmem:s11], [sflag:$0x2], $0x2000, $0x38;
	[tilespmem:$0x10400] =	vst v63  }
0x273: {  	s20 =	rddreg [dreg:$0x1f]  }
0x274: {  	[hbm4b:s20+s2] =	stream.linear.scatter [tilespmem:s12], [sflag:$0x2], $0x2000, $0x38;
	[tilespmem:$0x10400] =	vst v63  }
0x275: {  	_ =	swait.ge [sflag:s9], $0x2000  }
0x276: {  	[sflag:s9] =	ssyncset.done $0x0  }
0x277: {  	[sflag:s9] =	ssyncadd.s32 $0xFFFFE000  }
0x278: {  	_ =	swait.ge [sflag:s9], $0x2000  }
0x279: {  	[sflag:s9] =	ssyncset.done $0x0  }
0x27a: {  	[sflag:s9] =	ssyncadd.s32 $0xFFFFE000  }
0x27b: {  	_ =	swait.ge [sflag:s9], $0x2000  }
0x27c: {  	[sflag:s9] =	ssyncset.done $0x0  }
0x27d: {  	[sflag:s9] =	ssyncadd.s32 $0xFFFFE000  }
0x27e: {  	_ =	swait.ge [sflag:s9], $0x2000  }
0x27f: {  	s19 =	sld [smem:$0x7FA]  }
0x280: {  	[sflag:s9] =	ssyncset.done $0x0  }
0x281: {  	s20 =	sld [smem:$0x7FB];
	[sflag:s9] =	ssyncadd.s32 $0xFFFFE000  }
0x282: {  	[hbm4b:s19+s2] =	stream.linear.scatter [tilespmem:s6], [sflag:$0x2], $0x2000, $0x38;
	[tilespmem:$0x10400] =	vst v63  }
0x283: {  	s19 =	sld [smem:$0x7FC]  }
0x284: {  	[hbm4b:s20+s2] =	stream.linear.scatter [tilespmem:s7], [sflag:$0x2], $0x2000, $0x38;
	[tilespmem:$0x10400] =	vst v63  }
0x285: {  	s20 =	sld [smem:$0x7FD]  }
0x286: {  	[hbm4b:s19+s2] =	stream.linear.scatter [tilespmem:s4], [sflag:$0x2], $0x2000, $0x38;
	[tilespmem:$0x10400] =	vst v63  }
0x287: {  	_ = 	snop  }
0x288: {  	[hbm4b:s20+s2] =	stream.linear.scatter [tilespmem:s5], [sflag:$0x2], $0x2000, $0x38;
	[tilespmem:$0x10400] =	vst v63  }
0x289: {  	_ =	swait.ge [sflag:s3], $0x2000  }
0x28a: {  	[sflag:s3] =	ssyncset.done $0x0  }
0x28b: {  	[sflag:s3] =	ssyncadd.s32 $0xFFFFE000  }
0x28c: {  	_ =	swait.ge [sflag:s3], $0x2000  }
0x28d: {  	[sflag:s3] =	ssyncset.done $0x0  }
0x28e: {  	[sflag:s3] =	ssyncadd.s32 $0xFFFFE000  }
0x28f: {  	_ =	swait.ge [sflag:s3], $0x2000  }
0x290: {  	[sflag:s3] =	ssyncset.done $0x0  }
0x291: {  	[sflag:s3] =	ssyncadd.s32 $0xFFFFE000  }
0x292: {  	_ =	swait.ge [sflag:s3], $0x2000  }
0x293: {  	[sflag:s3] =	ssyncset.done $0x0  }
0x294: {  	[sflag:s3] =	ssyncadd.s32 $0xFFFFE000  }
0x295: {  	_ =	swait.ge [sflag:s3], $0x2000  }
0x296: {  	[sflag:s3] =	ssyncset.done $0x0  }
0x297: {  	[sflag:s3] =	ssyncadd.s32 $0xFFFFE000  }
0x298: {  	_ =	swait.ge [sflag:s3], $0x2000  }
0x299: {  	[sflag:s3] =	ssyncset.done $0x0  }
0x29a: {  	p1 =	sne.s32 s18, $0x1;
	[sflag:s3] =	ssyncadd.s32 $0xFFFFE000  }
.Ltmp2:
0x29b: {  	_ =	swait.ge [sflag:s3], $0x2000;
	(pc) =	sbr.rel @p1 .LBB2_3-.Ltmp2, $4  }
0x29c: {  	[sflag:s3] =	ssyncset.done $0x0  }
0x29d: {  	[sflag:s3] =	ssyncadd.s32 $0xFFFFE000  }
0x29e: {  	_ =	swait.ge [sflag:s3], $0x2000  }
0x29f: {  	s18 =	sadd.s32 $0xFFFFFFFF, s18;
	s19 =	rddreg [dreg:$0x2];
	[sflag:s3] =	ssyncset.done $0x0  }
0x2a0: {  	s20 =	stileid.u32  }
.LBB2_5:
0x2a1: {  	[sflag:s3] =	ssyncadd.s32 @p0 $0xFFFFE000  }
0x2a2: {  	[tilespmem:s2], [sflag:$0x3] =	stream.linear.gather [hbm4b:s19+s2], $0x200, $0x38;
	[tilespmem:$0x10400] =	vst v63  }
0x2a3: {  	_ =	swait.ge [sflag:s1], $0x200  }
0x2a4: {  	[sflag:s1] =	ssyncset.done $0x0  }
0x2a5: {  	s18 =	rddreg [dreg:$0x3];
	[sflag:s1] =	ssyncadd.s32 $0xFFFFFE00  }
0x2a6: {  	[tilespmem:s31], [sflag:$0x3] =	stream.linear.gather [hbm4b:s18+s2], $0x200, $0x38;
	[tilespmem:$0x10400] =	vst v63  }
0x2a7: {  	_ =	swait.ge [sflag:s1], $0x200  }
0x2a8: {  	[sflag:s1] =	ssyncset.done $0x0  }
0x2a9: {  	[sflag:s1] =	ssyncadd.s32 $0xFFFFFE00  }
0x2aa: {  	[tilespmem:s14], [sflag:$0x1] =	stream.indirect.gather [hbm4b:s8+s17], $0x80, s2, s17, $0xb8;
	[tilespmem:$0x10400] =	vst v63  }
0x2ab: {  	_ = 	snop  }
0x2ac: {  	[tilespmem:s11], [sflag:$0x1] =	stream.indirect.gather [hbm4b:s13+s17], $0x80, s2, s17, $0xb8;
	[tilespmem:$0x10400] =	vst v63  }
0x2ad: {  	_ = 	snop  }
0x2ae: {  	[tilespmem:s15], [sflag:$0x1] =	stream.indirect.gather [hbm4b:s10+s17], $0x80, s31, s17, $0xb8;
	[tilespmem:$0x10400] =	vst v63  }
0x2af: {  	_ = 	snop  }
0x2b0: {  	[tilespmem:s12], [sflag:$0x1] =	stream.indirect.gather [hbm4b:s16+s17], $0x80, s31, s17, $0xb8;
	[tilespmem:$0x10400] =	vst v63  }
0x2b1: {  	_ = 	snop  }
0x2b2: {  	[tilespmem:s6], [sflag:$0x1] =	stream.indirect.gather [hbm4b:s8+s17], $0x80, s17, s17, $0xb8;
	[tilespmem:$0x10400] =	vst v63  }
0x2b3: {  	_ = 	snop  }
0x2b4: {  	[tilespmem:s4], [sflag:$0x1] =	stream.indirect.gather [hbm4b:s13+s17], $0x80, s17, s17, $0xb8;
	[tilespmem:$0x10400] =	vst v63  }
0x2b5: {  	s0 =	simm.s32 $0x240  }
0x2b6: {  	[tilespmem:s7], [sflag:$0x1] =	stream.indirect.gather [hbm4b:s10+s17], $0x80, s0, s17, $0xb8;
	[tilespmem:$0x10400] =	vst v63  }
0x2b7: {  	_ = 	snop  }
0x2b8: {  	[tilespmem:s5], [sflag:$0x1] =	stream.indirect.gather [hbm4b:s16+s17], $0x80, s0, s17, $0xb8;
	[tilespmem:$0x10400] =	vst v63  }
0x2b9: {  	_ =	swait.ge [sflag:s9], $0x2000  }
0x2ba: {  	[sflag:s9] =	ssyncset.done $0x0  }
0x2bb: {  	[sflag:s9] =	ssyncadd.s32 $0xFFFFE000  }
0x2bc: {  	_ =	swait.ge [sflag:s9], $0x2000  }
0x2bd: {  	[sflag:s9] =	ssyncset.done $0x0  }
0x2be: {  	[sflag:s9] =	ssyncadd.s32 $0xFFFFE000  }
0x2bf: {  	_ =	swait.ge [sflag:s9], $0x2000  }
0x2c0: {  	[sflag:s9] =	ssyncset.done $0x0  }
0x2c1: {  	[sflag:s9] =	ssyncadd.s32 $0xFFFFE000  }
0x2c2: {  	_ =	swait.ge [sflag:s9], $0x2000  }
0x2c3: {  	[sflag:s9] =	ssyncset.done $0x0  }
0x2c4: {  	s23 =	rddreg [dreg:$0x4];
	[sflag:s9] =	ssyncadd.s32 $0xFFFFE000  }
0x2c5: {  	[hbm4b:s23+s2] =	stream.linear.scatter [tilespmem:s14], [sflag:$0x2], $0x2000, $0x38;
	[tilespmem:$0x10400] =	vst v63  }
0x2c6: {  	s24 =	rddreg [dreg:$0x5]  }
0x2c7: {  	[hbm4b:s24+s2] =	stream.linear.scatter [tilespmem:s15], [sflag:$0x2], $0x2000, $0x38;
	[tilespmem:$0x10400] =	vst v63  }
0x2c8: {  	s25 =	rddreg [dreg:$0x6]  }
0x2c9: {  	[hbm4b:s25+s2] =	stream.linear.scatter [tilespmem:s11], [sflag:$0x2], $0x2000, $0x38;
	[tilespmem:$0x10400] =	vst v63  }
0x2ca: {  	s26 =	rddreg [dreg:$0x7]  }
0x2cb: {  	[hbm4b:s26+s2] =	stream.linear.scatter [tilespmem:s12], [sflag:$0x2], $0x2000, $0x38;
	[tilespmem:$0x10400] =	vst v63  }
0x2cc: {  	_ =	swait.ge [sflag:s3], $0x2000  }
0x2cd: {  	[sflag:s3] =	ssyncset.done $0x0  }
0x2ce: {  	[sflag:s3] =	ssyncadd.s32 $0xFFFFE000  }
0x2cf: {  	_ =	swait.ge [sflag:s3], $0x2000  }
0x2d0: {  	[sflag:s3] =	ssyncset.done $0x0  }
0x2d1: {  	[sflag:s3] =	ssyncadd.s32 $0xFFFFE000  }
0x2d2: {  	_ =	swait.ge [sflag:s3], $0x2000  }
0x2d3: {  	[sflag:s3] =	ssyncset.done $0x0  }
0x2d4: {  	[sflag:s3] =	ssyncadd.s32 $0xFFFFE000  }
0x2d5: {  	_ =	swait.ge [sflag:s3], $0x2000  }
0x2d6: {  	[sflag:s3] =	ssyncset.done $0x0  }
0x2d7: {  	s28 =	simm.s32 $0x80;
	[sflag:s3] =	ssyncadd.s32 $0xFFFFE000  }
0x2d8: {  	[tilespmem:s14], [sflag:$0x1] =	stream.indirect.gather [hbm4b:s8+s17], $0x80, s28, s17, $0xb8;
	[tilespmem:$0x10400] =	vst v63  }
0x2d9: {  	_ = 	snop  }
0x2da: {  	[tilespmem:s11], [sflag:$0x1] =	stream.indirect.gather [hbm4b:s13+s17], $0x80, s28, s17, $0xb8;
	[tilespmem:$0x10400] =	vst v63  }
0x2db: {  	s29 =	simm.s32 $0x280  }
0x2dc: {  	[tilespmem:s15], [sflag:$0x1] =	stream.indirect.gather [hbm4b:s10+s17], $0x80, s29, s17, $0xb8;
	[tilespmem:$0x10400] =	vst v63  }
0x2dd: {  	_ = 	snop  }
0x2de: {  	[tilespmem:s12], [sflag:$0x1] =	stream.indirect.gather [hbm4b:s16+s17], $0x80, s29, s17, $0xb8;
	[tilespmem:$0x10400] =	vst v63  }
0x2df: {  	_ =	swait.ge [sflag:s9], $0x2000  }
0x2e0: {  	[sflag:s9] =	ssyncset.done $0x0  }
0x2e1: {  	[sflag:s9] =	ssyncadd.s32 $0xFFFFE000  }
0x2e2: {  	_ =	swait.ge [sflag:s9], $0x2000  }
0x2e3: {  	[sflag:s9] =	ssyncset.done $0x0  }
0x2e4: {  	[sflag:s9] =	ssyncadd.s32 $0xFFFFE000  }
0x2e5: {  	_ =	swait.ge [sflag:s9], $0x2000  }
0x2e6: {  	[sflag:s9] =	ssyncset.done $0x0  }
0x2e7: {  	[sflag:s9] =	ssyncadd.s32 $0xFFFFE000  }
0x2e8: {  	_ =	swait.ge [sflag:s9], $0x2000  }
0x2e9: {  	[sflag:s9] =	ssyncset.done $0x0  }
0x2ea: {  	s30 =	rddreg [dreg:$0x8];
	[sflag:s9] =	ssyncadd.s32 $0xFFFFE000  }
0x2eb: {  	[hbm4b:s30+s2] =	stream.linear.scatter [tilespmem:s6], [sflag:$0x2], $0x2000, $0x38;
	[tilespmem:$0x10400] =	vst v63  }
0x2ec: {  	s31 =	rddreg [dreg:$0x9]  }
0x2ed: {  	[hbm4b:s31+s2] =	stream.linear.scatter [tilespmem:s7], [sflag:$0x2], $0x2000, $0x38;
	[tilespmem:$0x10400] =	vst v63  }
0x2ee: {  	s18 =	rddreg [dreg:$0xa]  }
0x2ef: {  	[hbm4b:s18+s2] =	stream.linear.scatter [tilespmem:s4], [sflag:$0x2], $0x2000, $0x38;
	[tilespmem:$0x10400] =	vst v63  }
0x2f0: {  	s19 =	rddreg [dreg:$0xb]  }
0x2f1: {  	[hbm4b:s19+s2] =	stream.linear.scatter [tilespmem:s5], [sflag:$0x2], $0x2000, $0x38;
	[tilespmem:$0x10400] =	vst v63  }
0x2f2: {  	_ =	swait.ge [sflag:s3], $0x2000  }
0x2f3: {  	[sflag:s3] =	ssyncset.done $0x0  }
0x2f4: {  	[sflag:s3] =	ssyncadd.s32 $0xFFFFE000  }
0x2f5: {  	_ =	swait.ge [sflag:s3], $0x2000  }
0x2f6: {  	[sflag:s3] =	ssyncset.done $0x0  }
0x2f7: {  	[sflag:s3] =	ssyncadd.s32 $0xFFFFE000  }
0x2f8: {  	_ =	swait.ge [sflag:s3], $0x2000  }
0x2f9: {  	[sflag:s3] =	ssyncset.done $0x0  }
0x2fa: {  	[sflag:s3] =	ssyncadd.s32 $0xFFFFE000  }
0x2fb: {  	_ =	swait.ge [sflag:s3], $0x2000  }
0x2fc: {  	[sflag:s3] =	ssyncset.done $0x0  }
0x2fd: {  	s21 =	simm.s32 $0xC0;
	[sflag:s3] =	ssyncadd.s32 $0xFFFFE000  }
0x2fe: {  	[tilespmem:s6], [sflag:$0x1] =	stream.indirect.gather [hbm4b:s8+s17], $0x80, s21, s17, $0xb8;
	[tilespmem:$0x10400] =	vst v63  }
0x2ff: {  	_ = 	snop  }
0x300: {  	[tilespmem:s4], [sflag:$0x1] =	stream.indirect.gather [hbm4b:s13+s17], $0x80, s21, s17, $0xb8;
	[tilespmem:$0x10400] =	vst v63  }
0x301: {  	s22 =	simm.s32 $0x2C0  }
0x302: {  	[tilespmem:s7], [sflag:$0x1] =	stream.indirect.gather [hbm4b:s10+s17], $0x80, s22, s17, $0xb8;
	[tilespmem:$0x10400] =	vst v63  }
0x303: {  	_ = 	snop  }
0x304: {  	[tilespmem:s5], [sflag:$0x1] =	stream.indirect.gather [hbm4b:s16+s17], $0x80, s22, s17, $0xb8;
	[tilespmem:$0x10400] =	vst v63  }
0x305: {  	_ =	swait.ge [sflag:s9], $0x2000  }
0x306: {  	[sflag:s9] =	ssyncset.done $0x0  }
0x307: {  	[sflag:s9] =	ssyncadd.s32 $0xFFFFE000  }
0x308: {  	_ =	swait.ge [sflag:s9], $0x2000  }
0x309: {  	[sflag:s9] =	ssyncset.done $0x0  }
0x30a: {  	[sflag:s9] =	ssyncadd.s32 $0xFFFFE000  }
0x30b: {  	_ =	swait.ge [sflag:s9], $0x2000  }
0x30c: {  	[sflag:s9] =	ssyncset.done $0x0  }
0x30d: {  	[sflag:s9] =	ssyncadd.s32 $0xFFFFE000  }
0x30e: {  	_ =	swait.ge [sflag:s9], $0x2000  }
0x30f: {  	[sflag:s9] =	ssyncset.done $0x0  }
0x310: {  	s23 =	rddreg [dreg:$0xc];
	[sflag:s9] =	ssyncadd.s32 $0xFFFFE000  }
0x311: {  	[hbm4b:s23+s2] =	stream.linear.scatter [tilespmem:s14], [sflag:$0x2], $0x2000, $0x38;
	[tilespmem:$0x10400] =	vst v63  }
0x312: {  	s24 =	rddreg [dreg:$0xd]  }
0x313: {  	[hbm4b:s24+s2] =	stream.linear.scatter [tilespmem:s15], [sflag:$0x2], $0x2000, $0x38;
	[tilespmem:$0x10400] =	vst v63  }
0x314: {  	s25 =	rddreg [dreg:$0xe]  }
0x315: {  	[hbm4b:s25+s2] =	stream.linear.scatter [tilespmem:s11], [sflag:$0x2], $0x2000, $0x38;
	[tilespmem:$0x10400] =	vst v63  }
0x316: {  	s26 =	rddreg [dreg:$0xf]  }
0x317: {  	[hbm4b:s26+s2] =	stream.linear.scatter [tilespmem:s12], [sflag:$0x2], $0x2000, $0x38;
	[tilespmem:$0x10400] =	vst v63  }
0x318: {  	_ =	swait.ge [sflag:s3], $0x2000  }
0x319: {  	[sflag:s3] =	ssyncset.done $0x0  }
0x31a: {  	[sflag:s3] =	ssyncadd.s32 $0xFFFFE000  }
0x31b: {  	_ =	swait.ge [sflag:s3], $0x2000  }
0x31c: {  	[sflag:s3] =	ssyncset.done $0x0  }
0x31d: {  	[sflag:s3] =	ssyncadd.s32 $0xFFFFE000  }
0x31e: {  	_ =	swait.ge [sflag:s3], $0x2000  }
0x31f: {  	[sflag:s3] =	ssyncset.done $0x0  }
0x320: {  	[sflag:s3] =	ssyncadd.s32 $0xFFFFE000  }
0x321: {  	_ =	swait.ge [sflag:s3], $0x2000  }
0x322: {  	[sflag:s3] =	ssyncset.done $0x0  }
0x323: {  	s28 =	simm.s32 $0x100;
	[sflag:s3] =	ssyncadd.s32 $0xFFFFE000  }
0x324: {  	[tilespmem:s14], [sflag:$0x1] =	stream.indirect.gather [hbm4b:s8+s17], $0x80, s28, s17, $0xb8;
	[tilespmem:$0x10400] =	vst v63  }
0x325: {  	_ = 	snop  }
0x326: {  	[tilespmem:s11], [sflag:$0x1] =	stream.indirect.gather [hbm4b:s13+s17], $0x80, s28, s17, $0xb8;
	[tilespmem:$0x10400] =	vst v63  }
0x327: {  	s29 =	simm.s32 $0x300  }
0x328: {  	[tilespmem:s15], [sflag:$0x1] =	stream.indirect.gather [hbm4b:s10+s17], $0x80, s29, s17, $0xb8;
	[tilespmem:$0x10400] =	vst v63  }
0x329: {  	_ = 	snop  }
0x32a: {  	[tilespmem:s12], [sflag:$0x1] =	stream.indirect.gather [hbm4b:s16+s17], $0x80, s29, s17, $0xb8;
	[tilespmem:$0x10400] =	vst v63  }
0x32b: {  	_ =	swait.ge [sflag:s9], $0x2000  }
0x32c: {  	[sflag:s9] =	ssyncset.done $0x0  }
0x32d: {  	[sflag:s9] =	ssyncadd.s32 $0xFFFFE000  }
0x32e: {  	_ =	swait.ge [sflag:s9], $0x2000  }
0x32f: {  	[sflag:s9] =	ssyncset.done $0x0  }
0x330: {  	[sflag:s9] =	ssyncadd.s32 $0xFFFFE000  }
0x331: {  	_ =	swait.ge [sflag:s9], $0x2000  }
0x332: {  	[sflag:s9] =	ssyncset.done $0x0  }
0x333: {  	[sflag:s9] =	ssyncadd.s32 $0xFFFFE000  }
0x334: {  	_ =	swait.ge [sflag:s9], $0x2000  }
0x335: {  	[sflag:s9] =	ssyncset.done $0x0  }
0x336: {  	s30 =	rddreg [dreg:$0x10];
	[sflag:s9] =	ssyncadd.s32 $0xFFFFE000  }
0x337: {  	[hbm4b:s30+s2] =	stream.linear.scatter [tilespmem:s6], [sflag:$0x2], $0x2000, $0x38;
	[tilespmem:$0x10400] =	vst v63  }
0x338: {  	s31 =	rddreg [dreg:$0x11]  }
0x339: {  	[hbm4b:s31+s2] =	stream.linear.scatter [tilespmem:s7], [sflag:$0x2], $0x2000, $0x38;
	[tilespmem:$0x10400] =	vst v63  }
0x33a: {  	s18 =	rddreg [dreg:$0x12]  }
0x33b: {  	[hbm4b:s18+s2] =	stream.linear.scatter [tilespmem:s4], [sflag:$0x2], $0x2000, $0x38;
	[tilespmem:$0x10400] =	vst v63  }
0x33c: {  	s19 =	rddreg [dreg:$0x13]  }
0x33d: {  	[hbm4b:s19+s2] =	stream.linear.scatter [tilespmem:s5], [sflag:$0x2], $0x2000, $0x38;
	[tilespmem:$0x10400] =	vst v63  }
0x33e: {  	_ =	swait.ge [sflag:s3], $0x2000  }
0x33f: {  	[sflag:s3] =	ssyncset.done $0x0  }
0x340: {  	[sflag:s3] =	ssyncadd.s32 $0xFFFFE000  }
0x341: {  	_ =	swait.ge [sflag:s3], $0x2000  }
0x342: {  	[sflag:s3] =	ssyncset.done $0x0  }
0x343: {  	[sflag:s3] =	ssyncadd.s32 $0xFFFFE000  }
0x344: {  	_ =	swait.ge [sflag:s3], $0x2000  }
0x345: {  	[sflag:s3] =	ssyncset.done $0x0  }
0x346: {  	[sflag:s3] =	ssyncadd.s32 $0xFFFFE000  }
0x347: {  	_ =	swait.ge [sflag:s3], $0x2000  }
0x348: {  	[sflag:s3] =	ssyncset.done $0x0  }
0x349: {  	s21 =	simm.s32 $0x140;
	[sflag:s3] =	ssyncadd.s32 $0xFFFFE000  }
0x34a: {  	[tilespmem:s6], [sflag:$0x1] =	stream.indirect.gather [hbm4b:s8+s17], $0x80, s21, s17, $0xb8;
	[tilespmem:$0x10400] =	vst v63  }
0x34b: {  	_ = 	snop  }
0x34c: {  	[tilespmem:s4], [sflag:$0x1] =	stream.indirect.gather [hbm4b:s13+s17], $0x80, s21, s17, $0xb8;
	[tilespmem:$0x10400] =	vst v63  }
0x34d: {  	s22 =	simm.s32 $0x340  }
0x34e: {  	[tilespmem:s7], [sflag:$0x1] =	stream.indirect.gather [hbm4b:s10+s17], $0x80, s22, s17, $0xb8;
	[tilespmem:$0x10400] =	vst v63  }
0x34f: {  	_ = 	snop  }
0x350: {  	[tilespmem:s5], [sflag:$0x1] =	stream.indirect.gather [hbm4b:s16+s17], $0x80, s22, s17, $0xb8;
	[tilespmem:$0x10400] =	vst v63  }
0x351: {  	_ =	swait.ge [sflag:s9], $0x2000  }
0x352: {  	[sflag:s9] =	ssyncset.done $0x0  }
0x353: {  	[sflag:s9] =	ssyncadd.s32 $0xFFFFE000  }
0x354: {  	_ =	swait.ge [sflag:s9], $0x2000  }
0x355: {  	[sflag:s9] =	ssyncset.done $0x0  }
0x356: {  	[sflag:s9] =	ssyncadd.s32 $0xFFFFE000  }
0x357: {  	_ =	swait.ge [sflag:s9], $0x2000  }
0x358: {  	[sflag:s9] =	ssyncset.done $0x0  }
0x359: {  	[sflag:s9] =	ssyncadd.s32 $0xFFFFE000  }
0x35a: {  	_ =	swait.ge [sflag:s9], $0x2000  }
0x35b: {  	[sflag:s9] =	ssyncset.done $0x0  }
0x35c: {  	s23 =	rddreg [dreg:$0x14];
	[sflag:s9] =	ssyncadd.s32 $0xFFFFE000  }
0x35d: {  	[hbm4b:s23+s2] =	stream.linear.scatter [tilespmem:s14], [sflag:$0x2], $0x2000, $0x38;
	[tilespmem:$0x10400] =	vst v63  }
0x35e: {  	s24 =	rddreg [dreg:$0x15]  }
0x35f: {  	[hbm4b:s24+s2] =	stream.linear.scatter [tilespmem:s15], [sflag:$0x2], $0x2000, $0x38;
	[tilespmem:$0x10400] =	vst v63  }
0x360: {  	s25 =	rddreg [dreg:$0x16]  }
0x361: {  	[hbm4b:s25+s2] =	stream.linear.scatter [tilespmem:s11], [sflag:$0x2], $0x2000, $0x38;
	[tilespmem:$0x10400] =	vst v63  }
0x362: {  	s26 =	rddreg [dreg:$0x17]  }
0x363: {  	[hbm4b:s26+s2] =	stream.linear.scatter [tilespmem:s12], [sflag:$0x2], $0x2000, $0x38;
	[tilespmem:$0x10400] =	vst v63  }
0x364: {  	_ =	swait.ge [sflag:s3], $0x2000  }
0x365: {  	[sflag:s3] =	ssyncset.done $0x0  }
0x366: {  	[sflag:s3] =	ssyncadd.s32 $0xFFFFE000  }
0x367: {  	_ =	swait.ge [sflag:s3], $0x2000  }
0x368: {  	[sflag:s3] =	ssyncset.done $0x0  }
0x369: {  	[sflag:s3] =	ssyncadd.s32 $0xFFFFE000  }
0x36a: {  	_ =	swait.ge [sflag:s3], $0x2000  }
0x36b: {  	[sflag:s3] =	ssyncset.done $0x0  }
0x36c: {  	[sflag:s3] =	ssyncadd.s32 $0xFFFFE000  }
0x36d: {  	_ =	swait.ge [sflag:s3], $0x2000  }
0x36e: {  	[sflag:s3] =	ssyncset.done $0x0  }
0x36f: {  	s28 =	simm.s32 $0x180;
	[sflag:s3] =	ssyncadd.s32 $0xFFFFE000  }
0x370: {  	[tilespmem:s14], [sflag:$0x1] =	stream.indirect.gather [hbm4b:s8+s17], $0x80, s28, s17, $0xb8;
	[tilespmem:$0x10400] =	vst v63  }
0x371: {  	_ = 	snop  }
0x372: {  	[tilespmem:s11], [sflag:$0x1] =	stream.indirect.gather [hbm4b:s13+s17], $0x80, s28, s17, $0xb8;
	[tilespmem:$0x10400] =	vst v63  }
0x373: {  	s29 =	simm.s32 $0x380  }
0x374: {  	[tilespmem:s15], [sflag:$0x1] =	stream.indirect.gather [hbm4b:s10+s17], $0x80, s29, s17, $0xb8;
	[tilespmem:$0x10400] =	vst v63  }
0x375: {  	_ = 	snop  }
0x376: {  	[tilespmem:s12], [sflag:$0x1] =	stream.indirect.gather [hbm4b:s16+s17], $0x80, s29, s17, $0xb8;
	[tilespmem:$0x10400] =	vst v63  }
0x377: {  	_ =	swait.ge [sflag:s9], $0x2000  }
0x378: {  	[sflag:s9] =	ssyncset.done $0x0  }
0x379: {  	[sflag:s9] =	ssyncadd.s32 $0xFFFFE000  }
0x37a: {  	_ =	swait.ge [sflag:s9], $0x2000  }
0x37b: {  	[sflag:s9] =	ssyncset.done $0x0  }
0x37c: {  	[sflag:s9] =	ssyncadd.s32 $0xFFFFE000  }
0x37d: {  	_ =	swait.ge [sflag:s9], $0x2000  }
0x37e: {  	[sflag:s9] =	ssyncset.done $0x0  }
0x37f: {  	[sflag:s9] =	ssyncadd.s32 $0xFFFFE000  }
0x380: {  	_ =	swait.ge [sflag:s9], $0x2000  }
0x381: {  	[sflag:s9] =	ssyncset.done $0x0  }
0x382: {  	s30 =	rddreg [dreg:$0x18];
	[sflag:s9] =	ssyncadd.s32 $0xFFFFE000  }
0x383: {  	[hbm4b:s30+s2] =	stream.linear.scatter [tilespmem:s6], [sflag:$0x2], $0x2000, $0x38;
	[tilespmem:$0x10400] =	vst v63  }
0x384: {  	s31 =	rddreg [dreg:$0x19]  }
0x385: {  	[hbm4b:s31+s2] =	stream.linear.scatter [tilespmem:s7], [sflag:$0x2], $0x2000, $0x38;
	[tilespmem:$0x10400] =	vst v63  }
0x386: {  	s18 =	rddreg [dreg:$0x1a]  }
0x387: {  	[hbm4b:s18+s2] =	stream.linear.scatter [tilespmem:s4], [sflag:$0x2], $0x2000, $0x38;
	[tilespmem:$0x10400] =	vst v63  }
0x388: {  	s19 =	rddreg [dreg:$0x1b]  }
0x389: {  	[hbm4b:s19+s2] =	stream.linear.scatter [tilespmem:s5], [sflag:$0x2], $0x2000, $0x38;
	[tilespmem:$0x10400] =	vst v63  }
0x38a: {  	_ =	swait.ge [sflag:s3], $0x2000  }
0x38b: {  	[sflag:s3] =	ssyncset.done $0x0  }
0x38c: {  	[sflag:s3] =	ssyncadd.s32 $0xFFFFE000  }
0x38d: {  	_ =	swait.ge [sflag:s3], $0x2000  }
0x38e: {  	[sflag:s3] =	ssyncset.done $0x0  }
0x38f: {  	[sflag:s3] =	ssyncadd.s32 $0xFFFFE000  }
0x390: {  	_ =	swait.ge [sflag:s3], $0x2000  }
0x391: {  	[sflag:s3] =	ssyncset.done $0x0  }
0x392: {  	[sflag:s3] =	ssyncadd.s32 $0xFFFFE000  }
0x393: {  	_ =	swait.ge [sflag:s3], $0x2000  }
0x394: {  	[sflag:s3] =	ssyncset.done $0x0  }
0x395: {  	s21 =	simm.s32 $0x1C0;
	[sflag:s3] =	ssyncadd.s32 $0xFFFFE000  }
0x396: {  	[tilespmem:s6], [sflag:$0x1] =	stream.indirect.gather [hbm4b:s8+s17], $0x80, s21, s17, $0xb8;
	[tilespmem:$0x10400] =	vst v63  }
0x397: {  	_ = 	snop  }
0x398: {  	[tilespmem:s4], [sflag:$0x1] =	stream.indirect.gather [hbm4b:s13+s17], $0x80, s21, s17, $0xb8;
	[tilespmem:$0x10400] =	vst v63  }
0x399: {  	s22 =	simm.s32 $0x3C0  }
0x39a: {  	[tilespmem:s7], [sflag:$0x1] =	stream.indirect.gather [hbm4b:s10+s17], $0x80, s22, s17, $0xb8;
	[tilespmem:$0x10400] =	vst v63  }
0x39b: {  	_ = 	snop  }
0x39c: {  	[tilespmem:s5], [sflag:$0x1] =	stream.indirect.gather [hbm4b:s16+s17], $0x80, s22, s17, $0xb8;
	[tilespmem:$0x10400] =	vst v63  }
0x39d: {  	_ =	swait.ge [sflag:s9], $0x2000  }
0x39e: {  	[sflag:s9] =	ssyncset.done $0x0  }
0x39f: {  	[sflag:s9] =	ssyncadd.s32 $0xFFFFE000  }
0x3a0: {  	_ =	swait.ge [sflag:s9], $0x2000  }
0x3a1: {  	[sflag:s9] =	ssyncset.done $0x0  }
0x3a2: {  	[sflag:s9] =	ssyncadd.s32 $0xFFFFE000  }
0x3a3: {  	_ =	swait.ge [sflag:s9], $0x2000  }
0x3a4: {  	[sflag:s9] =	ssyncset.done $0x0  }
0x3a5: {  	[sflag:s9] =	ssyncadd.s32 $0xFFFFE000  }
0x3a6: {  	_ =	swait.ge [sflag:s9], $0x2000  }
0x3a7: {  	[sflag:s9] =	ssyncset.done $0x0  }
0x3a8: {  	s23 =	rddreg [dreg:$0x1c];
	[sflag:s9] =	ssyncadd.s32 $0xFFFFE000  }
0x3a9: {  	[hbm4b:s23+s2] =	stream.linear.scatter [tilespmem:s14], [sflag:$0x2], $0x2000, $0x38;
	[tilespmem:$0x10400] =	vst v63  }
0x3aa: {  	s24 =	rddreg [dreg:$0x1d]  }
0x3ab: {  	[hbm4b:s24+s2] =	stream.linear.scatter [tilespmem:s15], [sflag:$0x2], $0x2000, $0x38;
	[tilespmem:$0x10400] =	vst v63  }
0x3ac: {  	s25 =	rddreg [dreg:$0x1e]  }
0x3ad: {  	[hbm4b:s25+s2] =	stream.linear.scatter [tilespmem:s11], [sflag:$0x2], $0x2000, $0x38;
	[tilespmem:$0x10400] =	vst v63  }
0x3ae: {  	s26 =	rddreg [dreg:$0x1f]  }
0x3af: {  	[hbm4b:s26+s2] =	stream.linear.scatter [tilespmem:s12], [sflag:$0x2], $0x2000, $0x38;
	[tilespmem:$0x10400] =	vst v63  }
0x3b0: {  	_ =	swait.ge [sflag:s9], $0x2000  }
0x3b1: {  	[sflag:s9] =	ssyncset.done $0x0  }
0x3b2: {  	[sflag:s9] =	ssyncadd.s32 $0xFFFFE000  }
0x3b3: {  	_ =	swait.ge [sflag:s9], $0x2000  }
0x3b4: {  	[sflag:s9] =	ssyncset.done $0x0  }
0x3b5: {  	[sflag:s9] =	ssyncadd.s32 $0xFFFFE000  }
0x3b6: {  	_ =	swait.ge [sflag:s9], $0x2000  }
0x3b7: {  	[sflag:s9] =	ssyncset.done $0x0  }
0x3b8: {  	[sflag:s9] =	ssyncadd.s32 $0xFFFFE000  }
0x3b9: {  	_ =	swait.ge [sflag:s9], $0x2000  }
0x3ba: {  	s28 =	sld [smem:$0x7FA]  }
0x3bb: {  	[sflag:s9] =	ssyncset.done $0x0  }
0x3bc: {  	s29 =	sld [smem:$0x7FB];
	[sflag:s9] =	ssyncadd.s32 $0xFFFFE000  }
0x3bd: {  	[hbm4b:s28+s2] =	stream.linear.scatter [tilespmem:s6], [sflag:$0x2], $0x2000, $0x38;
	[tilespmem:$0x10400] =	vst v63  }
0x3be: {  	s30 =	sld [smem:$0x7FC]  }
0x3bf: {  	[hbm4b:s29+s2] =	stream.linear.scatter [tilespmem:s7], [sflag:$0x2], $0x2000, $0x38;
	[tilespmem:$0x10400] =	vst v63  }
0x3c0: {  	s31 =	sld [smem:$0x7FD]  }
0x3c1: {  	[hbm4b:s30+s2] =	stream.linear.scatter [tilespmem:s4], [sflag:$0x2], $0x2000, $0x38;
	[tilespmem:$0x10400] =	vst v63  }
0x3c2: {  	_ = 	snop  }
0x3c3: {  	[hbm4b:s31+s2] =	stream.linear.scatter [tilespmem:s5], [sflag:$0x2], $0x2000, $0x38;
	[tilespmem:$0x10400] =	vst v63  }
0x3c4: {  	_ =	swait.ge [sflag:s3], $0x2000  }
0x3c5: {  	[sflag:s3] =	ssyncset.done $0x0  }
0x3c6: {  	[sflag:s3] =	ssyncadd.s32 $0xFFFFE000  }
0x3c7: {  	_ =	swait.ge [sflag:s3], $0x2000  }
0x3c8: {  	[sflag:s3] =	ssyncset.done $0x0  }
0x3c9: {  	[sflag:s3] =	ssyncadd.s32 $0xFFFFE000  }
0x3ca: {  	_ =	swait.ge [sflag:s3], $0x2000  }
0x3cb: {  	[sflag:s3] =	ssyncset.done $0x0  }
0x3cc: {  	[sflag:s3] =	ssyncadd.s32 $0xFFFFE000  }
0x3cd: {  	_ =	swait.ge [sflag:s3], $0x2000  }
0x3ce: {  	[sflag:s3] =	ssyncset.done $0x0  }
0x3cf: {  	[sflag:s3] =	ssyncadd.s32 $0xFFFFE000  }
0x3d0: {  	_ =	swait.ge [sflag:s3], $0x2000  }
0x3d1: {  	[sflag:s3] =	ssyncset.done $0x0  }
0x3d2: {  	[sflag:s3] =	ssyncadd.s32 $0xFFFFE000  }
0x3d3: {  	_ =	swait.ge [sflag:s3], $0x2000  }
0x3d4: {  	[sflag:s3] =	ssyncset.done $0x0  }
0x3d5: {  	[sflag:s3] =	ssyncadd.s32 $0xFFFFE000  }
0x3d6: {  	_ =	swait.ge [sflag:s3], $0x2000  }
0x3d7: {  	[sflag:s3] =	ssyncset.done $0x0  }
0x3d8: {  	[sflag:s3] =	ssyncadd.s32 $0xFFFFE000  }
0x3d9: {  	_ =	swait.ge [sflag:s3], $0x2000  }
0x3da: {  	[sflag:s3] =	ssyncset.done $0x0  }
0x3db: {  	[sflag:s3] =	ssyncadd.s32 $0xFFFFE000  }
0x3dc: {  	_ =	sfence.sel $0x180000  }
0x3dd: {  	[bflag:$0x0] =	sbarrier.arrive $0xFFFF  }
0x3de: {  	_ =	strace $0x90000047  }
0x3df: {  	[bflag:$0x2] =	sbarrier.arrive $0xFFFF  }
0x3e0: {  	p0 =	sne.s32 s20, $0x0;
	s0 =	rddreg [dreg:$0x1]  }
0x3e1: {  	s0 =	sadd.s32 @!p0 $0x100000, s0  }
0x3e2: {  	[sflag:s0] =	ssyncadd.tile.s32 @!p0 $0x1;
	_ =	shalt  }
.LBB2_2:
.Ltmp3:
0x3e3: {  	(pc) =	sbr.rel .LBB2_5-.Ltmp3, $2  }
0x3e4: {  	_ =	sdelay $0x2  }
0x3e5: {  	s20 =	stileid.u32  }
.Lfunc_end2:
_tile_overlayer_lowered:
.L_overlay_start_2:
0x3e6: {  	(tag) =	ssettag $0x2  }
0x3e7: {  	s0 =	rddreg [dreg:$0x0];
	s2 =	stileid.u32  }
0x3e8: {  	s1 =	rddreg [dreg:$0x1];
	p0 =	sne.s32 s2, $0x0  }
0x3e9: {  	s3 =	rddreg [dreg:$0x2];
	[bflag:$0x3] =	sbarrier.arrive $0xFFFF;
	s2 =	simm.s32 @!p0 $0x1C03  }
0x3ea: {  	[timem:s3], [sflag:s2] =	dma.local @!p0 [hbm:s0], s1  }
0x3eb: {  	s0 =	simm.s32 @!p0 $0x3  }
0x3ec: {  	_ =	swait.ge @!p0 [sflag:s0], s1  }
0x3ed: {  	s1 =	ssub.s32 @!p0 $0x0, s1;
	[sflag:s0] =	ssyncset.done @!p0 $0x0  }
0x3ee: {  	[sflag:s0] =	ssyncadd.s32 @!p0 s1  }
0x3ef: {  	[bflag:$0x3] =	sbarrier.arrive $0xFFFF  }
0x3f0: {  	_ =	shalt  }

</sc_bundles>
